<compile_context>
chip_gen: v7x
topology: tpu7x:2x2x1
jax: 0.10.2.dev20260603
libtpu: 0.0.44.dev20260713+nightly
codegen_flags: <defaults>
</compile_context>

<pallas_src>
import functools

import jax
import jax.numpy as jnp
from jax import lax
from jax.experimental import pallas as pl
from jax.experimental.pallas import tpu as pltpu
from jax.experimental.pallas import tpu_sc as plsc

_EMBED = 64
_NC = 2
_NS = 16
_NW = _NC * _NS
_BT = 128
_NSR = 2
_NSW = 4


def _sc_gather(t5, P, n_h):
    nbt = t5.shape[1]
    net = _EMBED // 8
    mesh = plsc.VectorSubcoreMesh(core_axis_name="c", subcore_axis_name="s")

    @functools.partial(
        pl.kernel,
        mesh=mesh,
        out_type=jax.ShapeDtypeStruct((n_h, net, nbt, 8, _BT), jnp.float32),
        scratch_types=[
            pltpu.VMEM((n_h // 8, 8, _BT), jnp.int32),
            pltpu.VMEM((_NSR, _BT, _EMBED), jnp.float32),
            pltpu.VMEM((_NSW, net, 8, _BT), jnp.float32),
            pltpu.VMEM_SHARED((8192, _EMBED), jnp.float32),
            [pltpu.SemaphoreType.DMA] * _NSR,
            [pltpu.SemaphoreType.DMA] * _NSW,
        ],
        compiler_params=pltpu.CompilerParams(
            use_tc_tiling_on_sc=False, needs_layout_passes=False
        ),
    )
    def k(t_hbm, P_hbm, out_hbm, idx_v, rows_v, tr_v, table_sh, gsems, wsems):
        sid = lax.axis_index("s")
        wid = sid * _NC + lax.axis_index("c")
        shard = 8192 // _NS
        pltpu.sync_copy(
            P_hbm.at[pl.ds(sid * shard, shard)],
            table_sh.at[pl.ds(sid * shard, shard)],
        )
        pltpu.sync_copy(t_hbm.at[:, wid], idx_v)
        plsc.subcore_barrier()

        lane = lax.iota(jnp.int32, 16)
        bvecs = [lane + jnp.int32(g * 16) for g in range(8)]

        def gather_start(h, r):
            pltpu.async_copy(
                table_sh.at[idx_v.at[h // 8, h % 8]], rows_v.at[r], gsems[r]
            )

        def gather_wait(r):
            pltpu.make_async_copy(
                P_hbm.at[pl.ds(0, _BT)], rows_v.at[r], gsems[r]
            ).wait()

        def write_start(h, u):
            pltpu.async_copy(tr_v.at[u], out_hbm.at[h, :, wid], wsems[u])

        def write_wait(u):
            pltpu.make_async_copy(
                tr_v.at[u], out_hbm.at[0, :, wid], wsems[u]
            ).wait()

        def transpose(r, u):
            rows = rows_v.at[r]

            @plsc.parallel_loop(0, _EMBED, unroll=8)
            def _t(e):
                evec = jnp.full((16,), e, jnp.int32)
                et = e // 8
                ei = e % 8
                for g in range(8):
                    v = plsc.load_gather(rows, [bvecs[g], evec])
                    tr_v[u, et, ei, pl.ds(g * 16, 16)] = v

        for r in range(_NSR):
            gather_start(r, r)

        @pl.loop(0, n_h, step=_NSR * 2)
        def _body(h0):
            for b in range(_NSR * 2):
                h = h0 + b
                r = b % _NSR
                u = b % _NSW

                gather_wait(r)

                @pl.when(h >= _NSW)
                def _():
                    write_wait(u)

                transpose(r, u)

                @pl.when(h + _NSR < n_h)
                def _():
                    gather_start(h + _NSR, r)

                write_start(h, u)

        for u in range(_NSW):
            write_wait(u)

    return k(t5, P)


def kernel(t, P):
    B, H = t.shape
    t5 = t.T.reshape(H // 8, 8, B // _BT, _BT).transpose(0, 2, 1, 3)
    o5 = _sc_gather(t5, P, H)
    return o5.transpose(2, 4, 0, 1, 3).reshape(B, H, _EMBED)

# --- scband reference (transcript-rebuilt; emitter-appended) ---
"""Pipeline reference for scband-positional-encoding-35347580846576 (READ-ONLY COPY).

The authoritative reference and input builder live on the scoring server;
editing this copy changes nothing except your own understanding.
"""

import jax, jax.numpy as jnp
import numpy as np

EMBED_DIM = 64
MAX_LEN = 8192
BATCH = 4096
HIST = 200


def _build_table():
    # Faithful to the torch module: build (MAX_LEN+1, EMBED_DIM) then drop row 0.
    n = MAX_LEN + 1
    pos = jnp.arange(n, dtype=jnp.float32)[:, None]
    denom = jnp.power(10000.0, jnp.arange(0, EMBED_DIM, 2, dtype=jnp.float32) / EMBED_DIM)
    freqs = pos / denom
    P = jnp.zeros((n, EMBED_DIM), dtype=jnp.float32)
    P = P.at[:, 0::2].set(jnp.sin(freqs))
    P = P.at[:, 1::2].set(jnp.cos(freqs))
    return P[1:]


def setup_inputs(seed: int = 0) -> dict:
    key = jax.random.key(seed)
    t = jax.random.randint(key, (BATCH, HIST), 0, MAX_LEN, dtype=jnp.int64 if jax.config.jax_enable_x64 else jnp.int32)
    P = _build_table()
    return {"t": t, "P": P}


def reference(t, P):
    # forward: gather rows of the positional table
    return jnp.take(P, t, axis=0)

if __name__ == "__main__":
    import jax
    _d = setup_inputs()
    print(jax.jit(kernel)(*tuple(_d.values())))

</pallas_src>

<mosaic_0001>
#map = affine_map<(d0, d1) -> (0, 0, 0, 0)>
#map1 = affine_map<(d0, d1) -> (0, 0)>
#map2 = affine_map<(d0, d1) -> (0, 0, 0, 0, 0)>
module attributes {stable_mosaic.version = 14 : i64} {
  func.func @k(%arg0: i32, %arg1: i32, %arg2: memref<25x32x8x128xi32, #tpu.memory_space<hbm>>, %arg3: memref<8192x64xf32, #tpu.memory_space<hbm>>, %arg4: memref<200x8x32x8x128xf32, #tpu.memory_space<hbm>>, %arg5: memref<25x8x128xi32, #tpu.memory_space<vmem>>, %arg6: memref<2x128x64xf32, #tpu.memory_space<vmem>>, %arg7: memref<4x8x8x128xf32, #tpu.memory_space<vmem>>, %arg8: memref<8192x64xf32, #tpu.memory_space<vmem_shared>>, %arg9: memref<!tpu.dma_semaphore, #tpu.memory_space<semaphore_mem>>, %arg10: memref<!tpu.dma_semaphore, #tpu.memory_space<semaphore_mem>>, %arg11: memref<!tpu.dma_semaphore, #tpu.memory_space<semaphore_mem>>, %arg12: memref<!tpu.dma_semaphore, #tpu.memory_space<semaphore_mem>>, %arg13: memref<!tpu.dma_semaphore, #tpu.memory_space<semaphore_mem>>, %arg14: memref<!tpu.dma_semaphore, #tpu.memory_space<semaphore_mem>>) attributes {dimension_semantics = [#tpu.dimension_semantics<core_parallel>, #tpu.dimension_semantics<subcore_parallel>], iteration_bounds = array<i64: 2, 16>, scalar_prefetch = 0 : i64, scratch_operands = 10 : i64, tpu.core_type = #tpu.core_type<sc_vector_subcore>, window_params = [{transform_indices = #map}, {transform_indices = #map1}, {transform_indices = #map2}]} {
    %mul3A = arith.constant 2 : i32
    %mul3A_0 = arith.muli %arg1, %mul3A : i32
    %add3A = arith.addi %mul3A_0, %arg0 : i32
    %mul3A_1 = arith.constant 512 : i32
    %mul3A_2 = arith.muli %arg1, %mul3A_1 : i32
    %mul3A_3 = arith.constant 512 : i32
    %mul3A_4 = arith.muli %arg1, %mul3A_3 : i32
    "tpu.region"() ({
      %run_scoped3A = tpu.sem_alloc : memref<!tpu.dma_semaphore, #tpu.memory_space<semaphore_mem>>
      %dma_start3A_145 = arith.constant 0 : i32
      %dma_start3A_146 = tpu.memref_slice %arg8[%mul3A_4, %dma_start3A_145] : memref<8192x64xf32, #tpu.memory_space<vmem_shared>> -> memref<512x64xf32, #tpu.memory_space<vmem_shared>>
      %dma_start3A_147 = arith.constant 0 : i32
      %dma_start3A_148 = tpu.memref_slice %arg3[%mul3A_2, %dma_start3A_147] : memref<8192x64xf32, #tpu.memory_space<hbm>> -> memref<512x64xf32, #tpu.memory_space<hbm>>
      tpu.enqueue_dma source(%dma_start3A_148 : memref<512x64xf32, #tpu.memory_space<hbm>>) target(%dma_start3A_146 : memref<512x64xf32, #tpu.memory_space<vmem_shared>>) target_semaphore(%run_scoped3A : memref<!tpu.dma_semaphore, #tpu.memory_space<semaphore_mem>>)
      %dma_wait3A_149 = arith.constant 0 : i32
      %dma_wait3A_150 = tpu.memref_slice %arg8[%mul3A_4, %dma_wait3A_149] : memref<8192x64xf32, #tpu.memory_space<vmem_shared>> -> memref<512x64xf32, #tpu.memory_space<vmem_shared>>
      %dma_wait3A_151 = arith.constant 0 : i32
      %dma_wait3A_152 = tpu.memref_slice %arg3[%mul3A_2, %dma_wait3A_151] : memref<8192x64xf32, #tpu.memory_space<hbm>> -> memref<512x64xf32, #tpu.memory_space<hbm>>
      tpu.wait_dma2 semaphore(%run_scoped3A : memref<!tpu.dma_semaphore, #tpu.memory_space<semaphore_mem>>) src(%dma_wait3A_152 : memref<512x64xf32, #tpu.memory_space<hbm>>) dst(%dma_wait3A_150 : memref<512x64xf32, #tpu.memory_space<vmem_shared>>)
      tpu.yield
    }) : () -> ()
    "tpu.region"() ({
      %run_scoped3A = tpu.sem_alloc : memref<!tpu.dma_semaphore, #tpu.memory_space<semaphore_mem>>
      %dma_start3A_145 = arith.constant 0 : i32
      %dma_start3A_146 = arith.constant 0 : i32
      %dma_start3A_147 = arith.constant 0 : i32
      %dma_start3A_148 = tpu.memref_slice %arg2[%dma_start3A_145, %add3A, %dma_start3A_146, %dma_start3A_147] : memref<25x32x8x128xi32, #tpu.memory_space<hbm>> -> memref<25x1x8x128xi32, #tpu.memory_space<hbm>>
      %dma_start3A_149 = tpu.memref_squeeze %dma_start3A_148 : memref<25x1x8x128xi32, #tpu.memory_space<hbm>> -> memref<25x8x128xi32, #tpu.memory_space<hbm>>
      %dma_start3A_150 = arith.constant 0 : i32
      %dma_start3A_151 = arith.constant 0 : i32
      %dma_start3A_152 = arith.constant 0 : i32
      %dma_start3A_153 = tpu.memref_slice %arg2[%dma_start3A_150, %add3A, %dma_start3A_151, %dma_start3A_152] : memref<25x32x8x128xi32, #tpu.memory_space<hbm>> -> memref<25x1x8x128xi32, #tpu.memory_space<hbm>>
      %dma_start3A_154 = tpu.memref_squeeze %dma_start3A_153 : memref<25x1x8x128xi32, #tpu.memory_space<hbm>> -> memref<25x8x128xi32, #tpu.memory_space<hbm>>
      tpu.enqueue_dma source(%dma_start3A_154 : memref<25x8x128xi32, #tpu.memory_space<hbm>>) target(%arg5 : memref<25x8x128xi32, #tpu.memory_space<vmem>>) target_semaphore(%run_scoped3A : memref<!tpu.dma_semaphore, #tpu.memory_space<semaphore_mem>>)
      %dma_wait3A_155 = arith.constant 0 : i32
      %dma_wait3A_156 = arith.constant 0 : i32
      %dma_wait3A_157 = arith.constant 0 : i32
      %dma_wait3A_158 = tpu.memref_slice %arg2[%dma_wait3A_155, %add3A, %dma_wait3A_156, %dma_wait3A_157] : memref<25x32x8x128xi32, #tpu.memory_space<hbm>> -> memref<25x1x8x128xi32, #tpu.memory_space<hbm>>
      %dma_wait3A_159 = tpu.memref_squeeze %dma_wait3A_158 : memref<25x1x8x128xi32, #tpu.memory_space<hbm>> -> memref<25x8x128xi32, #tpu.memory_space<hbm>>
      %dma_wait3A_160 = arith.constant 0 : i32
      %dma_wait3A_161 = arith.constant 0 : i32
      %dma_wait3A_162 = arith.constant 0 : i32
      %dma_wait3A_163 = tpu.memref_slice %arg2[%dma_wait3A_160, %add3A, %dma_wait3A_161, %dma_wait3A_162] : memref<25x32x8x128xi32, #tpu.memory_space<hbm>> -> memref<25x1x8x128xi32, #tpu.memory_space<hbm>>
      %dma_wait3A_164 = tpu.memref_squeeze %dma_wait3A_163 : memref<25x1x8x128xi32, #tpu.memory_space<hbm>> -> memref<25x8x128xi32, #tpu.memory_space<hbm>>
      tpu.wait_dma2 semaphore(%run_scoped3A : memref<!tpu.dma_semaphore, #tpu.memory_space<semaphore_mem>>) src(%dma_wait3A_164 : memref<25x8x128xi32, #tpu.memory_space<hbm>>) dst(%arg5 : memref<25x8x128xi32, #tpu.memory_space<vmem>>)
      tpu.yield
    }) : () -> ()
    %barrier3A = arith.constant 0 : index
    tpu.barrier barrier_id(%barrier3A)
    %iota3A = tpu.iota {dimensions = array<i32: 0>} : vector<16xi32>
    %add3A_5 = arith.constant 0 : i32
    %add3A_6 = vector.broadcast %add3A_5 : i32 to vector<16xi32>
    %add3A_7 = arith.addi %iota3A, %add3A_6 : vector<16xi32>
    %add3A_8 = arith.constant 16 : i32
    %add3A_9 = vector.broadcast %add3A_8 : i32 to vector<16xi32>
    %add3A_10 = arith.addi %iota3A, %add3A_9 : vector<16xi32>
    %add3A_11 = arith.constant 32 : i32
    %add3A_12 = vector.broadcast %add3A_11 : i32 to vector<16xi32>
    %add3A_13 = arith.addi %iota3A, %add3A_12 : vector<16xi32>
    %add3A_14 = arith.constant 48 : i32
    %add3A_15 = vector.broadcast %add3A_14 : i32 to vector<16xi32>
    %add3A_16 = arith.addi %iota3A, %add3A_15 : vector<16xi32>
    %add3A_17 = arith.constant 64 : i32
    %add3A_18 = vector.broadcast %add3A_17 : i32 to vector<16xi32>
    %add3A_19 = arith.addi %iota3A, %add3A_18 : vector<16xi32>
    %add3A_20 = arith.constant 80 : i32
    %add3A_21 = vector.broadcast %add3A_20 : i32 to vector<16xi32>
    %add3A_22 = arith.addi %iota3A, %add3A_21 : vector<16xi32>
    %add3A_23 = arith.constant 96 : i32
    %add3A_24 = vector.broadcast %add3A_23 : i32 to vector<16xi32>
    %add3A_25 = arith.addi %iota3A, %add3A_24 : vector<16xi32>
    %add3A_26 = arith.constant 112 : i32
    %add3A_27 = vector.broadcast %add3A_26 : i32 to vector<16xi32>
    %add3A_28 = arith.addi %iota3A, %add3A_27 : vector<16xi32>
    %dma_start3A = arith.constant 0 : i32
    %dma_start3A_29 = arith.constant 0 : i32
    %dma_start3A_30 = arith.constant 0 : i32
    %dma_start3A_31 = arith.constant 0 : i32
    %dma_start3A_32 = arith.constant 0 : i32
    %dma_start3A_33 = tpu.memref_slice %arg6[%dma_start3A_30, %dma_start3A_31, %dma_start3A_32] : memref<2x128x64xf32, #tpu.memory_space<vmem>> -> memref<1x128x64xf32, #tpu.memory_space<vmem>>
    %dma_start3A_34 = tpu.memref_squeeze %dma_start3A_33 : memref<1x128x64xf32, #tpu.memory_space<vmem>> -> memref<128x64xf32, #tpu.memory_space<vmem>>
    %dma_start3A_35 = arith.constant 0 : i32
    %dma_start3A_36 = tpu.memref_slice %arg5[%dma_start3A, %dma_start3A_29, %dma_start3A_35] : memref<25x8x128xi32, #tpu.memory_space<vmem>> -> memref<1x1x128xi32, #tpu.memory_space<vmem>>
    %dma_start3A_37 = tpu.memref_squeeze %dma_start3A_36 : memref<1x1x128xi32, #tpu.memory_space<vmem>> -> memref<128xi32, #tpu.memory_space<vmem>>
    %dma_start3A_38 = arith.constant 0 : i32
    %dma_start3A_39 = arith.constant 0 : i32
    %dma_start3A_40 = tpu.memref_slice %arg8[%dma_start3A_38, %dma_start3A_39] : memref<8192x64xf32, #tpu.memory_space<vmem_shared>> -> memref<8192x64xf32, #tpu.memory_space<vmem_shared>>
    tpu.enqueue_indirect_dma source(%dma_start3A_40 : memref<8192x64xf32, #tpu.memory_space<vmem_shared>>) target(%dma_start3A_34 : memref<128x64xf32, #tpu.memory_space<vmem>>) offsets(%dma_start3A_37 : memref<128xi32, #tpu.memory_space<vmem>>) semaphore(%arg9 : memref<!tpu.dma_semaphore, #tpu.memory_space<semaphore_mem>>)
    %dma_start3A_41 = arith.constant 0 : i32
    %dma_start3A_42 = arith.constant 1 : i32
    %dma_start3A_43 = arith.constant 1 : i32
    %dma_start3A_44 = arith.constant 0 : i32
    %dma_start3A_45 = arith.constant 0 : i32
    %dma_start3A_46 = tpu.memref_slice %arg6[%dma_start3A_43, %dma_start3A_44, %dma_start3A_45] : memref<2x128x64xf32, #tpu.memory_space<vmem>> -> memref<1x128x64xf32, #tpu.memory_space<vmem>>
    %dma_start3A_47 = tpu.memref_squeeze %dma_start3A_46 : memref<1x128x64xf32, #tpu.memory_space<vmem>> -> memref<128x64xf32, #tpu.memory_space<vmem>>
    %dma_start3A_48 = arith.constant 0 : i32
    %dma_start3A_49 = tpu.memref_slice %arg5[%dma_start3A_41, %dma_start3A_42, %dma_start3A_48] : memref<25x8x128xi32, #tpu.memory_space<vmem>> -> memref<1x1x128xi32, #tpu.memory_space<vmem>>
    %dma_start3A_50 = tpu.memref_squeeze %dma_start3A_49 : memref<1x1x128xi32, #tpu.memory_space<vmem>> -> memref<128xi32, #tpu.memory_space<vmem>>
    %dma_start3A_51 = arith.constant 0 : i32
    %dma_start3A_52 = arith.constant 0 : i32
    %dma_start3A_53 = tpu.memref_slice %arg8[%dma_start3A_51, %dma_start3A_52] : memref<8192x64xf32, #tpu.memory_space<vmem_shared>> -> memref<8192x64xf32, #tpu.memory_space<vmem_shared>>
    tpu.enqueue_indirect_dma source(%dma_start3A_53 : memref<8192x64xf32, #tpu.memory_space<vmem_shared>>) target(%dma_start3A_47 : memref<128x64xf32, #tpu.memory_space<vmem>>) offsets(%dma_start3A_50 : memref<128xi32, #tpu.memory_space<vmem>>) semaphore(%arg10 : memref<!tpu.dma_semaphore, #tpu.memory_space<semaphore_mem>>)
    %scan3A = arith.constant 0 : i32
    %scan3A_54 = arith.constant 50 : i32
    %scan3A_55 = arith.addi %scan3A, %scan3A_54 : i32
    %scan3A_56 = arith.constant 1 : i32
    scf.for %scan3A_145 = %scan3A to %scan3A_55 step %scan3A_56  : i32 {
      %mul3A_146 = arith.constant 4 : i32
      %mul3A_147 = arith.muli %scan3A_145, %mul3A_146 : i32
      %add3A_148 = arith.constant 0 : i32
      %add3A_149 = arith.addi %add3A_148, %mul3A_147 : i32
      %add3A_150 = arith.constant 0 : i32
      %add3A_151 = arith.addi %add3A_149, %add3A_150 : i32
      %dma_wait3A_152 = arith.constant 0 : i32
      %dma_wait3A_153 = arith.constant 0 : i32
      %dma_wait3A_154 = arith.constant 0 : i32
      %dma_wait3A_155 = tpu.memref_slice %arg6[%dma_wait3A_152, %dma_wait3A_153, %dma_wait3A_154] : memref<2x128x64xf32, #tpu.memory_space<vmem>> -> memref<1x128x64xf32, #tpu.memory_space<vmem>>
      %dma_wait3A_156 = tpu.memref_squeeze %dma_wait3A_155 : memref<1x128x64xf32, #tpu.memory_space<vmem>> -> memref<128x64xf32, #tpu.memory_space<vmem>>
      %dma_wait3A_157 = arith.constant 0 : i32
      %dma_wait3A_158 = arith.constant 0 : i32
      %dma_wait3A_159 = tpu.memref_slice %arg3[%dma_wait3A_157, %dma_wait3A_158] : memref<8192x64xf32, #tpu.memory_space<hbm>> -> memref<128x64xf32, #tpu.memory_space<hbm>>
      %dma_wait3A_160 = arith.constant 0 : i32
      %dma_wait3A_161 = arith.constant 0 : i32
      %dma_wait3A_162 = tpu.memref_slice %arg6[%dma_wait3A_152, %dma_wait3A_160, %dma_wait3A_161] : memref<2x128x64xf32, #tpu.memory_space<vmem>> -> memref<1x128x64xf32, #tpu.memory_space<vmem>>
      %dma_wait3A_163 = tpu.memref_squeeze %dma_wait3A_162 : memref<1x128x64xf32, #tpu.memory_space<vmem>> -> memref<128x64xf32, #tpu.memory_space<vmem>>
      %dma_wait3A_164 = arith.constant 0 : i32
      %dma_wait3A_165 = arith.constant 0 : i32
      %dma_wait3A_166 = tpu.memref_slice %arg3[%dma_wait3A_164, %dma_wait3A_165] : memref<8192x64xf32, #tpu.memory_space<hbm>> -> memref<128x64xf32, #tpu.memory_space<hbm>>
      tpu.wait_dma2 semaphore(%arg9 : memref<!tpu.dma_semaphore, #tpu.memory_space<semaphore_mem>>) src(%dma_wait3A_166 : memref<128x64xf32, #tpu.memory_space<hbm>>) dst(%dma_wait3A_163 : memref<128x64xf32, #tpu.memory_space<vmem>>)
      %ge3A = arith.constant 4 : i32
      %ge3A_167 = arith.cmpi sge, %add3A_151, %ge3A : i32
      %convert_element_type3A = arith.extui %ge3A_167 : i1 to i32
      %cond3A = arith.constant 0 : i32
      %cond3A_168 = arith.cmpi ne, %convert_element_type3A, %cond3A : i32
      scf.if %cond3A_168 {
        %dma_wait3A_361 = arith.constant 0 : i32
        %dma_wait3A_362 = arith.constant 0 : i32
        %dma_wait3A_363 = arith.constant 0 : i32
        %dma_wait3A_364 = arith.constant 0 : i32
        %dma_wait3A_365 = arith.constant 0 : i32
        %dma_wait3A_366 = tpu.memref_slice %arg7[%dma_wait3A_361, %dma_wait3A_363, %dma_wait3A_364, %dma_wait3A_365] : memref<4x8x8x128xf32, #tpu.memory_space<vmem>> -> memref<1x8x8x128xf32, #tpu.memory_space<vmem>>
        %dma_wait3A_367 = tpu.memref_squeeze %dma_wait3A_366 : memref<1x8x8x128xf32, #tpu.memory_space<vmem>> -> memref<8x8x128xf32, #tpu.memory_space<vmem>>
        %dma_wait3A_368 = arith.constant 0 : i32
        %dma_wait3A_369 = arith.constant 0 : i32
        %dma_wait3A_370 = arith.constant 0 : i32
        %dma_wait3A_371 = tpu.memref_slice %arg4[%dma_wait3A_362, %dma_wait3A_368, %add3A, %dma_wait3A_369, %dma_wait3A_370] : memref<200x8x32x8x128xf32, #tpu.memory_space<hbm>> -> memref<1x8x1x8x128xf32, #tpu.memory_space<hbm>>
        %dma_wait3A_372 = tpu.memref_squeeze %dma_wait3A_371 : memref<1x8x1x8x128xf32, #tpu.memory_space<hbm>> -> memref<8x8x128xf32, #tpu.memory_space<hbm>>
        %dma_wait3A_373 = arith.constant 0 : i32
        %dma_wait3A_374 = arith.constant 0 : i32
        %dma_wait3A_375 = arith.constant 0 : i32
        %dma_wait3A_376 = tpu.memref_slice %arg4[%dma_wait3A_362, %dma_wait3A_373, %add3A, %dma_wait3A_374, %dma_wait3A_375] : memref<200x8x32x8x128xf32, #tpu.memory_space<hbm>> -> memref<1x8x1x8x128xf32, #tpu.memory_space<hbm>>
        %dma_wait3A_377 = tpu.memref_squeeze %dma_wait3A_376 : memref<1x8x1x8x128xf32, #tpu.memory_space<hbm>> -> memref<8x8x128xf32, #tpu.memory_space<hbm>>
        %dma_wait3A_378 = arith.constant 0 : i32
        %dma_wait3A_379 = arith.constant 0 : i32
        %dma_wait3A_380 = arith.constant 0 : i32
        %dma_wait3A_381 = tpu.memref_slice %arg7[%dma_wait3A_361, %dma_wait3A_378, %dma_wait3A_379, %dma_wait3A_380] : memref<4x8x8x128xf32, #tpu.memory_space<vmem>> -> memref<1x8x8x128xf32, #tpu.memory_space<vmem>>
        %dma_wait3A_382 = tpu.memref_squeeze %dma_wait3A_381 : memref<1x8x8x128xf32, #tpu.memory_space<vmem>> -> memref<8x8x128xf32, #tpu.memory_space<vmem>>
        tpu.wait_dma2 semaphore(%arg11 : memref<!tpu.dma_semaphore, #tpu.memory_space<semaphore_mem>>) src(%dma_wait3A_382 : memref<8x8x128xf32, #tpu.memory_space<vmem>>) dst(%dma_wait3A_377 : memref<8x8x128xf32, #tpu.memory_space<hbm>>)
      } else {
      }
      %parallel_loop3A = arith.constant 0 : i32
      %parallel_loop3A_169 = arith.constant 64 : i32
      %parallel_loop3A_170 = arith.constant 1 : i32
      %parallel_loop3A_171 = arith.constant 0 : i32
      scf.for %parallel_loop3A_361 = %parallel_loop3A to %parallel_loop3A_169 step %parallel_loop3A_170  : i32 {
        %parallel_loop3A_362 = vector.broadcast %parallel_loop3A_361 : i32 to vector<16xi32>
        %parallel_loop3A_363 = arith.constant 8 : i32
        %parallel_loop3A_364 = arith.divsi %parallel_loop3A_361, %parallel_loop3A_363 : i32
        %parallel_loop3A_365 = arith.constant 0 : i32
        %parallel_loop3A_366 = arith.cmpi sgt, %parallel_loop3A_361, %parallel_loop3A_365 : i32
        %parallel_loop3A_367 = arith.extui %parallel_loop3A_366 : i1 to i32
        %parallel_loop3A_368 = arith.constant 0 : i32
        %parallel_loop3A_369 = arith.cmpi slt, %parallel_loop3A_361, %parallel_loop3A_368 : i32
        %parallel_loop3A_370 = arith.extui %parallel_loop3A_369 : i1 to i32
        %parallel_loop3A_371 = arith.subi %parallel_loop3A_367, %parallel_loop3A_370 : i32
        %parallel_loop3A_372 = arith.constant 0 : i32
        %parallel_loop3A_373 = arith.cmpi sgt, %parallel_loop3A_363, %parallel_loop3A_372 : i32
        %parallel_loop3A_374 = arith.extui %parallel_loop3A_373 : i1 to i32
        %parallel_loop3A_375 = arith.constant 0 : i32
        %parallel_loop3A_376 = arith.cmpi slt, %parallel_loop3A_363, %parallel_loop3A_375 : i32
        %parallel_loop3A_377 = arith.extui %parallel_loop3A_376 : i1 to i32
        %parallel_loop3A_378 = arith.subi %parallel_loop3A_374, %parallel_loop3A_377 : i32
        %parallel_loop3A_379 = arith.cmpi ne, %parallel_loop3A_371, %parallel_loop3A_378 : i32
        %parallel_loop3A_380 = arith.remsi %parallel_loop3A_361, %parallel_loop3A_363 : i32
        %parallel_loop3A_381 = arith.constant 0 : i32
        %parallel_loop3A_382 = arith.cmpi ne, %parallel_loop3A_380, %parallel_loop3A_381 : i32
        %parallel_loop3A_383 = arith.andi %parallel_loop3A_379, %parallel_loop3A_382 : i1
        %parallel_loop3A_384 = arith.constant 1 : i32
        %parallel_loop3A_385 = arith.subi %parallel_loop3A_364, %parallel_loop3A_384 : i32
        %parallel_loop3A_386 = arith.select %parallel_loop3A_383, %parallel_loop3A_385, %parallel_loop3A_364 : i32
        %parallel_loop3A_387 = arith.constant 8 : i32
        %parallel_loop3A_388 = arith.constant 0 : i32
        %parallel_loop3A_389 = arith.cmpi eq, %parallel_loop3A_387, %parallel_loop3A_388 : i32
        %parallel_loop3A_390 = arith.constant 1 : i32
        %parallel_loop3A_391 = arith.select %parallel_loop3A_389, %parallel_loop3A_390, %parallel_loop3A_387 : i32
        %parallel_loop3A_392 = arith.remsi %parallel_loop3A_361, %parallel_loop3A_391 : i32
        %parallel_loop3A_393 = arith.constant 0 : i32
        %parallel_loop3A_394 = arith.cmpi ne, %parallel_loop3A_392, %parallel_loop3A_393 : i32
        %parallel_loop3A_395 = arith.constant 0 : i32
        %parallel_loop3A_396 = arith.cmpi slt, %parallel_loop3A_392, %parallel_loop3A_395 : i32
        %parallel_loop3A_397 = arith.constant 0 : i32
        %parallel_loop3A_398 = arith.cmpi slt, %parallel_loop3A_391, %parallel_loop3A_397 : i32
        %parallel_loop3A_399 = arith.xori %parallel_loop3A_396, %parallel_loop3A_398 : i1
        %parallel_loop3A_400 = arith.andi %parallel_loop3A_399, %parallel_loop3A_394 : i1
        %parallel_loop3A_401 = arith.addi %parallel_loop3A_392, %parallel_loop3A_391 : i32
        %parallel_loop3A_402 = arith.select %parallel_loop3A_400, %parallel_loop3A_401, %parallel_loop3A_392 : i32
        %parallel_loop3A_403 = arith.constant 0 : i32
        %parallel_loop3A_404 = arith.constant 0 : i32
        %parallel_loop3A_405 = tpu.memref_slice %arg6[%parallel_loop3A_171, %parallel_loop3A_403, %parallel_loop3A_404] : memref<2x128x64xf32, #tpu.memory_space<vmem>> -> memref<1x128x64xf32, #tpu.memory_space<vmem>>
        %parallel_loop3A_406 = tpu.memref_squeeze %parallel_loop3A_405 : memref<1x128x64xf32, #tpu.memory_space<vmem>> -> memref<128x64xf32, #tpu.memory_space<vmem>>
        %parallel_loop3A_407 = tpu.vector_load_idx %parallel_loop3A_406[%add3A_7, %parallel_loop3A_362] : memref<128x64xf32, #tpu.memory_space<vmem>>[vector<16xi32>, vector<16xi32>], vector<16xf32>,
        %parallel_loop3A_408 = arith.constant 0 : i32
        %parallel_loop3A_409 = arith.index_cast %parallel_loop3A_408 : i32 to index
        %parallel_loop3A_410 = arith.index_cast %parallel_loop3A_386 : i32 to index
        %parallel_loop3A_411 = arith.index_cast %parallel_loop3A_402 : i32 to index
        %parallel_loop3A_412 = arith.constant 0 : index
        %parallel_loop3A_413 = tpu.vector_load %arg7[%parallel_loop3A_409, %parallel_loop3A_410, %parallel_loop3A_411, %parallel_loop3A_412] {strides = array<i32>} : memref<4x8x8x128xf32, #tpu.memory_space<vmem>>, vector<16xf32>,
        tpu.vector_store %arg7[%parallel_loop3A_409, %parallel_loop3A_410, %parallel_loop3A_411, %parallel_loop3A_412], %parallel_loop3A_407 {strides = array<i32>} : memref<4x8x8x128xf32, #tpu.memory_space<vmem>>, vector<16xf32>,
        %parallel_loop3A_414 = arith.constant 0 : i32
        %parallel_loop3A_415 = arith.constant 0 : i32
        %parallel_loop3A_416 = tpu.memref_slice %arg6[%parallel_loop3A_171, %parallel_loop3A_414, %parallel_loop3A_415] : memref<2x128x64xf32, #tpu.memory_space<vmem>> -> memref<1x128x64xf32, #tpu.memory_space<vmem>>
        %parallel_loop3A_417 = tpu.memref_squeeze %parallel_loop3A_416 : memref<1x128x64xf32, #tpu.memory_space<vmem>> -> memref<128x64xf32, #tpu.memory_space<vmem>>
        %parallel_loop3A_418 = tpu.vector_load_idx %parallel_loop3A_417[%add3A_10, %parallel_loop3A_362] : memref<128x64xf32, #tpu.memory_space<vmem>>[vector<16xi32>, vector<16xi32>], vector<16xf32>,
        %parallel_loop3A_419 = arith.constant 0 : i32
        %parallel_loop3A_420 = arith.index_cast %parallel_loop3A_419 : i32 to index
        %parallel_loop3A_421 = arith.index_cast %parallel_loop3A_386 : i32 to index
        %parallel_loop3A_422 = arith.index_cast %parallel_loop3A_402 : i32 to index
        %parallel_loop3A_423 = arith.constant 16 : index
        %parallel_loop3A_424 = tpu.vector_load %arg7[%parallel_loop3A_420, %parallel_loop3A_421, %parallel_loop3A_422, %parallel_loop3A_423] {strides = array<i32>} : memref<4x8x8x128xf32, #tpu.memory_space<vmem>>, vector<16xf32>,
        tpu.vector_store %arg7[%parallel_loop3A_420, %parallel_loop3A_421, %parallel_loop3A_422, %parallel_loop3A_423], %parallel_loop3A_418 {strides = array<i32>} : memref<4x8x8x128xf32, #tpu.memory_space<vmem>>, vector<16xf32>,
        %parallel_loop3A_425 = arith.constant 0 : i32
        %parallel_loop3A_426 = arith.constant 0 : i32
        %parallel_loop3A_427 = tpu.memref_slice %arg6[%parallel_loop3A_171, %parallel_loop3A_425, %parallel_loop3A_426] : memref<2x128x64xf32, #tpu.memory_space<vmem>> -> memref<1x128x64xf32, #tpu.memory_space<vmem>>
        %parallel_loop3A_428 = tpu.memref_squeeze %parallel_loop3A_427 : memref<1x128x64xf32, #tpu.memory_space<vmem>> -> memref<128x64xf32, #tpu.memory_space<vmem>>
        %parallel_loop3A_429 = tpu.vector_load_idx %parallel_loop3A_428[%add3A_13, %parallel_loop3A_362] : memref<128x64xf32, #tpu.memory_space<vmem>>[vector<16xi32>, vector<16xi32>], vector<16xf32>,
        %parallel_loop3A_430 = arith.constant 0 : i32
        %parallel_loop3A_431 = arith.index_cast %parallel_loop3A_430 : i32 to index
        %parallel_loop3A_432 = arith.index_cast %parallel_loop3A_386 : i32 to index
        %parallel_loop3A_433 = arith.index_cast %parallel_loop3A_402 : i32 to index
        %parallel_loop3A_434 = arith.constant 32 : index
        %parallel_loop3A_435 = tpu.vector_load %arg7[%parallel_loop3A_431, %parallel_loop3A_432, %parallel_loop3A_433, %parallel_loop3A_434] {strides = array<i32>} : memref<4x8x8x128xf32, #tpu.memory_space<vmem>>, vector<16xf32>,
        tpu.vector_store %arg7[%parallel_loop3A_431, %parallel_loop3A_432, %parallel_loop3A_433, %parallel_loop3A_434], %parallel_loop3A_429 {strides = array<i32>} : memref<4x8x8x128xf32, #tpu.memory_space<vmem>>, vector<16xf32>,
        %parallel_loop3A_436 = arith.constant 0 : i32
        %parallel_loop3A_437 = arith.constant 0 : i32
        %parallel_loop3A_438 = tpu.memref_slice %arg6[%parallel_loop3A_171, %parallel_loop3A_436, %parallel_loop3A_437] : memref<2x128x64xf32, #tpu.memory_space<vmem>> -> memref<1x128x64xf32, #tpu.memory_space<vmem>>
        %parallel_loop3A_439 = tpu.memref_squeeze %parallel_loop3A_438 : memref<1x128x64xf32, #tpu.memory_space<vmem>> -> memref<128x64xf32, #tpu.memory_space<vmem>>
        %parallel_loop3A_440 = tpu.vector_load_idx %parallel_loop3A_439[%add3A_16, %parallel_loop3A_362] : memref<128x64xf32, #tpu.memory_space<vmem>>[vector<16xi32>, vector<16xi32>], vector<16xf32>,
        %parallel_loop3A_441 = arith.constant 0 : i32
        %parallel_loop3A_442 = arith.index_cast %parallel_loop3A_441 : i32 to index
        %parallel_loop3A_443 = arith.index_cast %parallel_loop3A_386 : i32 to index
        %parallel_loop3A_444 = arith.index_cast %parallel_loop3A_402 : i32 to index
        %parallel_loop3A_445 = arith.constant 48 : index
        %parallel_loop3A_446 = tpu.vector_load %arg7[%parallel_loop3A_442, %parallel_loop3A_443, %parallel_loop3A_444, %parallel_loop3A_445] {strides = array<i32>} : memref<4x8x8x128xf32, #tpu.memory_space<vmem>>, vector<16xf32>,
        tpu.vector_store %arg7[%parallel_loop3A_442, %parallel_loop3A_443, %parallel_loop3A_444, %parallel_loop3A_445], %parallel_loop3A_440 {strides = array<i32>} : memref<4x8x8x128xf32, #tpu.memory_space<vmem>>, vector<16xf32>,
        %parallel_loop3A_447 = arith.constant 0 : i32
        %parallel_loop3A_448 = arith.constant 0 : i32
        %parallel_loop3A_449 = tpu.memref_slice %arg6[%parallel_loop3A_171, %parallel_loop3A_447, %parallel_loop3A_448] : memref<2x128x64xf32, #tpu.memory_space<vmem>> -> memref<1x128x64xf32, #tpu.memory_space<vmem>>
        %parallel_loop3A_450 = tpu.memref_squeeze %parallel_loop3A_449 : memref<1x128x64xf32, #tpu.memory_space<vmem>> -> memref<128x64xf32, #tpu.memory_space<vmem>>
        %parallel_loop3A_451 = tpu.vector_load_idx %parallel_loop3A_450[%add3A_19, %parallel_loop3A_362] : memref<128x64xf32, #tpu.memory_space<vmem>>[vector<16xi32>, vector<16xi32>], vector<16xf32>,
        %parallel_loop3A_452 = arith.constant 0 : i32
        %parallel_loop3A_453 = arith.index_cast %parallel_loop3A_452 : i32 to index
        %parallel_loop3A_454 = arith.index_cast %parallel_loop3A_386 : i32 to index
        %parallel_loop3A_455 = arith.index_cast %parallel_loop3A_402 : i32 to index
        %parallel_loop3A_456 = arith.constant 64 : index
        %parallel_loop3A_457 = tpu.vector_load %arg7[%parallel_loop3A_453, %parallel_loop3A_454, %parallel_loop3A_455, %parallel_loop3A_456] {strides = array<i32>} : memref<4x8x8x128xf32, #tpu.memory_space<vmem>>, vector<16xf32>,
        tpu.vector_store %arg7[%parallel_loop3A_453, %parallel_loop3A_454, %parallel_loop3A_455, %parallel_loop3A_456], %parallel_loop3A_451 {strides = array<i32>} : memref<4x8x8x128xf32, #tpu.memory_space<vmem>>, vector<16xf32>,
        %parallel_loop3A_458 = arith.constant 0 : i32
        %parallel_loop3A_459 = arith.constant 0 : i32
        %parallel_loop3A_460 = tpu.memref_slice %arg6[%parallel_loop3A_171, %parallel_loop3A_458, %parallel_loop3A_459] : memref<2x128x64xf32, #tpu.memory_space<vmem>> -> memref<1x128x64xf32, #tpu.memory_space<vmem>>
        %parallel_loop3A_461 = tpu.memref_squeeze %parallel_loop3A_460 : memref<1x128x64xf32, #tpu.memory_space<vmem>> -> memref<128x64xf32, #tpu.memory_space<vmem>>
        %parallel_loop3A_462 = tpu.vector_load_idx %parallel_loop3A_461[%add3A_22, %parallel_loop3A_362] : memref<128x64xf32, #tpu.memory_space<vmem>>[vector<16xi32>, vector<16xi32>], vector<16xf32>,
        %parallel_loop3A_463 = arith.constant 0 : i32
        %parallel_loop3A_464 = arith.index_cast %parallel_loop3A_463 : i32 to index
        %parallel_loop3A_465 = arith.index_cast %parallel_loop3A_386 : i32 to index
        %parallel_loop3A_466 = arith.index_cast %parallel_loop3A_402 : i32 to index
        %parallel_loop3A_467 = arith.constant 80 : index
        %parallel_loop3A_468 = tpu.vector_load %arg7[%parallel_loop3A_464, %parallel_loop3A_465, %parallel_loop3A_466, %parallel_loop3A_467] {strides = array<i32>} : memref<4x8x8x128xf32, #tpu.memory_space<vmem>>, vector<16xf32>,
        tpu.vector_store %arg7[%parallel_loop3A_464, %parallel_loop3A_465, %parallel_loop3A_466, %parallel_loop3A_467], %parallel_loop3A_462 {strides = array<i32>} : memref<4x8x8x128xf32, #tpu.memory_space<vmem>>, vector<16xf32>,
        %parallel_loop3A_469 = arith.constant 0 : i32
        %parallel_loop3A_470 = arith.constant 0 : i32
        %parallel_loop3A_471 = tpu.memref_slice %arg6[%parallel_loop3A_171, %parallel_loop3A_469, %parallel_loop3A_470] : memref<2x128x64xf32, #tpu.memory_space<vmem>> -> memref<1x128x64xf32, #tpu.memory_space<vmem>>
        %parallel_loop3A_472 = tpu.memref_squeeze %parallel_loop3A_471 : memref<1x128x64xf32, #tpu.memory_space<vmem>> -> memref<128x64xf32, #tpu.memory_space<vmem>>
        %parallel_loop3A_473 = tpu.vector_load_idx %parallel_loop3A_472[%add3A_25, %parallel_loop3A_362] : memref<128x64xf32, #tpu.memory_space<vmem>>[vector<16xi32>, vector<16xi32>], vector<16xf32>,
        %parallel_loop3A_474 = arith.constant 0 : i32
        %parallel_loop3A_475 = arith.index_cast %parallel_loop3A_474 : i32 to index
        %parallel_loop3A_476 = arith.index_cast %parallel_loop3A_386 : i32 to index
        %parallel_loop3A_477 = arith.index_cast %parallel_loop3A_402 : i32 to index
        %parallel_loop3A_478 = arith.constant 96 : index
        %parallel_loop3A_479 = tpu.vector_load %arg7[%parallel_loop3A_475, %parallel_loop3A_476, %parallel_loop3A_477, %parallel_loop3A_478] {strides = array<i32>} : memref<4x8x8x128xf32, #tpu.memory_space<vmem>>, vector<16xf32>,
        tpu.vector_store %arg7[%parallel_loop3A_475, %parallel_loop3A_476, %parallel_loop3A_477, %parallel_loop3A_478], %parallel_loop3A_473 {strides = array<i32>} : memref<4x8x8x128xf32, #tpu.memory_space<vmem>>, vector<16xf32>,
        %parallel_loop3A_480 = arith.constant 0 : i32
        %parallel_loop3A_481 = arith.constant 0 : i32
        %parallel_loop3A_482 = tpu.memref_slice %arg6[%parallel_loop3A_171, %parallel_loop3A_480, %parallel_loop3A_481] : memref<2x128x64xf32, #tpu.memory_space<vmem>> -> memref<1x128x64xf32, #tpu.memory_space<vmem>>
        %parallel_loop3A_483 = tpu.memref_squeeze %parallel_loop3A_482 : memref<1x128x64xf32, #tpu.memory_space<vmem>> -> memref<128x64xf32, #tpu.memory_space<vmem>>
        %parallel_loop3A_484 = tpu.vector_load_idx %parallel_loop3A_483[%add3A_28, %parallel_loop3A_362] : memref<128x64xf32, #tpu.memory_space<vmem>>[vector<16xi32>, vector<16xi32>], vector<16xf32>,
        %parallel_loop3A_485 = arith.constant 0 : i32
        %parallel_loop3A_486 = arith.index_cast %parallel_loop3A_485 : i32 to index
        %parallel_loop3A_487 = arith.index_cast %parallel_loop3A_386 : i32 to index
        %parallel_loop3A_488 = arith.index_cast %parallel_loop3A_402 : i32 to index
        %parallel_loop3A_489 = arith.constant 112 : index
        %parallel_loop3A_490 = tpu.vector_load %arg7[%parallel_loop3A_486, %parallel_loop3A_487, %parallel_loop3A_488, %parallel_loop3A_489] {strides = array<i32>} : memref<4x8x8x128xf32, #tpu.memory_space<vmem>>, vector<16xf32>,
        tpu.vector_store %arg7[%parallel_loop3A_486, %parallel_loop3A_487, %parallel_loop3A_488, %parallel_loop3A_489], %parallel_loop3A_484 {strides = array<i32>} : memref<4x8x8x128xf32, #tpu.memory_space<vmem>>, vector<16xf32>,
      } {sc.loop_unroll_factor = 8 : i64, sc.parallel_access}
      %add3A_172 = arith.constant 2 : i32
      %add3A_173 = arith.addi %add3A_151, %add3A_172 : i32
      %lt3A = arith.constant 200 : i32
      %lt3A_174 = arith.cmpi slt, %add3A_173, %lt3A : i32
      %convert_element_type3A_175 = arith.extui %lt3A_174 : i1 to i32
      %cond3A_176 = arith.constant 0 : i32
      %cond3A_177 = arith.cmpi ne, %convert_element_type3A_175, %cond3A_176 : i32
      scf.if %cond3A_177 {
        %add3A_361 = arith.constant 2 : i32
        %add3A_362 = arith.addi %add3A_151, %add3A_361 : i32
        %jit3A = arith.constant 8 : i32
        %div3A = arith.divsi %add3A_362, %jit3A : i32
        %sign3A = arith.constant 0 : i32
        %sign3A_363 = arith.cmpi sgt, %add3A_362, %sign3A : i32
        %sign3A_364 = arith.extui %sign3A_363 : i1 to i32
        %sign3A_365 = arith.constant 0 : i32
        %sign3A_366 = arith.cmpi slt, %add3A_362, %sign3A_365 : i32
        %sign3A_367 = arith.extui %sign3A_366 : i1 to i32
        %sign3A_368 = arith.subi %sign3A_364, %sign3A_367 : i32
        %sign3A_369 = arith.constant 0 : i32
        %sign3A_370 = arith.cmpi sgt, %jit3A, %sign3A_369 : i32
        %sign3A_371 = arith.extui %sign3A_370 : i1 to i32
        %sign3A_372 = arith.constant 0 : i32
        %sign3A_373 = arith.cmpi slt, %jit3A, %sign3A_372 : i32
        %sign3A_374 = arith.extui %sign3A_373 : i1 to i32
        %sign3A_375 = arith.subi %sign3A_371, %sign3A_374 : i32
        %ne3A = arith.cmpi ne, %sign3A_368, %sign3A_375 : i32
        %rem3A = arith.remsi %add3A_362, %jit3A : i32
        %ne3A_376 = arith.constant 0 : i32
        %ne3A_377 = arith.cmpi ne, %rem3A, %ne3A_376 : i32
        %and3A = arith.andi %ne3A, %ne3A_377 : i1
        %sub3A = arith.constant 1 : i32
        %sub3A_378 = arith.subi %div3A, %sub3A : i32
        %select_n3A = arith.select %and3A, %sub3A_378, %div3A : i32
        %jit3A_379 = arith.constant 8 : i32
        %eq3A = arith.constant 0 : i32
        %eq3A_380 = arith.cmpi eq, %jit3A_379, %eq3A : i32
        %jit3A_381 = arith.constant 1 : i32
        %select_n3A_382 = arith.select %eq3A_380, %jit3A_381, %jit3A_379 : i32
        %rem3A_383 = arith.remsi %add3A_362, %select_n3A_382 : i32
        %ne3A_384 = arith.constant 0 : i32
        %ne3A_385 = arith.cmpi ne, %rem3A_383, %ne3A_384 : i32
        %lt3A_386 = arith.constant 0 : i32
        %lt3A_387 = arith.cmpi slt, %rem3A_383, %lt3A_386 : i32
        %lt3A_388 = arith.constant 0 : i32
        %lt3A_389 = arith.cmpi slt, %select_n3A_382, %lt3A_388 : i32
        %ne3A_390 = arith.xori %lt3A_387, %lt3A_389 : i1
        %and3A_391 = arith.andi %ne3A_390, %ne3A_385 : i1
        %add3A_392 = arith.addi %rem3A_383, %select_n3A_382 : i32
        %select_n3A_393 = arith.select %and3A_391, %add3A_392, %rem3A_383 : i32
        %dma_start3A_394 = arith.constant 0 : i32
        %dma_start3A_395 = arith.constant 0 : i32
        %dma_start3A_396 = arith.constant 0 : i32
        %dma_start3A_397 = tpu.memref_slice %arg6[%dma_start3A_394, %dma_start3A_395, %dma_start3A_396] : memref<2x128x64xf32, #tpu.memory_space<vmem>> -> memref<1x128x64xf32, #tpu.memory_space<vmem>>
        %dma_start3A_398 = tpu.memref_squeeze %dma_start3A_397 : memref<1x128x64xf32, #tpu.memory_space<vmem>> -> memref<128x64xf32, #tpu.memory_space<vmem>>
        %dma_start3A_399 = arith.constant 0 : i32
        %dma_start3A_400 = tpu.memref_slice %arg5[%select_n3A, %select_n3A_393, %dma_start3A_399] : memref<25x8x128xi32, #tpu.memory_space<vmem>> -> memref<1x1x128xi32, #tpu.memory_space<vmem>>
        %dma_start3A_401 = tpu.memref_squeeze %dma_start3A_400 : memref<1x1x128xi32, #tpu.memory_space<vmem>> -> memref<128xi32, #tpu.memory_space<vmem>>
        %dma_start3A_402 = arith.constant 0 : i32
        %dma_start3A_403 = arith.constant 0 : i32
        %dma_start3A_404 = tpu.memref_slice %arg8[%dma_start3A_402, %dma_start3A_403] : memref<8192x64xf32, #tpu.memory_space<vmem_shared>> -> memref<8192x64xf32, #tpu.memory_space<vmem_shared>>
        tpu.enqueue_indirect_dma source(%dma_start3A_404 : memref<8192x64xf32, #tpu.memory_space<vmem_shared>>) target(%dma_start3A_398 : memref<128x64xf32, #tpu.memory_space<vmem>>) offsets(%dma_start3A_401 : memref<128xi32, #tpu.memory_space<vmem>>) semaphore(%arg9 : memref<!tpu.dma_semaphore, #tpu.memory_space<semaphore_mem>>)
      } else {
      }
      %dma_start3A_178 = arith.constant 0 : i32
      %dma_start3A_179 = arith.constant 0 : i32
      %dma_start3A_180 = arith.constant 0 : i32
      %dma_start3A_181 = arith.constant 0 : i32
      %dma_start3A_182 = tpu.memref_slice %arg7[%dma_start3A_178, %dma_start3A_179, %dma_start3A_180, %dma_start3A_181] : memref<4x8x8x128xf32, #tpu.memory_space<vmem>> -> memref<1x8x8x128xf32, #tpu.memory_space<vmem>>
      %dma_start3A_183 = tpu.memref_squeeze %dma_start3A_182 : memref<1x8x8x128xf32, #tpu.memory_space<vmem>> -> memref<8x8x128xf32, #tpu.memory_space<vmem>>
      %dma_start3A_184 = arith.constant 0 : i32
      %dma_start3A_185 = arith.constant 0 : i32
      %dma_start3A_186 = arith.constant 0 : i32
      %dma_start3A_187 = tpu.memref_slice %arg4[%add3A_151, %dma_start3A_184, %add3A, %dma_start3A_185, %dma_start3A_186] : memref<200x8x32x8x128xf32, #tpu.memory_space<hbm>> -> memref<1x8x1x8x128xf32, #tpu.memory_space<hbm>>
      %dma_start3A_188 = tpu.memref_squeeze %dma_start3A_187 : memref<1x8x1x8x128xf32, #tpu.memory_space<hbm>> -> memref<8x8x128xf32, #tpu.memory_space<hbm>>
      %dma_start3A_189 = arith.constant 0 : i32
      %dma_start3A_190 = arith.constant 0 : i32
      %dma_start3A_191 = arith.constant 0 : i32
      %dma_start3A_192 = tpu.memref_slice %arg4[%add3A_151, %dma_start3A_189, %add3A, %dma_start3A_190, %dma_start3A_191] : memref<200x8x32x8x128xf32, #tpu.memory_space<hbm>> -> memref<1x8x1x8x128xf32, #tpu.memory_space<hbm>>
      %dma_start3A_193 = tpu.memref_squeeze %dma_start3A_192 : memref<1x8x1x8x128xf32, #tpu.memory_space<hbm>> -> memref<8x8x128xf32, #tpu.memory_space<hbm>>
      %dma_start3A_194 = arith.constant 0 : i32
      %dma_start3A_195 = arith.constant 0 : i32
      %dma_start3A_196 = arith.constant 0 : i32
      %dma_start3A_197 = tpu.memref_slice %arg7[%dma_start3A_178, %dma_start3A_194, %dma_start3A_195, %dma_start3A_196] : memref<4x8x8x128xf32, #tpu.memory_space<vmem>> -> memref<1x8x8x128xf32, #tpu.memory_space<vmem>>
      %dma_start3A_198 = tpu.memref_squeeze %dma_start3A_197 : memref<1x8x8x128xf32, #tpu.memory_space<vmem>> -> memref<8x8x128xf32, #tpu.memory_space<vmem>>
      tpu.enqueue_dma source(%dma_start3A_198 : memref<8x8x128xf32, #tpu.memory_space<vmem>>) target(%dma_start3A_193 : memref<8x8x128xf32, #tpu.memory_space<hbm>>) target_semaphore(%arg11 : memref<!tpu.dma_semaphore, #tpu.memory_space<semaphore_mem>>)
      %add3A_199 = arith.constant 1 : i32
      %add3A_200 = arith.addi %add3A_149, %add3A_199 : i32
      %dma_wait3A_201 = arith.constant 1 : i32
      %dma_wait3A_202 = arith.constant 0 : i32
      %dma_wait3A_203 = arith.constant 0 : i32
      %dma_wait3A_204 = tpu.memref_slice %arg6[%dma_wait3A_201, %dma_wait3A_202, %dma_wait3A_203] : memref<2x128x64xf32, #tpu.memory_space<vmem>> -> memref<1x128x64xf32, #tpu.memory_space<vmem>>
      %dma_wait3A_205 = tpu.memref_squeeze %dma_wait3A_204 : memref<1x128x64xf32, #tpu.memory_space<vmem>> -> memref<128x64xf32, #tpu.memory_space<vmem>>
      %dma_wait3A_206 = arith.constant 0 : i32
      %dma_wait3A_207 = arith.constant 0 : i32
      %dma_wait3A_208 = tpu.memref_slice %arg3[%dma_wait3A_206, %dma_wait3A_207] : memref<8192x64xf32, #tpu.memory_space<hbm>> -> memref<128x64xf32, #tpu.memory_space<hbm>>
      %dma_wait3A_209 = arith.constant 0 : i32
      %dma_wait3A_210 = arith.constant 0 : i32
      %dma_wait3A_211 = tpu.memref_slice %arg6[%dma_wait3A_201, %dma_wait3A_209, %dma_wait3A_210] : memref<2x128x64xf32, #tpu.memory_space<vmem>> -> memref<1x128x64xf32, #tpu.memory_space<vmem>>
      %dma_wait3A_212 = tpu.memref_squeeze %dma_wait3A_211 : memref<1x128x64xf32, #tpu.memory_space<vmem>> -> memref<128x64xf32, #tpu.memory_space<vmem>>
      %dma_wait3A_213 = arith.constant 0 : i32
      %dma_wait3A_214 = arith.constant 0 : i32
      %dma_wait3A_215 = tpu.memref_slice %arg3[%dma_wait3A_213, %dma_wait3A_214] : memref<8192x64xf32, #tpu.memory_space<hbm>> -> memref<128x64xf32, #tpu.memory_space<hbm>>
      tpu.wait_dma2 semaphore(%arg10 : memref<!tpu.dma_semaphore, #tpu.memory_space<semaphore_mem>>) src(%dma_wait3A_215 : memref<128x64xf32, #tpu.memory_space<hbm>>) dst(%dma_wait3A_212 : memref<128x64xf32, #tpu.memory_space<vmem>>)
      %ge3A_216 = arith.constant 4 : i32
      %ge3A_217 = arith.cmpi sge, %add3A_200, %ge3A_216 : i32
      %convert_element_type3A_218 = arith.extui %ge3A_217 : i1 to i32
      %cond3A_219 = arith.constant 0 : i32
      %cond3A_220 = arith.cmpi ne, %convert_element_type3A_218, %cond3A_219 : i32
      scf.if %cond3A_220 {
        %dma_wait3A_361 = arith.constant 1 : i32
        %dma_wait3A_362 = arith.constant 0 : i32
        %dma_wait3A_363 = arith.constant 0 : i32
        %dma_wait3A_364 = arith.constant 0 : i32
        %dma_wait3A_365 = arith.constant 0 : i32
        %dma_wait3A_366 = tpu.memref_slice %arg7[%dma_wait3A_361, %dma_wait3A_363, %dma_wait3A_364, %dma_wait3A_365] : memref<4x8x8x128xf32, #tpu.memory_space<vmem>> -> memref<1x8x8x128xf32, #tpu.memory_space<vmem>>
        %dma_wait3A_367 = tpu.memref_squeeze %dma_wait3A_366 : memref<1x8x8x128xf32, #tpu.memory_space<vmem>> -> memref<8x8x128xf32, #tpu.memory_space<vmem>>
        %dma_wait3A_368 = arith.constant 0 : i32
        %dma_wait3A_369 = arith.constant 0 : i32
        %dma_wait3A_370 = arith.constant 0 : i32
        %dma_wait3A_371 = tpu.memref_slice %arg4[%dma_wait3A_362, %dma_wait3A_368, %add3A, %dma_wait3A_369, %dma_wait3A_370] : memref<200x8x32x8x128xf32, #tpu.memory_space<hbm>> -> memref<1x8x1x8x128xf32, #tpu.memory_space<hbm>>
        %dma_wait3A_372 = tpu.memref_squeeze %dma_wait3A_371 : memref<1x8x1x8x128xf32, #tpu.memory_space<hbm>> -> memref<8x8x128xf32, #tpu.memory_space<hbm>>
        %dma_wait3A_373 = arith.constant 0 : i32
        %dma_wait3A_374 = arith.constant 0 : i32
        %dma_wait3A_375 = arith.constant 0 : i32
        %dma_wait3A_376 = tpu.memref_slice %arg4[%dma_wait3A_362, %dma_wait3A_373, %add3A, %dma_wait3A_374, %dma_wait3A_375] : memref<200x8x32x8x128xf32, #tpu.memory_space<hbm>> -> memref<1x8x1x8x128xf32, #tpu.memory_space<hbm>>
        %dma_wait3A_377 = tpu.memref_squeeze %dma_wait3A_376 : memref<1x8x1x8x128xf32, #tpu.memory_space<hbm>> -> memref<8x8x128xf32, #tpu.memory_space<hbm>>
        %dma_wait3A_378 = arith.constant 0 : i32
        %dma_wait3A_379 = arith.constant 0 : i32
        %dma_wait3A_380 = arith.constant 0 : i32
        %dma_wait3A_381 = tpu.memref_slice %arg7[%dma_wait3A_361, %dma_wait3A_378, %dma_wait3A_379, %dma_wait3A_380] : memref<4x8x8x128xf32, #tpu.memory_space<vmem>> -> memref<1x8x8x128xf32, #tpu.memory_space<vmem>>
        %dma_wait3A_382 = tpu.memref_squeeze %dma_wait3A_381 : memref<1x8x8x128xf32, #tpu.memory_space<vmem>> -> memref<8x8x128xf32, #tpu.memory_space<vmem>>
        tpu.wait_dma2 semaphore(%arg12 : memref<!tpu.dma_semaphore, #tpu.memory_space<semaphore_mem>>) src(%dma_wait3A_382 : memref<8x8x128xf32, #tpu.memory_space<vmem>>) dst(%dma_wait3A_377 : memref<8x8x128xf32, #tpu.memory_space<hbm>>)
      } else {
      }
      %parallel_loop3A_221 = arith.constant 0 : i32
      %parallel_loop3A_222 = arith.constant 64 : i32
      %parallel_loop3A_223 = arith.constant 1 : i32
      %parallel_loop3A_224 = arith.constant 1 : i32
      scf.for %parallel_loop3A_361 = %parallel_loop3A_221 to %parallel_loop3A_222 step %parallel_loop3A_223  : i32 {
        %parallel_loop3A_362 = vector.broadcast %parallel_loop3A_361 : i32 to vector<16xi32>
        %parallel_loop3A_363 = arith.constant 8 : i32
        %parallel_loop3A_364 = arith.divsi %parallel_loop3A_361, %parallel_loop3A_363 : i32
        %parallel_loop3A_365 = arith.constant 0 : i32
        %parallel_loop3A_366 = arith.cmpi sgt, %parallel_loop3A_361, %parallel_loop3A_365 : i32
        %parallel_loop3A_367 = arith.extui %parallel_loop3A_366 : i1 to i32
        %parallel_loop3A_368 = arith.constant 0 : i32
        %parallel_loop3A_369 = arith.cmpi slt, %parallel_loop3A_361, %parallel_loop3A_368 : i32
        %parallel_loop3A_370 = arith.extui %parallel_loop3A_369 : i1 to i32
        %parallel_loop3A_371 = arith.subi %parallel_loop3A_367, %parallel_loop3A_370 : i32
        %parallel_loop3A_372 = arith.constant 0 : i32
        %parallel_loop3A_373 = arith.cmpi sgt, %parallel_loop3A_363, %parallel_loop3A_372 : i32
        %parallel_loop3A_374 = arith.extui %parallel_loop3A_373 : i1 to i32
        %parallel_loop3A_375 = arith.constant 0 : i32
        %parallel_loop3A_376 = arith.cmpi slt, %parallel_loop3A_363, %parallel_loop3A_375 : i32
        %parallel_loop3A_377 = arith.extui %parallel_loop3A_376 : i1 to i32
        %parallel_loop3A_378 = arith.subi %parallel_loop3A_374, %parallel_loop3A_377 : i32
        %parallel_loop3A_379 = arith.cmpi ne, %parallel_loop3A_371, %parallel_loop3A_378 : i32
        %parallel_loop3A_380 = arith.remsi %parallel_loop3A_361, %parallel_loop3A_363 : i32
        %parallel_loop3A_381 = arith.constant 0 : i32
        %parallel_loop3A_382 = arith.cmpi ne, %parallel_loop3A_380, %parallel_loop3A_381 : i32
        %parallel_loop3A_383 = arith.andi %parallel_loop3A_379, %parallel_loop3A_382 : i1
        %parallel_loop3A_384 = arith.constant 1 : i32
        %parallel_loop3A_385 = arith.subi %parallel_loop3A_364, %parallel_loop3A_384 : i32
        %parallel_loop3A_386 = arith.select %parallel_loop3A_383, %parallel_loop3A_385, %parallel_loop3A_364 : i32
        %parallel_loop3A_387 = arith.constant 8 : i32
        %parallel_loop3A_388 = arith.constant 0 : i32
        %parallel_loop3A_389 = arith.cmpi eq, %parallel_loop3A_387, %parallel_loop3A_388 : i32
        %parallel_loop3A_390 = arith.constant 1 : i32
        %parallel_loop3A_391 = arith.select %parallel_loop3A_389, %parallel_loop3A_390, %parallel_loop3A_387 : i32
        %parallel_loop3A_392 = arith.remsi %parallel_loop3A_361, %parallel_loop3A_391 : i32
        %parallel_loop3A_393 = arith.constant 0 : i32
        %parallel_loop3A_394 = arith.cmpi ne, %parallel_loop3A_392, %parallel_loop3A_393 : i32
        %parallel_loop3A_395 = arith.constant 0 : i32
        %parallel_loop3A_396 = arith.cmpi slt, %parallel_loop3A_392, %parallel_loop3A_395 : i32
        %parallel_loop3A_397 = arith.constant 0 : i32
        %parallel_loop3A_398 = arith.cmpi slt, %parallel_loop3A_391, %parallel_loop3A_397 : i32
        %parallel_loop3A_399 = arith.xori %parallel_loop3A_396, %parallel_loop3A_398 : i1
        %parallel_loop3A_400 = arith.andi %parallel_loop3A_399, %parallel_loop3A_394 : i1
        %parallel_loop3A_401 = arith.addi %parallel_loop3A_392, %parallel_loop3A_391 : i32
        %parallel_loop3A_402 = arith.select %parallel_loop3A_400, %parallel_loop3A_401, %parallel_loop3A_392 : i32
        %parallel_loop3A_403 = arith.constant 0 : i32
        %parallel_loop3A_404 = arith.constant 0 : i32
        %parallel_loop3A_405 = tpu.memref_slice %arg6[%parallel_loop3A_224, %parallel_loop3A_403, %parallel_loop3A_404] : memref<2x128x64xf32, #tpu.memory_space<vmem>> -> memref<1x128x64xf32, #tpu.memory_space<vmem>>
        %parallel_loop3A_406 = tpu.memref_squeeze %parallel_loop3A_405 : memref<1x128x64xf32, #tpu.memory_space<vmem>> -> memref<128x64xf32, #tpu.memory_space<vmem>>
        %parallel_loop3A_407 = tpu.vector_load_idx %parallel_loop3A_406[%add3A_7, %parallel_loop3A_362] : memref<128x64xf32, #tpu.memory_space<vmem>>[vector<16xi32>, vector<16xi32>], vector<16xf32>,
        %parallel_loop3A_408 = arith.constant 1 : i32
        %parallel_loop3A_409 = arith.index_cast %parallel_loop3A_408 : i32 to index
        %parallel_loop3A_410 = arith.index_cast %parallel_loop3A_386 : i32 to index
        %parallel_loop3A_411 = arith.index_cast %parallel_loop3A_402 : i32 to index
        %parallel_loop3A_412 = arith.constant 0 : index
        %parallel_loop3A_413 = tpu.vector_load %arg7[%parallel_loop3A_409, %parallel_loop3A_410, %parallel_loop3A_411, %parallel_loop3A_412] {strides = array<i32>} : memref<4x8x8x128xf32, #tpu.memory_space<vmem>>, vector<16xf32>,
        tpu.vector_store %arg7[%parallel_loop3A_409, %parallel_loop3A_410, %parallel_loop3A_411, %parallel_loop3A_412], %parallel_loop3A_407 {strides = array<i32>} : memref<4x8x8x128xf32, #tpu.memory_space<vmem>>, vector<16xf32>,
        %parallel_loop3A_414 = arith.constant 0 : i32
        %parallel_loop3A_415 = arith.constant 0 : i32
        %parallel_loop3A_416 = tpu.memref_slice %arg6[%parallel_loop3A_224, %parallel_loop3A_414, %parallel_loop3A_415] : memref<2x128x64xf32, #tpu.memory_space<vmem>> -> memref<1x128x64xf32, #tpu.memory_space<vmem>>
        %parallel_loop3A_417 = tpu.memref_squeeze %parallel_loop3A_416 : memref<1x128x64xf32, #tpu.memory_space<vmem>> -> memref<128x64xf32, #tpu.memory_space<vmem>>
        %parallel_loop3A_418 = tpu.vector_load_idx %parallel_loop3A_417[%add3A_10, %parallel_loop3A_362] : memref<128x64xf32, #tpu.memory_space<vmem>>[vector<16xi32>, vector<16xi32>], vector<16xf32>,
        %parallel_loop3A_419 = arith.constant 1 : i32
        %parallel_loop3A_420 = arith.index_cast %parallel_loop3A_419 : i32 to index
        %parallel_loop3A_421 = arith.index_cast %parallel_loop3A_386 : i32 to index
        %parallel_loop3A_422 = arith.index_cast %parallel_loop3A_402 : i32 to index
        %parallel_loop3A_423 = arith.constant 16 : index
        %parallel_loop3A_424 = tpu.vector_load %arg7[%parallel_loop3A_420, %parallel_loop3A_421, %parallel_loop3A_422, %parallel_loop3A_423] {strides = array<i32>} : memref<4x8x8x128xf32, #tpu.memory_space<vmem>>, vector<16xf32>,
        tpu.vector_store %arg7[%parallel_loop3A_420, %parallel_loop3A_421, %parallel_loop3A_422, %parallel_loop3A_423], %parallel_loop3A_418 {strides = array<i32>} : memref<4x8x8x128xf32, #tpu.memory_space<vmem>>, vector<16xf32>,
        %parallel_loop3A_425 = arith.constant 0 : i32
        %parallel_loop3A_426 = arith.constant 0 : i32
        %parallel_loop3A_427 = tpu.memref_slice %arg6[%parallel_loop3A_224, %parallel_loop3A_425, %parallel_loop3A_426] : memref<2x128x64xf32, #tpu.memory_space<vmem>> -> memref<1x128x64xf32, #tpu.memory_space<vmem>>
        %parallel_loop3A_428 = tpu.memref_squeeze %parallel_loop3A_427 : memref<1x128x64xf32, #tpu.memory_space<vmem>> -> memref<128x64xf32, #tpu.memory_space<vmem>>
        %parallel_loop3A_429 = tpu.vector_load_idx %parallel_loop3A_428[%add3A_13, %parallel_loop3A_362] : memref<128x64xf32, #tpu.memory_space<vmem>>[vector<16xi32>, vector<16xi32>], vector<16xf32>,
        %parallel_loop3A_430 = arith.constant 1 : i32
        %parallel_loop3A_431 = arith.index_cast %parallel_loop3A_430 : i32 to index
        %parallel_loop3A_432 = arith.index_cast %parallel_loop3A_386 : i32 to index
        %parallel_loop3A_433 = arith.index_cast %parallel_loop3A_402 : i32 to index
        %parallel_loop3A_434 = arith.constant 32 : index
        %parallel_loop3A_435 = tpu.vector_load %arg7[%parallel_loop3A_431, %parallel_loop3A_432, %parallel_loop3A_433, %parallel_loop3A_434] {strides = array<i32>} : memref<4x8x8x128xf32, #tpu.memory_space<vmem>>, vector<16xf32>,
        tpu.vector_store %arg7[%parallel_loop3A_431, %parallel_loop3A_432, %parallel_loop3A_433, %parallel_loop3A_434], %parallel_loop3A_429 {strides = array<i32>} : memref<4x8x8x128xf32, #tpu.memory_space<vmem>>, vector<16xf32>,
        %parallel_loop3A_436 = arith.constant 0 : i32
        %parallel_loop3A_437 = arith.constant 0 : i32
        %parallel_loop3A_438 = tpu.memref_slice %arg6[%parallel_loop3A_224, %parallel_loop3A_436, %parallel_loop3A_437] : memref<2x128x64xf32, #tpu.memory_space<vmem>> -> memref<1x128x64xf32, #tpu.memory_space<vmem>>
        %parallel_loop3A_439 = tpu.memref_squeeze %parallel_loop3A_438 : memref<1x128x64xf32, #tpu.memory_space<vmem>> -> memref<128x64xf32, #tpu.memory_space<vmem>>
        %parallel_loop3A_440 = tpu.vector_load_idx %parallel_loop3A_439[%add3A_16, %parallel_loop3A_362] : memref<128x64xf32, #tpu.memory_space<vmem>>[vector<16xi32>, vector<16xi32>], vector<16xf32>,
        %parallel_loop3A_441 = arith.constant 1 : i32
        %parallel_loop3A_442 = arith.index_cast %parallel_loop3A_441 : i32 to index
        %parallel_loop3A_443 = arith.index_cast %parallel_loop3A_386 : i32 to index
        %parallel_loop3A_444 = arith.index_cast %parallel_loop3A_402 : i32 to index
        %parallel_loop3A_445 = arith.constant 48 : index
        %parallel_loop3A_446 = tpu.vector_load %arg7[%parallel_loop3A_442, %parallel_loop3A_443, %parallel_loop3A_444, %parallel_loop3A_445] {strides = array<i32>} : memref<4x8x8x128xf32, #tpu.memory_space<vmem>>, vector<16xf32>,
        tpu.vector_store %arg7[%parallel_loop3A_442, %parallel_loop3A_443, %parallel_loop3A_444, %parallel_loop3A_445], %parallel_loop3A_440 {strides = array<i32>} : memref<4x8x8x128xf32, #tpu.memory_space<vmem>>, vector<16xf32>,
        %parallel_loop3A_447 = arith.constant 0 : i32
        %parallel_loop3A_448 = arith.constant 0 : i32
        %parallel_loop3A_449 = tpu.memref_slice %arg6[%parallel_loop3A_224, %parallel_loop3A_447, %parallel_loop3A_448] : memref<2x128x64xf32, #tpu.memory_space<vmem>> -> memref<1x128x64xf32, #tpu.memory_space<vmem>>
        %parallel_loop3A_450 = tpu.memref_squeeze %parallel_loop3A_449 : memref<1x128x64xf32, #tpu.memory_space<vmem>> -> memref<128x64xf32, #tpu.memory_space<vmem>>
        %parallel_loop3A_451 = tpu.vector_load_idx %parallel_loop3A_450[%add3A_19, %parallel_loop3A_362] : memref<128x64xf32, #tpu.memory_space<vmem>>[vector<16xi32>, vector<16xi32>], vector<16xf32>,
        %parallel_loop3A_452 = arith.constant 1 : i32
        %parallel_loop3A_453 = arith.index_cast %parallel_loop3A_452 : i32 to index
        %parallel_loop3A_454 = arith.index_cast %parallel_loop3A_386 : i32 to index
        %parallel_loop3A_455 = arith.index_cast %parallel_loop3A_402 : i32 to index
        %parallel_loop3A_456 = arith.constant 64 : index
        %parallel_loop3A_457 = tpu.vector_load %arg7[%parallel_loop3A_453, %parallel_loop3A_454, %parallel_loop3A_455, %parallel_loop3A_456] {strides = array<i32>} : memref<4x8x8x128xf32, #tpu.memory_space<vmem>>, vector<16xf32>,
        tpu.vector_store %arg7[%parallel_loop3A_453, %parallel_loop3A_454, %parallel_loop3A_455, %parallel_loop3A_456], %parallel_loop3A_451 {strides = array<i32>} : memref<4x8x8x128xf32, #tpu.memory_space<vmem>>, vector<16xf32>,
        %parallel_loop3A_458 = arith.constant 0 : i32
        %parallel_loop3A_459 = arith.constant 0 : i32
        %parallel_loop3A_460 = tpu.memref_slice %arg6[%parallel_loop3A_224, %parallel_loop3A_458, %parallel_loop3A_459] : memref<2x128x64xf32, #tpu.memory_space<vmem>> -> memref<1x128x64xf32, #tpu.memory_space<vmem>>
        %parallel_loop3A_461 = tpu.memref_squeeze %parallel_loop3A_460 : memref<1x128x64xf32, #tpu.memory_space<vmem>> -> memref<128x64xf32, #tpu.memory_space<vmem>>
        %parallel_loop3A_462 = tpu.vector_load_idx %parallel_loop3A_461[%add3A_22, %parallel_loop3A_362] : memref<128x64xf32, #tpu.memory_space<vmem>>[vector<16xi32>, vector<16xi32>], vector<16xf32>,
        %parallel_loop3A_463 = arith.constant 1 : i32
        %parallel_loop3A_464 = arith.index_cast %parallel_loop3A_463 : i32 to index
        %parallel_loop3A_465 = arith.index_cast %parallel_loop3A_386 : i32 to index
        %parallel_loop3A_466 = arith.index_cast %parallel_loop3A_402 : i32 to index
        %parallel_loop3A_467 = arith.constant 80 : index
        %parallel_loop3A_468 = tpu.vector_load %arg7[%parallel_loop3A_464, %parallel_loop3A_465, %parallel_loop3A_466, %parallel_loop3A_467] {strides = array<i32>} : memref<4x8x8x128xf32, #tpu.memory_space<vmem>>, vector<16xf32>,
        tpu.vector_store %arg7[%parallel_loop3A_464, %parallel_loop3A_465, %parallel_loop3A_466, %parallel_loop3A_467], %parallel_loop3A_462 {strides = array<i32>} : memref<4x8x8x128xf32, #tpu.memory_space<vmem>>, vector<16xf32>,
        %parallel_loop3A_469 = arith.constant 0 : i32
        %parallel_loop3A_470 = arith.constant 0 : i32
        %parallel_loop3A_471 = tpu.memref_slice %arg6[%parallel_loop3A_224, %parallel_loop3A_469, %parallel_loop3A_470] : memref<2x128x64xf32, #tpu.memory_space<vmem>> -> memref<1x128x64xf32, #tpu.memory_space<vmem>>
        %parallel_loop3A_472 = tpu.memref_squeeze %parallel_loop3A_471 : memref<1x128x64xf32, #tpu.memory_space<vmem>> -> memref<128x64xf32, #tpu.memory_space<vmem>>
        %parallel_loop3A_473 = tpu.vector_load_idx %parallel_loop3A_472[%add3A_25, %parallel_loop3A_362] : memref<128x64xf32, #tpu.memory_space<vmem>>[vector<16xi32>, vector<16xi32>], vector<16xf32>,
        %parallel_loop3A_474 = arith.constant 1 : i32
        %parallel_loop3A_475 = arith.index_cast %parallel_loop3A_474 : i32 to index
        %parallel_loop3A_476 = arith.index_cast %parallel_loop3A_386 : i32 to index
        %parallel_loop3A_477 = arith.index_cast %parallel_loop3A_402 : i32 to index
        %parallel_loop3A_478 = arith.constant 96 : index
        %parallel_loop3A_479 = tpu.vector_load %arg7[%parallel_loop3A_475, %parallel_loop3A_476, %parallel_loop3A_477, %parallel_loop3A_478] {strides = array<i32>} : memref<4x8x8x128xf32, #tpu.memory_space<vmem>>, vector<16xf32>,
        tpu.vector_store %arg7[%parallel_loop3A_475, %parallel_loop3A_476, %parallel_loop3A_477, %parallel_loop3A_478], %parallel_loop3A_473 {strides = array<i32>} : memref<4x8x8x128xf32, #tpu.memory_space<vmem>>, vector<16xf32>,
        %parallel_loop3A_480 = arith.constant 0 : i32
        %parallel_loop3A_481 = arith.constant 0 : i32
        %parallel_loop3A_482 = tpu.memref_slice %arg6[%parallel_loop3A_224, %parallel_loop3A_480, %parallel_loop3A_481] : memref<2x128x64xf32, #tpu.memory_space<vmem>> -> memref<1x128x64xf32, #tpu.memory_space<vmem>>
        %parallel_loop3A_483 = tpu.memref_squeeze %parallel_loop3A_482 : memref<1x128x64xf32, #tpu.memory_space<vmem>> -> memref<128x64xf32, #tpu.memory_space<vmem>>
        %parallel_loop3A_484 = tpu.vector_load_idx %parallel_loop3A_483[%add3A_28, %parallel_loop3A_362] : memref<128x64xf32, #tpu.memory_space<vmem>>[vector<16xi32>, vector<16xi32>], vector<16xf32>,
        %parallel_loop3A_485 = arith.constant 1 : i32
        %parallel_loop3A_486 = arith.index_cast %parallel_loop3A_485 : i32 to index
        %parallel_loop3A_487 = arith.index_cast %parallel_loop3A_386 : i32 to index
        %parallel_loop3A_488 = arith.index_cast %parallel_loop3A_402 : i32 to index
        %parallel_loop3A_489 = arith.constant 112 : index
        %parallel_loop3A_490 = tpu.vector_load %arg7[%parallel_loop3A_486, %parallel_loop3A_487, %parallel_loop3A_488, %parallel_loop3A_489] {strides = array<i32>} : memref<4x8x8x128xf32, #tpu.memory_space<vmem>>, vector<16xf32>,
        tpu.vector_store %arg7[%parallel_loop3A_486, %parallel_loop3A_487, %parallel_loop3A_488, %parallel_loop3A_489], %parallel_loop3A_484 {strides = array<i32>} : memref<4x8x8x128xf32, #tpu.memory_space<vmem>>, vector<16xf32>,
      } {sc.loop_unroll_factor = 8 : i64, sc.parallel_access}
      %add3A_225 = arith.constant 2 : i32
      %add3A_226 = arith.addi %add3A_200, %add3A_225 : i32
      %lt3A_227 = arith.constant 200 : i32
      %lt3A_228 = arith.cmpi slt, %add3A_226, %lt3A_227 : i32
      %convert_element_type3A_229 = arith.extui %lt3A_228 : i1 to i32
      %cond3A_230 = arith.constant 0 : i32
      %cond3A_231 = arith.cmpi ne, %convert_element_type3A_229, %cond3A_230 : i32
      scf.if %cond3A_231 {
        %add3A_361 = arith.constant 2 : i32
        %add3A_362 = arith.addi %add3A_200, %add3A_361 : i32
        %jit3A = arith.constant 8 : i32
        %div3A = arith.divsi %add3A_362, %jit3A : i32
        %sign3A = arith.constant 0 : i32
        %sign3A_363 = arith.cmpi sgt, %add3A_362, %sign3A : i32
        %sign3A_364 = arith.extui %sign3A_363 : i1 to i32
        %sign3A_365 = arith.constant 0 : i32
        %sign3A_366 = arith.cmpi slt, %add3A_362, %sign3A_365 : i32
        %sign3A_367 = arith.extui %sign3A_366 : i1 to i32
        %sign3A_368 = arith.subi %sign3A_364, %sign3A_367 : i32
        %sign3A_369 = arith.constant 0 : i32
        %sign3A_370 = arith.cmpi sgt, %jit3A, %sign3A_369 : i32
        %sign3A_371 = arith.extui %sign3A_370 : i1 to i32
        %sign3A_372 = arith.constant 0 : i32
        %sign3A_373 = arith.cmpi slt, %jit3A, %sign3A_372 : i32
        %sign3A_374 = arith.extui %sign3A_373 : i1 to i32
        %sign3A_375 = arith.subi %sign3A_371, %sign3A_374 : i32
        %ne3A = arith.cmpi ne, %sign3A_368, %sign3A_375 : i32
        %rem3A = arith.remsi %add3A_362, %jit3A : i32
        %ne3A_376 = arith.constant 0 : i32
        %ne3A_377 = arith.cmpi ne, %rem3A, %ne3A_376 : i32
        %and3A = arith.andi %ne3A, %ne3A_377 : i1
        %sub3A = arith.constant 1 : i32
        %sub3A_378 = arith.subi %div3A, %sub3A : i32
        %select_n3A = arith.select %and3A, %sub3A_378, %div3A : i32
        %jit3A_379 = arith.constant 8 : i32
        %eq3A = arith.constant 0 : i32
        %eq3A_380 = arith.cmpi eq, %jit3A_379, %eq3A : i32
        %jit3A_381 = arith.constant 1 : i32
        %select_n3A_382 = arith.select %eq3A_380, %jit3A_381, %jit3A_379 : i32
        %rem3A_383 = arith.remsi %add3A_362, %select_n3A_382 : i32
        %ne3A_384 = arith.constant 0 : i32
        %ne3A_385 = arith.cmpi ne, %rem3A_383, %ne3A_384 : i32
        %lt3A_386 = arith.constant 0 : i32
        %lt3A_387 = arith.cmpi slt, %rem3A_383, %lt3A_386 : i32
        %lt3A_388 = arith.constant 0 : i32
        %lt3A_389 = arith.cmpi slt, %select_n3A_382, %lt3A_388 : i32
        %ne3A_390 = arith.xori %lt3A_387, %lt3A_389 : i1
        %and3A_391 = arith.andi %ne3A_390, %ne3A_385 : i1
        %add3A_392 = arith.addi %rem3A_383, %select_n3A_382 : i32
        %select_n3A_393 = arith.select %and3A_391, %add3A_392, %rem3A_383 : i32
        %dma_start3A_394 = arith.constant 1 : i32
        %dma_start3A_395 = arith.constant 0 : i32
        %dma_start3A_396 = arith.constant 0 : i32
        %dma_start3A_397 = tpu.memref_slice %arg6[%dma_start3A_394, %dma_start3A_395, %dma_start3A_396] : memref<2x128x64xf32, #tpu.memory_space<vmem>> -> memref<1x128x64xf32, #tpu.memory_space<vmem>>
        %dma_start3A_398 = tpu.memref_squeeze %dma_start3A_397 : memref<1x128x64xf32, #tpu.memory_space<vmem>> -> memref<128x64xf32, #tpu.memory_space<vmem>>
        %dma_start3A_399 = arith.constant 0 : i32
        %dma_start3A_400 = tpu.memref_slice %arg5[%select_n3A, %select_n3A_393, %dma_start3A_399] : memref<25x8x128xi32, #tpu.memory_space<vmem>> -> memref<1x1x128xi32, #tpu.memory_space<vmem>>
        %dma_start3A_401 = tpu.memref_squeeze %dma_start3A_400 : memref<1x1x128xi32, #tpu.memory_space<vmem>> -> memref<128xi32, #tpu.memory_space<vmem>>
        %dma_start3A_402 = arith.constant 0 : i32
        %dma_start3A_403 = arith.constant 0 : i32
        %dma_start3A_404 = tpu.memref_slice %arg8[%dma_start3A_402, %dma_start3A_403] : memref<8192x64xf32, #tpu.memory_space<vmem_shared>> -> memref<8192x64xf32, #tpu.memory_space<vmem_shared>>
        tpu.enqueue_indirect_dma source(%dma_start3A_404 : memref<8192x64xf32, #tpu.memory_space<vmem_shared>>) target(%dma_start3A_398 : memref<128x64xf32, #tpu.memory_space<vmem>>) offsets(%dma_start3A_401 : memref<128xi32, #tpu.memory_space<vmem>>) semaphore(%arg10 : memref<!tpu.dma_semaphore, #tpu.memory_space<semaphore_mem>>)
      } else {
      }
      %dma_start3A_232 = arith.constant 1 : i32
      %dma_start3A_233 = arith.constant 0 : i32
      %dma_start3A_234 = arith.constant 0 : i32
      %dma_start3A_235 = arith.constant 0 : i32
      %dma_start3A_236 = tpu.memref_slice %arg7[%dma_start3A_232, %dma_start3A_233, %dma_start3A_234, %dma_start3A_235] : memref<4x8x8x128xf32, #tpu.memory_space<vmem>> -> memref<1x8x8x128xf32, #tpu.memory_space<vmem>>
      %dma_start3A_237 = tpu.memref_squeeze %dma_start3A_236 : memref<1x8x8x128xf32, #tpu.memory_space<vmem>> -> memref<8x8x128xf32, #tpu.memory_space<vmem>>
      %dma_start3A_238 = arith.constant 0 : i32
      %dma_start3A_239 = arith.constant 0 : i32
      %dma_start3A_240 = arith.constant 0 : i32
      %dma_start3A_241 = tpu.memref_slice %arg4[%add3A_200, %dma_start3A_238, %add3A, %dma_start3A_239, %dma_start3A_240] : memref<200x8x32x8x128xf32, #tpu.memory_space<hbm>> -> memref<1x8x1x8x128xf32, #tpu.memory_space<hbm>>
      %dma_start3A_242 = tpu.memref_squeeze %dma_start3A_241 : memref<1x8x1x8x128xf32, #tpu.memory_space<hbm>> -> memref<8x8x128xf32, #tpu.memory_space<hbm>>
      %dma_start3A_243 = arith.constant 0 : i32
      %dma_start3A_244 = arith.constant 0 : i32
      %dma_start3A_245 = arith.constant 0 : i32
      %dma_start3A_246 = tpu.memref_slice %arg4[%add3A_200, %dma_start3A_243, %add3A, %dma_start3A_244, %dma_start3A_245] : memref<200x8x32x8x128xf32, #tpu.memory_space<hbm>> -> memref<1x8x1x8x128xf32, #tpu.memory_space<hbm>>
      %dma_start3A_247 = tpu.memref_squeeze %dma_start3A_246 : memref<1x8x1x8x128xf32, #tpu.memory_space<hbm>> -> memref<8x8x128xf32, #tpu.memory_space<hbm>>
      %dma_start3A_248 = arith.constant 0 : i32
      %dma_start3A_249 = arith.constant 0 : i32
      %dma_start3A_250 = arith.constant 0 : i32
      %dma_start3A_251 = tpu.memref_slice %arg7[%dma_start3A_232, %dma_start3A_248, %dma_start3A_249, %dma_start3A_250] : memref<4x8x8x128xf32, #tpu.memory_space<vmem>> -> memref<1x8x8x128xf32, #tpu.memory_space<vmem>>
      %dma_start3A_252 = tpu.memref_squeeze %dma_start3A_251 : memref<1x8x8x128xf32, #tpu.memory_space<vmem>> -> memref<8x8x128xf32, #tpu.memory_space<vmem>>
      tpu.enqueue_dma source(%dma_start3A_252 : memref<8x8x128xf32, #tpu.memory_space<vmem>>) target(%dma_start3A_247 : memref<8x8x128xf32, #tpu.memory_space<hbm>>) target_semaphore(%arg12 : memref<!tpu.dma_semaphore, #tpu.memory_space<semaphore_mem>>)
      %add3A_253 = arith.constant 2 : i32
      %add3A_254 = arith.addi %add3A_149, %add3A_253 : i32
      %dma_wait3A_255 = arith.constant 0 : i32
      %dma_wait3A_256 = arith.constant 0 : i32
      %dma_wait3A_257 = arith.constant 0 : i32
      %dma_wait3A_258 = tpu.memref_slice %arg6[%dma_wait3A_255, %dma_wait3A_256, %dma_wait3A_257] : memref<2x128x64xf32, #tpu.memory_space<vmem>> -> memref<1x128x64xf32, #tpu.memory_space<vmem>>
      %dma_wait3A_259 = tpu.memref_squeeze %dma_wait3A_258 : memref<1x128x64xf32, #tpu.memory_space<vmem>> -> memref<128x64xf32, #tpu.memory_space<vmem>>
      %dma_wait3A_260 = arith.constant 0 : i32
      %dma_wait3A_261 = arith.constant 0 : i32
      %dma_wait3A_262 = tpu.memref_slice %arg3[%dma_wait3A_260, %dma_wait3A_261] : memref<8192x64xf32, #tpu.memory_space<hbm>> -> memref<128x64xf32, #tpu.memory_space<hbm>>
      %dma_wait3A_263 = arith.constant 0 : i32
      %dma_wait3A_264 = arith.constant 0 : i32
      %dma_wait3A_265 = tpu.memref_slice %arg6[%dma_wait3A_255, %dma_wait3A_263, %dma_wait3A_264] : memref<2x128x64xf32, #tpu.memory_space<vmem>> -> memref<1x128x64xf32, #tpu.memory_space<vmem>>
      %dma_wait3A_266 = tpu.memref_squeeze %dma_wait3A_265 : memref<1x128x64xf32, #tpu.memory_space<vmem>> -> memref<128x64xf32, #tpu.memory_space<vmem>>
      %dma_wait3A_267 = arith.constant 0 : i32
      %dma_wait3A_268 = arith.constant 0 : i32
      %dma_wait3A_269 = tpu.memref_slice %arg3[%dma_wait3A_267, %dma_wait3A_268] : memref<8192x64xf32, #tpu.memory_space<hbm>> -> memref<128x64xf32, #tpu.memory_space<hbm>>
      tpu.wait_dma2 semaphore(%arg9 : memref<!tpu.dma_semaphore, #tpu.memory_space<semaphore_mem>>) src(%dma_wait3A_269 : memref<128x64xf32, #tpu.memory_space<hbm>>) dst(%dma_wait3A_266 : memref<128x64xf32, #tpu.memory_space<vmem>>)
      %ge3A_270 = arith.constant 4 : i32
      %ge3A_271 = arith.cmpi sge, %add3A_254, %ge3A_270 : i32
      %convert_element_type3A_272 = arith.extui %ge3A_271 : i1 to i32
      %cond3A_273 = arith.constant 0 : i32
      %cond3A_274 = arith.cmpi ne, %convert_element_type3A_272, %cond3A_273 : i32
      scf.if %cond3A_274 {
        %dma_wait3A_361 = arith.constant 2 : i32
        %dma_wait3A_362 = arith.constant 0 : i32
        %dma_wait3A_363 = arith.constant 0 : i32
        %dma_wait3A_364 = arith.constant 0 : i32
        %dma_wait3A_365 = arith.constant 0 : i32
        %dma_wait3A_366 = tpu.memref_slice %arg7[%dma_wait3A_361, %dma_wait3A_363, %dma_wait3A_364, %dma_wait3A_365] : memref<4x8x8x128xf32, #tpu.memory_space<vmem>> -> memref<1x8x8x128xf32, #tpu.memory_space<vmem>>
        %dma_wait3A_367 = tpu.memref_squeeze %dma_wait3A_366 : memref<1x8x8x128xf32, #tpu.memory_space<vmem>> -> memref<8x8x128xf32, #tpu.memory_space<vmem>>
        %dma_wait3A_368 = arith.constant 0 : i32
        %dma_wait3A_369 = arith.constant 0 : i32
        %dma_wait3A_370 = arith.constant 0 : i32
        %dma_wait3A_371 = tpu.memref_slice %arg4[%dma_wait3A_362, %dma_wait3A_368, %add3A, %dma_wait3A_369, %dma_wait3A_370] : memref<200x8x32x8x128xf32, #tpu.memory_space<hbm>> -> memref<1x8x1x8x128xf32, #tpu.memory_space<hbm>>
        %dma_wait3A_372 = tpu.memref_squeeze %dma_wait3A_371 : memref<1x8x1x8x128xf32, #tpu.memory_space<hbm>> -> memref<8x8x128xf32, #tpu.memory_space<hbm>>
        %dma_wait3A_373 = arith.constant 0 : i32
        %dma_wait3A_374 = arith.constant 0 : i32
        %dma_wait3A_375 = arith.constant 0 : i32
        %dma_wait3A_376 = tpu.memref_slice %arg4[%dma_wait3A_362, %dma_wait3A_373, %add3A, %dma_wait3A_374, %dma_wait3A_375] : memref<200x8x32x8x128xf32, #tpu.memory_space<hbm>> -> memref<1x8x1x8x128xf32, #tpu.memory_space<hbm>>
        %dma_wait3A_377 = tpu.memref_squeeze %dma_wait3A_376 : memref<1x8x1x8x128xf32, #tpu.memory_space<hbm>> -> memref<8x8x128xf32, #tpu.memory_space<hbm>>
        %dma_wait3A_378 = arith.constant 0 : i32
        %dma_wait3A_379 = arith.constant 0 : i32
        %dma_wait3A_380 = arith.constant 0 : i32
        %dma_wait3A_381 = tpu.memref_slice %arg7[%dma_wait3A_361, %dma_wait3A_378, %dma_wait3A_379, %dma_wait3A_380] : memref<4x8x8x128xf32, #tpu.memory_space<vmem>> -> memref<1x8x8x128xf32, #tpu.memory_space<vmem>>
        %dma_wait3A_382 = tpu.memref_squeeze %dma_wait3A_381 : memref<1x8x8x128xf32, #tpu.memory_space<vmem>> -> memref<8x8x128xf32, #tpu.memory_space<vmem>>
        tpu.wait_dma2 semaphore(%arg13 : memref<!tpu.dma_semaphore, #tpu.memory_space<semaphore_mem>>) src(%dma_wait3A_382 : memref<8x8x128xf32, #tpu.memory_space<vmem>>) dst(%dma_wait3A_377 : memref<8x8x128xf32, #tpu.memory_space<hbm>>)
      } else {
      }
      %parallel_loop3A_275 = arith.constant 0 : i32
      %parallel_loop3A_276 = arith.constant 64 : i32
      %parallel_loop3A_277 = arith.constant 1 : i32
      %parallel_loop3A_278 = arith.constant 0 : i32
      scf.for %parallel_loop3A_361 = %parallel_loop3A_275 to %parallel_loop3A_276 step %parallel_loop3A_277  : i32 {
        %parallel_loop3A_362 = vector.broadcast %parallel_loop3A_361 : i32 to vector<16xi32>
        %parallel_loop3A_363 = arith.constant 8 : i32
        %parallel_loop3A_364 = arith.divsi %parallel_loop3A_361, %parallel_loop3A_363 : i32
        %parallel_loop3A_365 = arith.constant 0 : i32
        %parallel_loop3A_366 = arith.cmpi sgt, %parallel_loop3A_361, %parallel_loop3A_365 : i32
        %parallel_loop3A_367 = arith.extui %parallel_loop3A_366 : i1 to i32
        %parallel_loop3A_368 = arith.constant 0 : i32
        %parallel_loop3A_369 = arith.cmpi slt, %parallel_loop3A_361, %parallel_loop3A_368 : i32
        %parallel_loop3A_370 = arith.extui %parallel_loop3A_369 : i1 to i32
        %parallel_loop3A_371 = arith.subi %parallel_loop3A_367, %parallel_loop3A_370 : i32
        %parallel_loop3A_372 = arith.constant 0 : i32
        %parallel_loop3A_373 = arith.cmpi sgt, %parallel_loop3A_363, %parallel_loop3A_372 : i32
        %parallel_loop3A_374 = arith.extui %parallel_loop3A_373 : i1 to i32
        %parallel_loop3A_375 = arith.constant 0 : i32
        %parallel_loop3A_376 = arith.cmpi slt, %parallel_loop3A_363, %parallel_loop3A_375 : i32
        %parallel_loop3A_377 = arith.extui %parallel_loop3A_376 : i1 to i32
        %parallel_loop3A_378 = arith.subi %parallel_loop3A_374, %parallel_loop3A_377 : i32
        %parallel_loop3A_379 = arith.cmpi ne, %parallel_loop3A_371, %parallel_loop3A_378 : i32
        %parallel_loop3A_380 = arith.remsi %parallel_loop3A_361, %parallel_loop3A_363 : i32
        %parallel_loop3A_381 = arith.constant 0 : i32
        %parallel_loop3A_382 = arith.cmpi ne, %parallel_loop3A_380, %parallel_loop3A_381 : i32
        %parallel_loop3A_383 = arith.andi %parallel_loop3A_379, %parallel_loop3A_382 : i1
        %parallel_loop3A_384 = arith.constant 1 : i32
        %parallel_loop3A_385 = arith.subi %parallel_loop3A_364, %parallel_loop3A_384 : i32
        %parallel_loop3A_386 = arith.select %parallel_loop3A_383, %parallel_loop3A_385, %parallel_loop3A_364 : i32
        %parallel_loop3A_387 = arith.constant 8 : i32
        %parallel_loop3A_388 = arith.constant 0 : i32
        %parallel_loop3A_389 = arith.cmpi eq, %parallel_loop3A_387, %parallel_loop3A_388 : i32
        %parallel_loop3A_390 = arith.constant 1 : i32
        %parallel_loop3A_391 = arith.select %parallel_loop3A_389, %parallel_loop3A_390, %parallel_loop3A_387 : i32
        %parallel_loop3A_392 = arith.remsi %parallel_loop3A_361, %parallel_loop3A_391 : i32
        %parallel_loop3A_393 = arith.constant 0 : i32
        %parallel_loop3A_394 = arith.cmpi ne, %parallel_loop3A_392, %parallel_loop3A_393 : i32
        %parallel_loop3A_395 = arith.constant 0 : i32
        %parallel_loop3A_396 = arith.cmpi slt, %parallel_loop3A_392, %parallel_loop3A_395 : i32
        %parallel_loop3A_397 = arith.constant 0 : i32
        %parallel_loop3A_398 = arith.cmpi slt, %parallel_loop3A_391, %parallel_loop3A_397 : i32
        %parallel_loop3A_399 = arith.xori %parallel_loop3A_396, %parallel_loop3A_398 : i1
        %parallel_loop3A_400 = arith.andi %parallel_loop3A_399, %parallel_loop3A_394 : i1
        %parallel_loop3A_401 = arith.addi %parallel_loop3A_392, %parallel_loop3A_391 : i32
        %parallel_loop3A_402 = arith.select %parallel_loop3A_400, %parallel_loop3A_401, %parallel_loop3A_392 : i32
        %parallel_loop3A_403 = arith.constant 0 : i32
        %parallel_loop3A_404 = arith.constant 0 : i32
        %parallel_loop3A_405 = tpu.memref_slice %arg6[%parallel_loop3A_278, %parallel_loop3A_403, %parallel_loop3A_404] : memref<2x128x64xf32, #tpu.memory_space<vmem>> -> memref<1x128x64xf32, #tpu.memory_space<vmem>>
        %parallel_loop3A_406 = tpu.memref_squeeze %parallel_loop3A_405 : memref<1x128x64xf32, #tpu.memory_space<vmem>> -> memref<128x64xf32, #tpu.memory_space<vmem>>
        %parallel_loop3A_407 = tpu.vector_load_idx %parallel_loop3A_406[%add3A_7, %parallel_loop3A_362] : memref<128x64xf32, #tpu.memory_space<vmem>>[vector<16xi32>, vector<16xi32>], vector<16xf32>,
        %parallel_loop3A_408 = arith.constant 2 : i32
        %parallel_loop3A_409 = arith.index_cast %parallel_loop3A_408 : i32 to index
        %parallel_loop3A_410 = arith.index_cast %parallel_loop3A_386 : i32 to index
        %parallel_loop3A_411 = arith.index_cast %parallel_loop3A_402 : i32 to index
        %parallel_loop3A_412 = arith.constant 0 : index
        %parallel_loop3A_413 = tpu.vector_load %arg7[%parallel_loop3A_409, %parallel_loop3A_410, %parallel_loop3A_411, %parallel_loop3A_412] {strides = array<i32>} : memref<4x8x8x128xf32, #tpu.memory_space<vmem>>, vector<16xf32>,
        tpu.vector_store %arg7[%parallel_loop3A_409, %parallel_loop3A_410, %parallel_loop3A_411, %parallel_loop3A_412], %parallel_loop3A_407 {strides = array<i32>} : memref<4x8x8x128xf32, #tpu.memory_space<vmem>>, vector<16xf32>,
        %parallel_loop3A_414 = arith.constant 0 : i32
        %parallel_loop3A_415 = arith.constant 0 : i32
        %parallel_loop3A_416 = tpu.memref_slice %arg6[%parallel_loop3A_278, %parallel_loop3A_414, %parallel_loop3A_415] : memref<2x128x64xf32, #tpu.memory_space<vmem>> -> memref<1x128x64xf32, #tpu.memory_space<vmem>>
        %parallel_loop3A_417 = tpu.memref_squeeze %parallel_loop3A_416 : memref<1x128x64xf32, #tpu.memory_space<vmem>> -> memref<128x64xf32, #tpu.memory_space<vmem>>
        %parallel_loop3A_418 = tpu.vector_load_idx %parallel_loop3A_417[%add3A_10, %parallel_loop3A_362] : memref<128x64xf32, #tpu.memory_space<vmem>>[vector<16xi32>, vector<16xi32>], vector<16xf32>,
        %parallel_loop3A_419 = arith.constant 2 : i32
        %parallel_loop3A_420 = arith.index_cast %parallel_loop3A_419 : i32 to index
        %parallel_loop3A_421 = arith.index_cast %parallel_loop3A_386 : i32 to index
        %parallel_loop3A_422 = arith.index_cast %parallel_loop3A_402 : i32 to index
        %parallel_loop3A_423 = arith.constant 16 : index
        %parallel_loop3A_424 = tpu.vector_load %arg7[%parallel_loop3A_420, %parallel_loop3A_421, %parallel_loop3A_422, %parallel_loop3A_423] {strides = array<i32>} : memref<4x8x8x128xf32, #tpu.memory_space<vmem>>, vector<16xf32>,
        tpu.vector_store %arg7[%parallel_loop3A_420, %parallel_loop3A_421, %parallel_loop3A_422, %parallel_loop3A_423], %parallel_loop3A_418 {strides = array<i32>} : memref<4x8x8x128xf32, #tpu.memory_space<vmem>>, vector<16xf32>,
        %parallel_loop3A_425 = arith.constant 0 : i32
        %parallel_loop3A_426 = arith.constant 0 : i32
        %parallel_loop3A_427 = tpu.memref_slice %arg6[%parallel_loop3A_278, %parallel_loop3A_425, %parallel_loop3A_426] : memref<2x128x64xf32, #tpu.memory_space<vmem>> -> memref<1x128x64xf32, #tpu.memory_space<vmem>>
        %parallel_loop3A_428 = tpu.memref_squeeze %parallel_loop3A_427 : memref<1x128x64xf32, #tpu.memory_space<vmem>> -> memref<128x64xf32, #tpu.memory_space<vmem>>
        %parallel_loop3A_429 = tpu.vector_load_idx %parallel_loop3A_428[%add3A_13, %parallel_loop3A_362] : memref<128x64xf32, #tpu.memory_space<vmem>>[vector<16xi32>, vector<16xi32>], vector<16xf32>,
        %parallel_loop3A_430 = arith.constant 2 : i32
        %parallel_loop3A_431 = arith.index_cast %parallel_loop3A_430 : i32 to index
        %parallel_loop3A_432 = arith.index_cast %parallel_loop3A_386 : i32 to index
        %parallel_loop3A_433 = arith.index_cast %parallel_loop3A_402 : i32 to index
        %parallel_loop3A_434 = arith.constant 32 : index
        %parallel_loop3A_435 = tpu.vector_load %arg7[%parallel_loop3A_431, %parallel_loop3A_432, %parallel_loop3A_433, %parallel_loop3A_434] {strides = array<i32>} : memref<4x8x8x128xf32, #tpu.memory_space<vmem>>, vector<16xf32>,
        tpu.vector_store %arg7[%parallel_loop3A_431, %parallel_loop3A_432, %parallel_loop3A_433, %parallel_loop3A_434], %parallel_loop3A_429 {strides = array<i32>} : memref<4x8x8x128xf32, #tpu.memory_space<vmem>>, vector<16xf32>,
        %parallel_loop3A_436 = arith.constant 0 : i32
        %parallel_loop3A_437 = arith.constant 0 : i32
        %parallel_loop3A_438 = tpu.memref_slice %arg6[%parallel_loop3A_278, %parallel_loop3A_436, %parallel_loop3A_437] : memref<2x128x64xf32, #tpu.memory_space<vmem>> -> memref<1x128x64xf32, #tpu.memory_space<vmem>>
        %parallel_loop3A_439 = tpu.memref_squeeze %parallel_loop3A_438 : memref<1x128x64xf32, #tpu.memory_space<vmem>> -> memref<128x64xf32, #tpu.memory_space<vmem>>
        %parallel_loop3A_440 = tpu.vector_load_idx %parallel_loop3A_439[%add3A_16, %parallel_loop3A_362] : memref<128x64xf32, #tpu.memory_space<vmem>>[vector<16xi32>, vector<16xi32>], vector<16xf32>,
        %parallel_loop3A_441 = arith.constant 2 : i32
        %parallel_loop3A_442 = arith.index_cast %parallel_loop3A_441 : i32 to index
        %parallel_loop3A_443 = arith.index_cast %parallel_loop3A_386 : i32 to index
        %parallel_loop3A_444 = arith.index_cast %parallel_loop3A_402 : i32 to index
        %parallel_loop3A_445 = arith.constant 48 : index
        %parallel_loop3A_446 = tpu.vector_load %arg7[%parallel_loop3A_442, %parallel_loop3A_443, %parallel_loop3A_444, %parallel_loop3A_445] {strides = array<i32>} : memref<4x8x8x128xf32, #tpu.memory_space<vmem>>, vector<16xf32>,
        tpu.vector_store %arg7[%parallel_loop3A_442, %parallel_loop3A_443, %parallel_loop3A_444, %parallel_loop3A_445], %parallel_loop3A_440 {strides = array<i32>} : memref<4x8x8x128xf32, #tpu.memory_space<vmem>>, vector<16xf32>,
        %parallel_loop3A_447 = arith.constant 0 : i32
        %parallel_loop3A_448 = arith.constant 0 : i32
        %parallel_loop3A_449 = tpu.memref_slice %arg6[%parallel_loop3A_278, %parallel_loop3A_447, %parallel_loop3A_448] : memref<2x128x64xf32, #tpu.memory_space<vmem>> -> memref<1x128x64xf32, #tpu.memory_space<vmem>>
        %parallel_loop3A_450 = tpu.memref_squeeze %parallel_loop3A_449 : memref<1x128x64xf32, #tpu.memory_space<vmem>> -> memref<128x64xf32, #tpu.memory_space<vmem>>
        %parallel_loop3A_451 = tpu.vector_load_idx %parallel_loop3A_450[%add3A_19, %parallel_loop3A_362] : memref<128x64xf32, #tpu.memory_space<vmem>>[vector<16xi32>, vector<16xi32>], vector<16xf32>,
        %parallel_loop3A_452 = arith.constant 2 : i32
        %parallel_loop3A_453 = arith.index_cast %parallel_loop3A_452 : i32 to index
        %parallel_loop3A_454 = arith.index_cast %parallel_loop3A_386 : i32 to index
        %parallel_loop3A_455 = arith.index_cast %parallel_loop3A_402 : i32 to index
        %parallel_loop3A_456 = arith.constant 64 : index
        %parallel_loop3A_457 = tpu.vector_load %arg7[%parallel_loop3A_453, %parallel_loop3A_454, %parallel_loop3A_455, %parallel_loop3A_456] {strides = array<i32>} : memref<4x8x8x128xf32, #tpu.memory_space<vmem>>, vector<16xf32>,
        tpu.vector_store %arg7[%parallel_loop3A_453, %parallel_loop3A_454, %parallel_loop3A_455, %parallel_loop3A_456], %parallel_loop3A_451 {strides = array<i32>} : memref<4x8x8x128xf32, #tpu.memory_space<vmem>>, vector<16xf32>,
        %parallel_loop3A_458 = arith.constant 0 : i32
        %parallel_loop3A_459 = arith.constant 0 : i32
        %parallel_loop3A_460 = tpu.memref_slice %arg6[%parallel_loop3A_278, %parallel_loop3A_458, %parallel_loop3A_459] : memref<2x128x64xf32, #tpu.memory_space<vmem>> -> memref<1x128x64xf32, #tpu.memory_space<vmem>>
        %parallel_loop3A_461 = tpu.memref_squeeze %parallel_loop3A_460 : memref<1x128x64xf32, #tpu.memory_space<vmem>> -> memref<128x64xf32, #tpu.memory_space<vmem>>
        %parallel_loop3A_462 = tpu.vector_load_idx %parallel_loop3A_461[%add3A_22, %parallel_loop3A_362] : memref<128x64xf32, #tpu.memory_space<vmem>>[vector<16xi32>, vector<16xi32>], vector<16xf32>,
        %parallel_loop3A_463 = arith.constant 2 : i32
        %parallel_loop3A_464 = arith.index_cast %parallel_loop3A_463 : i32 to index
        %parallel_loop3A_465 = arith.index_cast %parallel_loop3A_386 : i32 to index
        %parallel_loop3A_466 = arith.index_cast %parallel_loop3A_402 : i32 to index
        %parallel_loop3A_467 = arith.constant 80 : index
        %parallel_loop3A_468 = tpu.vector_load %arg7[%parallel_loop3A_464, %parallel_loop3A_465, %parallel_loop3A_466, %parallel_loop3A_467] {strides = array<i32>} : memref<4x8x8x128xf32, #tpu.memory_space<vmem>>, vector<16xf32>,
        tpu.vector_store %arg7[%parallel_loop3A_464, %parallel_loop3A_465, %parallel_loop3A_466, %parallel_loop3A_467], %parallel_loop3A_462 {strides = array<i32>} : memref<4x8x8x128xf32, #tpu.memory_space<vmem>>, vector<16xf32>,
        %parallel_loop3A_469 = arith.constant 0 : i32
        %parallel_loop3A_470 = arith.constant 0 : i32
        %parallel_loop3A_471 = tpu.memref_slice %arg6[%parallel_loop3A_278, %parallel_loop3A_469, %parallel_loop3A_470] : memref<2x128x64xf32, #tpu.memory_space<vmem>> -> memref<1x128x64xf32, #tpu.memory_space<vmem>>
        %parallel_loop3A_472 = tpu.memref_squeeze %parallel_loop3A_471 : memref<1x128x64xf32, #tpu.memory_space<vmem>> -> memref<128x64xf32, #tpu.memory_space<vmem>>
        %parallel_loop3A_473 = tpu.vector_load_idx %parallel_loop3A_472[%add3A_25, %parallel_loop3A_362] : memref<128x64xf32, #tpu.memory_space<vmem>>[vector<16xi32>, vector<16xi32>], vector<16xf32>,
        %parallel_loop3A_474 = arith.constant 2 : i32
        %parallel_loop3A_475 = arith.index_cast %parallel_loop3A_474 : i32 to index
        %parallel_loop3A_476 = arith.index_cast %parallel_loop3A_386 : i32 to index
        %parallel_loop3A_477 = arith.index_cast %parallel_loop3A_402 : i32 to index
        %parallel_loop3A_478 = arith.constant 96 : index
        %parallel_loop3A_479 = tpu.vector_load %arg7[%parallel_loop3A_475, %parallel_loop3A_476, %parallel_loop3A_477, %parallel_loop3A_478] {strides = array<i32>} : memref<4x8x8x128xf32, #tpu.memory_space<vmem>>, vector<16xf32>,
        tpu.vector_store %arg7[%parallel_loop3A_475, %parallel_loop3A_476, %parallel_loop3A_477, %parallel_loop3A_478], %parallel_loop3A_473 {strides = array<i32>} : memref<4x8x8x128xf32, #tpu.memory_space<vmem>>, vector<16xf32>,
        %parallel_loop3A_480 = arith.constant 0 : i32
        %parallel_loop3A_481 = arith.constant 0 : i32
        %parallel_loop3A_482 = tpu.memref_slice %arg6[%parallel_loop3A_278, %parallel_loop3A_480, %parallel_loop3A_481] : memref<2x128x64xf32, #tpu.memory_space<vmem>> -> memref<1x128x64xf32, #tpu.memory_space<vmem>>
        %parallel_loop3A_483 = tpu.memref_squeeze %parallel_loop3A_482 : memref<1x128x64xf32, #tpu.memory_space<vmem>> -> memref<128x64xf32, #tpu.memory_space<vmem>>
        %parallel_loop3A_484 = tpu.vector_load_idx %parallel_loop3A_483[%add3A_28, %parallel_loop3A_362] : memref<128x64xf32, #tpu.memory_space<vmem>>[vector<16xi32>, vector<16xi32>], vector<16xf32>,
        %parallel_loop3A_485 = arith.constant 2 : i32
        %parallel_loop3A_486 = arith.index_cast %parallel_loop3A_485 : i32 to index
        %parallel_loop3A_487 = arith.index_cast %parallel_loop3A_386 : i32 to index
        %parallel_loop3A_488 = arith.index_cast %parallel_loop3A_402 : i32 to index
        %parallel_loop3A_489 = arith.constant 112 : index
        %parallel_loop3A_490 = tpu.vector_load %arg7[%parallel_loop3A_486, %parallel_loop3A_487, %parallel_loop3A_488, %parallel_loop3A_489] {strides = array<i32>} : memref<4x8x8x128xf32, #tpu.memory_space<vmem>>, vector<16xf32>,
        tpu.vector_store %arg7[%parallel_loop3A_486, %parallel_loop3A_487, %parallel_loop3A_488, %parallel_loop3A_489], %parallel_loop3A_484 {strides = array<i32>} : memref<4x8x8x128xf32, #tpu.memory_space<vmem>>, vector<16xf32>,
      } {sc.loop_unroll_factor = 8 : i64, sc.parallel_access}
      %add3A_279 = arith.constant 2 : i32
      %add3A_280 = arith.addi %add3A_254, %add3A_279 : i32
      %lt3A_281 = arith.constant 200 : i32
      %lt3A_282 = arith.cmpi slt, %add3A_280, %lt3A_281 : i32
      %convert_element_type3A_283 = arith.extui %lt3A_282 : i1 to i32
      %cond3A_284 = arith.constant 0 : i32
      %cond3A_285 = arith.cmpi ne, %convert_element_type3A_283, %cond3A_284 : i32
      scf.if %cond3A_285 {
        %add3A_361 = arith.constant 2 : i32
        %add3A_362 = arith.addi %add3A_254, %add3A_361 : i32
        %jit3A = arith.constant 8 : i32
        %div3A = arith.divsi %add3A_362, %jit3A : i32
        %sign3A = arith.constant 0 : i32
        %sign3A_363 = arith.cmpi sgt, %add3A_362, %sign3A : i32
        %sign3A_364 = arith.extui %sign3A_363 : i1 to i32
        %sign3A_365 = arith.constant 0 : i32
        %sign3A_366 = arith.cmpi slt, %add3A_362, %sign3A_365 : i32
        %sign3A_367 = arith.extui %sign3A_366 : i1 to i32
        %sign3A_368 = arith.subi %sign3A_364, %sign3A_367 : i32
        %sign3A_369 = arith.constant 0 : i32
        %sign3A_370 = arith.cmpi sgt, %jit3A, %sign3A_369 : i32
        %sign3A_371 = arith.extui %sign3A_370 : i1 to i32
        %sign3A_372 = arith.constant 0 : i32
        %sign3A_373 = arith.cmpi slt, %jit3A, %sign3A_372 : i32
        %sign3A_374 = arith.extui %sign3A_373 : i1 to i32
        %sign3A_375 = arith.subi %sign3A_371, %sign3A_374 : i32
        %ne3A = arith.cmpi ne, %sign3A_368, %sign3A_375 : i32
        %rem3A = arith.remsi %add3A_362, %jit3A : i32
        %ne3A_376 = arith.constant 0 : i32
        %ne3A_377 = arith.cmpi ne, %rem3A, %ne3A_376 : i32
        %and3A = arith.andi %ne3A, %ne3A_377 : i1
        %sub3A = arith.constant 1 : i32
        %sub3A_378 = arith.subi %div3A, %sub3A : i32
        %select_n3A = arith.select %and3A, %sub3A_378, %div3A : i32
        %jit3A_379 = arith.constant 8 : i32
        %eq3A = arith.constant 0 : i32
        %eq3A_380 = arith.cmpi eq, %jit3A_379, %eq3A : i32
        %jit3A_381 = arith.constant 1 : i32
        %select_n3A_382 = arith.select %eq3A_380, %jit3A_381, %jit3A_379 : i32
        %rem3A_383 = arith.remsi %add3A_362, %select_n3A_382 : i32
        %ne3A_384 = arith.constant 0 : i32
        %ne3A_385 = arith.cmpi ne, %rem3A_383, %ne3A_384 : i32
        %lt3A_386 = arith.constant 0 : i32
        %lt3A_387 = arith.cmpi slt, %rem3A_383, %lt3A_386 : i32
        %lt3A_388 = arith.constant 0 : i32
        %lt3A_389 = arith.cmpi slt, %select_n3A_382, %lt3A_388 : i32
        %ne3A_390 = arith.xori %lt3A_387, %lt3A_389 : i1
        %and3A_391 = arith.andi %ne3A_390, %ne3A_385 : i1
        %add3A_392 = arith.addi %rem3A_383, %select_n3A_382 : i32
        %select_n3A_393 = arith.select %and3A_391, %add3A_392, %rem3A_383 : i32
        %dma_start3A_394 = arith.constant 0 : i32
        %dma_start3A_395 = arith.constant 0 : i32
        %dma_start3A_396 = arith.constant 0 : i32
        %dma_start3A_397 = tpu.memref_slice %arg6[%dma_start3A_394, %dma_start3A_395, %dma_start3A_396] : memref<2x128x64xf32, #tpu.memory_space<vmem>> -> memref<1x128x64xf32, #tpu.memory_space<vmem>>
        %dma_start3A_398 = tpu.memref_squeeze %dma_start3A_397 : memref<1x128x64xf32, #tpu.memory_space<vmem>> -> memref<128x64xf32, #tpu.memory_space<vmem>>
        %dma_start3A_399 = arith.constant 0 : i32
        %dma_start3A_400 = tpu.memref_slice %arg5[%select_n3A, %select_n3A_393, %dma_start3A_399] : memref<25x8x128xi32, #tpu.memory_space<vmem>> -> memref<1x1x128xi32, #tpu.memory_space<vmem>>
        %dma_start3A_401 = tpu.memref_squeeze %dma_start3A_400 : memref<1x1x128xi32, #tpu.memory_space<vmem>> -> memref<128xi32, #tpu.memory_space<vmem>>
        %dma_start3A_402 = arith.constant 0 : i32
        %dma_start3A_403 = arith.constant 0 : i32
        %dma_start3A_404 = tpu.memref_slice %arg8[%dma_start3A_402, %dma_start3A_403] : memref<8192x64xf32, #tpu.memory_space<vmem_shared>> -> memref<8192x64xf32, #tpu.memory_space<vmem_shared>>
        tpu.enqueue_indirect_dma source(%dma_start3A_404 : memref<8192x64xf32, #tpu.memory_space<vmem_shared>>) target(%dma_start3A_398 : memref<128x64xf32, #tpu.memory_space<vmem>>) offsets(%dma_start3A_401 : memref<128xi32, #tpu.memory_space<vmem>>) semaphore(%arg9 : memref<!tpu.dma_semaphore, #tpu.memory_space<semaphore_mem>>)
      } else {
      }
      %dma_start3A_286 = arith.constant 2 : i32
      %dma_start3A_287 = arith.constant 0 : i32
      %dma_start3A_288 = arith.constant 0 : i32
      %dma_start3A_289 = arith.constant 0 : i32
      %dma_start3A_290 = tpu.memref_slice %arg7[%dma_start3A_286, %dma_start3A_287, %dma_start3A_288, %dma_start3A_289] : memref<4x8x8x128xf32, #tpu.memory_space<vmem>> -> memref<1x8x8x128xf32, #tpu.memory_space<vmem>>
      %dma_start3A_291 = tpu.memref_squeeze %dma_start3A_290 : memref<1x8x8x128xf32, #tpu.memory_space<vmem>> -> memref<8x8x128xf32, #tpu.memory_space<vmem>>
      %dma_start3A_292 = arith.constant 0 : i32
      %dma_start3A_293 = arith.constant 0 : i32
      %dma_start3A_294 = arith.constant 0 : i32
      %dma_start3A_295 = tpu.memref_slice %arg4[%add3A_254, %dma_start3A_292, %add3A, %dma_start3A_293, %dma_start3A_294] : memref<200x8x32x8x128xf32, #tpu.memory_space<hbm>> -> memref<1x8x1x8x128xf32, #tpu.memory_space<hbm>>
      %dma_start3A_296 = tpu.memref_squeeze %dma_start3A_295 : memref<1x8x1x8x128xf32, #tpu.memory_space<hbm>> -> memref<8x8x128xf32, #tpu.memory_space<hbm>>
      %dma_start3A_297 = arith.constant 0 : i32
      %dma_start3A_298 = arith.constant 0 : i32
      %dma_start3A_299 = arith.constant 0 : i32
      %dma_start3A_300 = tpu.memref_slice %arg4[%add3A_254, %dma_start3A_297, %add3A, %dma_start3A_298, %dma_start3A_299] : memref<200x8x32x8x128xf32, #tpu.memory_space<hbm>> -> memref<1x8x1x8x128xf32, #tpu.memory_space<hbm>>
      %dma_start3A_301 = tpu.memref_squeeze %dma_start3A_300 : memref<1x8x1x8x128xf32, #tpu.memory_space<hbm>> -> memref<8x8x128xf32, #tpu.memory_space<hbm>>
      %dma_start3A_302 = arith.constant 0 : i32
      %dma_start3A_303 = arith.constant 0 : i32
      %dma_start3A_304 = arith.constant 0 : i32
      %dma_start3A_305 = tpu.memref_slice %arg7[%dma_start3A_286, %dma_start3A_302, %dma_start3A_303, %dma_start3A_304] : memref<4x8x8x128xf32, #tpu.memory_space<vmem>> -> memref<1x8x8x128xf32, #tpu.memory_space<vmem>>
      %dma_start3A_306 = tpu.memref_squeeze %dma_start3A_305 : memref<1x8x8x128xf32, #tpu.memory_space<vmem>> -> memref<8x8x128xf32, #tpu.memory_space<vmem>>
      tpu.enqueue_dma source(%dma_start3A_306 : memref<8x8x128xf32, #tpu.memory_space<vmem>>) target(%dma_start3A_301 : memref<8x8x128xf32, #tpu.memory_space<hbm>>) target_semaphore(%arg13 : memref<!tpu.dma_semaphore, #tpu.memory_space<semaphore_mem>>)
      %add3A_307 = arith.constant 3 : i32
      %add3A_308 = arith.addi %add3A_149, %add3A_307 : i32
      %dma_wait3A_309 = arith.constant 1 : i32
      %dma_wait3A_310 = arith.constant 0 : i32
      %dma_wait3A_311 = arith.constant 0 : i32
      %dma_wait3A_312 = tpu.memref_slice %arg6[%dma_wait3A_309, %dma_wait3A_310, %dma_wait3A_311] : memref<2x128x64xf32, #tpu.memory_space<vmem>> -> memref<1x128x64xf32, #tpu.memory_space<vmem>>
      %dma_wait3A_313 = tpu.memref_squeeze %dma_wait3A_312 : memref<1x128x64xf32, #tpu.memory_space<vmem>> -> memref<128x64xf32, #tpu.memory_space<vmem>>
      %dma_wait3A_314 = arith.constant 0 : i32
      %dma_wait3A_315 = arith.constant 0 : i32
      %dma_wait3A_316 = tpu.memref_slice %arg3[%dma_wait3A_314, %dma_wait3A_315] : memref<8192x64xf32, #tpu.memory_space<hbm>> -> memref<128x64xf32, #tpu.memory_space<hbm>>
      %dma_wait3A_317 = arith.constant 0 : i32
      %dma_wait3A_318 = arith.constant 0 : i32
      %dma_wait3A_319 = tpu.memref_slice %arg6[%dma_wait3A_309, %dma_wait3A_317, %dma_wait3A_318] : memref<2x128x64xf32, #tpu.memory_space<vmem>> -> memref<1x128x64xf32, #tpu.memory_space<vmem>>
      %dma_wait3A_320 = tpu.memref_squeeze %dma_wait3A_319 : memref<1x128x64xf32, #tpu.memory_space<vmem>> -> memref<128x64xf32, #tpu.memory_space<vmem>>
      %dma_wait3A_321 = arith.constant 0 : i32
      %dma_wait3A_322 = arith.constant 0 : i32
      %dma_wait3A_323 = tpu.memref_slice %arg3[%dma_wait3A_321, %dma_wait3A_322] : memref<8192x64xf32, #tpu.memory_space<hbm>> -> memref<128x64xf32, #tpu.memory_space<hbm>>
      tpu.wait_dma2 semaphore(%arg10 : memref<!tpu.dma_semaphore, #tpu.memory_space<semaphore_mem>>) src(%dma_wait3A_323 : memref<128x64xf32, #tpu.memory_space<hbm>>) dst(%dma_wait3A_320 : memref<128x64xf32, #tpu.memory_space<vmem>>)
      %ge3A_324 = arith.constant 4 : i32
      %ge3A_325 = arith.cmpi sge, %add3A_308, %ge3A_324 : i32
      %convert_element_type3A_326 = arith.extui %ge3A_325 : i1 to i32
      %cond3A_327 = arith.constant 0 : i32
      %cond3A_328 = arith.cmpi ne, %convert_element_type3A_326, %cond3A_327 : i32
      scf.if %cond3A_328 {
        %dma_wait3A_361 = arith.constant 3 : i32
        %dma_wait3A_362 = arith.constant 0 : i32
        %dma_wait3A_363 = arith.constant 0 : i32
        %dma_wait3A_364 = arith.constant 0 : i32
        %dma_wait3A_365 = arith.constant 0 : i32
        %dma_wait3A_366 = tpu.memref_slice %arg7[%dma_wait3A_361, %dma_wait3A_363, %dma_wait3A_364, %dma_wait3A_365] : memref<4x8x8x128xf32, #tpu.memory_space<vmem>> -> memref<1x8x8x128xf32, #tpu.memory_space<vmem>>
        %dma_wait3A_367 = tpu.memref_squeeze %dma_wait3A_366 : memref<1x8x8x128xf32, #tpu.memory_space<vmem>> -> memref<8x8x128xf32, #tpu.memory_space<vmem>>
        %dma_wait3A_368 = arith.constant 0 : i32
        %dma_wait3A_369 = arith.constant 0 : i32
        %dma_wait3A_370 = arith.constant 0 : i32
        %dma_wait3A_371 = tpu.memref_slice %arg4[%dma_wait3A_362, %dma_wait3A_368, %add3A, %dma_wait3A_369, %dma_wait3A_370] : memref<200x8x32x8x128xf32, #tpu.memory_space<hbm>> -> memref<1x8x1x8x128xf32, #tpu.memory_space<hbm>>
        %dma_wait3A_372 = tpu.memref_squeeze %dma_wait3A_371 : memref<1x8x1x8x128xf32, #tpu.memory_space<hbm>> -> memref<8x8x128xf32, #tpu.memory_space<hbm>>
        %dma_wait3A_373 = arith.constant 0 : i32
        %dma_wait3A_374 = arith.constant 0 : i32
        %dma_wait3A_375 = arith.constant 0 : i32
        %dma_wait3A_376 = tpu.memref_slice %arg4[%dma_wait3A_362, %dma_wait3A_373, %add3A, %dma_wait3A_374, %dma_wait3A_375] : memref<200x8x32x8x128xf32, #tpu.memory_space<hbm>> -> memref<1x8x1x8x128xf32, #tpu.memory_space<hbm>>
        %dma_wait3A_377 = tpu.memref_squeeze %dma_wait3A_376 : memref<1x8x1x8x128xf32, #tpu.memory_space<hbm>> -> memref<8x8x128xf32, #tpu.memory_space<hbm>>
        %dma_wait3A_378 = arith.constant 0 : i32
        %dma_wait3A_379 = arith.constant 0 : i32
        %dma_wait3A_380 = arith.constant 0 : i32
        %dma_wait3A_381 = tpu.memref_slice %arg7[%dma_wait3A_361, %dma_wait3A_378, %dma_wait3A_379, %dma_wait3A_380] : memref<4x8x8x128xf32, #tpu.memory_space<vmem>> -> memref<1x8x8x128xf32, #tpu.memory_space<vmem>>
        %dma_wait3A_382 = tpu.memref_squeeze %dma_wait3A_381 : memref<1x8x8x128xf32, #tpu.memory_space<vmem>> -> memref<8x8x128xf32, #tpu.memory_space<vmem>>
        tpu.wait_dma2 semaphore(%arg14 : memref<!tpu.dma_semaphore, #tpu.memory_space<semaphore_mem>>) src(%dma_wait3A_382 : memref<8x8x128xf32, #tpu.memory_space<vmem>>) dst(%dma_wait3A_377 : memref<8x8x128xf32, #tpu.memory_space<hbm>>)
      } else {
      }
      %parallel_loop3A_329 = arith.constant 0 : i32
      %parallel_loop3A_330 = arith.constant 64 : i32
      %parallel_loop3A_331 = arith.constant 1 : i32
      %parallel_loop3A_332 = arith.constant 1 : i32
      scf.for %parallel_loop3A_361 = %parallel_loop3A_329 to %parallel_loop3A_330 step %parallel_loop3A_331  : i32 {
        %parallel_loop3A_362 = vector.broadcast %parallel_loop3A_361 : i32 to vector<16xi32>
        %parallel_loop3A_363 = arith.constant 8 : i32
        %parallel_loop3A_364 = arith.divsi %parallel_loop3A_361, %parallel_loop3A_363 : i32
        %parallel_loop3A_365 = arith.constant 0 : i32
        %parallel_loop3A_366 = arith.cmpi sgt, %parallel_loop3A_361, %parallel_loop3A_365 : i32
        %parallel_loop3A_367 = arith.extui %parallel_loop3A_366 : i1 to i32
        %parallel_loop3A_368 = arith.constant 0 : i32
        %parallel_loop3A_369 = arith.cmpi slt, %parallel_loop3A_361, %parallel_loop3A_368 : i32
        %parallel_loop3A_370 = arith.extui %parallel_loop3A_369 : i1 to i32
        %parallel_loop3A_371 = arith.subi %parallel_loop3A_367, %parallel_loop3A_370 : i32
        %parallel_loop3A_372 = arith.constant 0 : i32
        %parallel_loop3A_373 = arith.cmpi sgt, %parallel_loop3A_363, %parallel_loop3A_372 : i32
        %parallel_loop3A_374 = arith.extui %parallel_loop3A_373 : i1 to i32
        %parallel_loop3A_375 = arith.constant 0 : i32
        %parallel_loop3A_376 = arith.cmpi slt, %parallel_loop3A_363, %parallel_loop3A_375 : i32
        %parallel_loop3A_377 = arith.extui %parallel_loop3A_376 : i1 to i32
        %parallel_loop3A_378 = arith.subi %parallel_loop3A_374, %parallel_loop3A_377 : i32
        %parallel_loop3A_379 = arith.cmpi ne, %parallel_loop3A_371, %parallel_loop3A_378 : i32
        %parallel_loop3A_380 = arith.remsi %parallel_loop3A_361, %parallel_loop3A_363 : i32
        %parallel_loop3A_381 = arith.constant 0 : i32
        %parallel_loop3A_382 = arith.cmpi ne, %parallel_loop3A_380, %parallel_loop3A_381 : i32
        %parallel_loop3A_383 = arith.andi %parallel_loop3A_379, %parallel_loop3A_382 : i1
        %parallel_loop3A_384 = arith.constant 1 : i32
        %parallel_loop3A_385 = arith.subi %parallel_loop3A_364, %parallel_loop3A_384 : i32
        %parallel_loop3A_386 = arith.select %parallel_loop3A_383, %parallel_loop3A_385, %parallel_loop3A_364 : i32
        %parallel_loop3A_387 = arith.constant 8 : i32
        %parallel_loop3A_388 = arith.constant 0 : i32
        %parallel_loop3A_389 = arith.cmpi eq, %parallel_loop3A_387, %parallel_loop3A_388 : i32
        %parallel_loop3A_390 = arith.constant 1 : i32
        %parallel_loop3A_391 = arith.select %parallel_loop3A_389, %parallel_loop3A_390, %parallel_loop3A_387 : i32
        %parallel_loop3A_392 = arith.remsi %parallel_loop3A_361, %parallel_loop3A_391 : i32
        %parallel_loop3A_393 = arith.constant 0 : i32
        %parallel_loop3A_394 = arith.cmpi ne, %parallel_loop3A_392, %parallel_loop3A_393 : i32
        %parallel_loop3A_395 = arith.constant 0 : i32
        %parallel_loop3A_396 = arith.cmpi slt, %parallel_loop3A_392, %parallel_loop3A_395 : i32
        %parallel_loop3A_397 = arith.constant 0 : i32
        %parallel_loop3A_398 = arith.cmpi slt, %parallel_loop3A_391, %parallel_loop3A_397 : i32
        %parallel_loop3A_399 = arith.xori %parallel_loop3A_396, %parallel_loop3A_398 : i1
        %parallel_loop3A_400 = arith.andi %parallel_loop3A_399, %parallel_loop3A_394 : i1
        %parallel_loop3A_401 = arith.addi %parallel_loop3A_392, %parallel_loop3A_391 : i32
        %parallel_loop3A_402 = arith.select %parallel_loop3A_400, %parallel_loop3A_401, %parallel_loop3A_392 : i32
        %parallel_loop3A_403 = arith.constant 0 : i32
        %parallel_loop3A_404 = arith.constant 0 : i32
        %parallel_loop3A_405 = tpu.memref_slice %arg6[%parallel_loop3A_332, %parallel_loop3A_403, %parallel_loop3A_404] : memref<2x128x64xf32, #tpu.memory_space<vmem>> -> memref<1x128x64xf32, #tpu.memory_space<vmem>>
        %parallel_loop3A_406 = tpu.memref_squeeze %parallel_loop3A_405 : memref<1x128x64xf32, #tpu.memory_space<vmem>> -> memref<128x64xf32, #tpu.memory_space<vmem>>
        %parallel_loop3A_407 = tpu.vector_load_idx %parallel_loop3A_406[%add3A_7, %parallel_loop3A_362] : memref<128x64xf32, #tpu.memory_space<vmem>>[vector<16xi32>, vector<16xi32>], vector<16xf32>,
        %parallel_loop3A_408 = arith.constant 3 : i32
        %parallel_loop3A_409 = arith.index_cast %parallel_loop3A_408 : i32 to index
        %parallel_loop3A_410 = arith.index_cast %parallel_loop3A_386 : i32 to index
        %parallel_loop3A_411 = arith.index_cast %parallel_loop3A_402 : i32 to index
        %parallel_loop3A_412 = arith.constant 0 : index
        %parallel_loop3A_413 = tpu.vector_load %arg7[%parallel_loop3A_409, %parallel_loop3A_410, %parallel_loop3A_411, %parallel_loop3A_412] {strides = array<i32>} : memref<4x8x8x128xf32, #tpu.memory_space<vmem>>, vector<16xf32>,
        tpu.vector_store %arg7[%parallel_loop3A_409, %parallel_loop3A_410, %parallel_loop3A_411, %parallel_loop3A_412], %parallel_loop3A_407 {strides = array<i32>} : memref<4x8x8x128xf32, #tpu.memory_space<vmem>>, vector<16xf32>,
        %parallel_loop3A_414 = arith.constant 0 : i32
        %parallel_loop3A_415 = arith.constant 0 : i32
        %parallel_loop3A_416 = tpu.memref_slice %arg6[%parallel_loop3A_332, %parallel_loop3A_414, %parallel_loop3A_415] : memref<2x128x64xf32, #tpu.memory_space<vmem>> -> memref<1x128x64xf32, #tpu.memory_space<vmem>>
        %parallel_loop3A_417 = tpu.memref_squeeze %parallel_loop3A_416 : memref<1x128x64xf32, #tpu.memory_space<vmem>> -> memref<128x64xf32, #tpu.memory_space<vmem>>
        %parallel_loop3A_418 = tpu.vector_load_idx %parallel_loop3A_417[%add3A_10, %parallel_loop3A_362] : memref<128x64xf32, #tpu.memory_space<vmem>>[vector<16xi32>, vector<16xi32>], vector<16xf32>,
        %parallel_loop3A_419 = arith.constant 3 : i32
        %parallel_loop3A_420 = arith.index_cast %parallel_loop3A_419 : i32 to index
        %parallel_loop3A_421 = arith.index_cast %parallel_loop3A_386 : i32 to index
        %parallel_loop3A_422 = arith.index_cast %parallel_loop3A_402 : i32 to index
        %parallel_loop3A_423 = arith.constant 16 : index
        %parallel_loop3A_424 = tpu.vector_load %arg7[%parallel_loop3A_420, %parallel_loop3A_421, %parallel_loop3A_422, %parallel_loop3A_423] {strides = array<i32>} : memref<4x8x8x128xf32, #tpu.memory_space<vmem>>, vector<16xf32>,
        tpu.vector_store %arg7[%parallel_loop3A_420, %parallel_loop3A_421, %parallel_loop3A_422, %parallel_loop3A_423], %parallel_loop3A_418 {strides = array<i32>} : memref<4x8x8x128xf32, #tpu.memory_space<vmem>>, vector<16xf32>,
        %parallel_loop3A_425 = arith.constant 0 : i32
        %parallel_loop3A_426 = arith.constant 0 : i32
        %parallel_loop3A_427 = tpu.memref_slice %arg6[%parallel_loop3A_332, %parallel_loop3A_425, %parallel_loop3A_426] : memref<2x128x64xf32, #tpu.memory_space<vmem>> -> memref<1x128x64xf32, #tpu.memory_space<vmem>>
        %parallel_loop3A_428 = tpu.memref_squeeze %parallel_loop3A_427 : memref<1x128x64xf32, #tpu.memory_space<vmem>> -> memref<128x64xf32, #tpu.memory_space<vmem>>
        %parallel_loop3A_429 = tpu.vector_load_idx %parallel_loop3A_428[%add3A_13, %parallel_loop3A_362] : memref<128x64xf32, #tpu.memory_space<vmem>>[vector<16xi32>, vector<16xi32>], vector<16xf32>,
        %parallel_loop3A_430 = arith.constant 3 : i32
        %parallel_loop3A_431 = arith.index_cast %parallel_loop3A_430 : i32 to index
        %parallel_loop3A_432 = arith.index_cast %parallel_loop3A_386 : i32 to index
        %parallel_loop3A_433 = arith.index_cast %parallel_loop3A_402 : i32 to index
        %parallel_loop3A_434 = arith.constant 32 : index
        %parallel_loop3A_435 = tpu.vector_load %arg7[%parallel_loop3A_431, %parallel_loop3A_432, %parallel_loop3A_433, %parallel_loop3A_434] {strides = array<i32>} : memref<4x8x8x128xf32, #tpu.memory_space<vmem>>, vector<16xf32>,
        tpu.vector_store %arg7[%parallel_loop3A_431, %parallel_loop3A_432, %parallel_loop3A_433, %parallel_loop3A_434], %parallel_loop3A_429 {strides = array<i32>} : memref<4x8x8x128xf32, #tpu.memory_space<vmem>>, vector<16xf32>,
        %parallel_loop3A_436 = arith.constant 0 : i32
        %parallel_loop3A_437 = arith.constant 0 : i32
        %parallel_loop3A_438 = tpu.memref_slice %arg6[%parallel_loop3A_332, %parallel_loop3A_436, %parallel_loop3A_437] : memref<2x128x64xf32, #tpu.memory_space<vmem>> -> memref<1x128x64xf32, #tpu.memory_space<vmem>>
        %parallel_loop3A_439 = tpu.memref_squeeze %parallel_loop3A_438 : memref<1x128x64xf32, #tpu.memory_space<vmem>> -> memref<128x64xf32, #tpu.memory_space<vmem>>
        %parallel_loop3A_440 = tpu.vector_load_idx %parallel_loop3A_439[%add3A_16, %parallel_loop3A_362] : memref<128x64xf32, #tpu.memory_space<vmem>>[vector<16xi32>, vector<16xi32>], vector<16xf32>,
        %parallel_loop3A_441 = arith.constant 3 : i32
        %parallel_loop3A_442 = arith.index_cast %parallel_loop3A_441 : i32 to index
        %parallel_loop3A_443 = arith.index_cast %parallel_loop3A_386 : i32 to index
        %parallel_loop3A_444 = arith.index_cast %parallel_loop3A_402 : i32 to index
        %parallel_loop3A_445 = arith.constant 48 : index
        %parallel_loop3A_446 = tpu.vector_load %arg7[%parallel_loop3A_442, %parallel_loop3A_443, %parallel_loop3A_444, %parallel_loop3A_445] {strides = array<i32>} : memref<4x8x8x128xf32, #tpu.memory_space<vmem>>, vector<16xf32>,
        tpu.vector_store %arg7[%parallel_loop3A_442, %parallel_loop3A_443, %parallel_loop3A_444, %parallel_loop3A_445], %parallel_loop3A_440 {strides = array<i32>} : memref<4x8x8x128xf32, #tpu.memory_space<vmem>>, vector<16xf32>,
        %parallel_loop3A_447 = arith.constant 0 : i32
        %parallel_loop3A_448 = arith.constant 0 : i32
        %parallel_loop3A_449 = tpu.memref_slice %arg6[%parallel_loop3A_332, %parallel_loop3A_447, %parallel_loop3A_448] : memref<2x128x64xf32, #tpu.memory_space<vmem>> -> memref<1x128x64xf32, #tpu.memory_space<vmem>>
        %parallel_loop3A_450 = tpu.memref_squeeze %parallel_loop3A_449 : memref<1x128x64xf32, #tpu.memory_space<vmem>> -> memref<128x64xf32, #tpu.memory_space<vmem>>
        %parallel_loop3A_451 = tpu.vector_load_idx %parallel_loop3A_450[%add3A_19, %parallel_loop3A_362] : memref<128x64xf32, #tpu.memory_space<vmem>>[vector<16xi32>, vector<16xi32>], vector<16xf32>,
        %parallel_loop3A_452 = arith.constant 3 : i32
        %parallel_loop3A_453 = arith.index_cast %parallel_loop3A_452 : i32 to index
        %parallel_loop3A_454 = arith.index_cast %parallel_loop3A_386 : i32 to index
        %parallel_loop3A_455 = arith.index_cast %parallel_loop3A_402 : i32 to index
        %parallel_loop3A_456 = arith.constant 64 : index
        %parallel_loop3A_457 = tpu.vector_load %arg7[%parallel_loop3A_453, %parallel_loop3A_454, %parallel_loop3A_455, %parallel_loop3A_456] {strides = array<i32>} : memref<4x8x8x128xf32, #tpu.memory_space<vmem>>, vector<16xf32>,
        tpu.vector_store %arg7[%parallel_loop3A_453, %parallel_loop3A_454, %parallel_loop3A_455, %parallel_loop3A_456], %parallel_loop3A_451 {strides = array<i32>} : memref<4x8x8x128xf32, #tpu.memory_space<vmem>>, vector<16xf32>,
        %parallel_loop3A_458 = arith.constant 0 : i32
        %parallel_loop3A_459 = arith.constant 0 : i32
        %parallel_loop3A_460 = tpu.memref_slice %arg6[%parallel_loop3A_332, %parallel_loop3A_458, %parallel_loop3A_459] : memref<2x128x64xf32, #tpu.memory_space<vmem>> -> memref<1x128x64xf32, #tpu.memory_space<vmem>>
        %parallel_loop3A_461 = tpu.memref_squeeze %parallel_loop3A_460 : memref<1x128x64xf32, #tpu.memory_space<vmem>> -> memref<128x64xf32, #tpu.memory_space<vmem>>
        %parallel_loop3A_462 = tpu.vector_load_idx %parallel_loop3A_461[%add3A_22, %parallel_loop3A_362] : memref<128x64xf32, #tpu.memory_space<vmem>>[vector<16xi32>, vector<16xi32>], vector<16xf32>,
        %parallel_loop3A_463 = arith.constant 3 : i32
        %parallel_loop3A_464 = arith.index_cast %parallel_loop3A_463 : i32 to index
        %parallel_loop3A_465 = arith.index_cast %parallel_loop3A_386 : i32 to index
        %parallel_loop3A_466 = arith.index_cast %parallel_loop3A_402 : i32 to index
        %parallel_loop3A_467 = arith.constant 80 : index
        %parallel_loop3A_468 = tpu.vector_load %arg7[%parallel_loop3A_464, %parallel_loop3A_465, %parallel_loop3A_466, %parallel_loop3A_467] {strides = array<i32>} : memref<4x8x8x128xf32, #tpu.memory_space<vmem>>, vector<16xf32>,
        tpu.vector_store %arg7[%parallel_loop3A_464, %parallel_loop3A_465, %parallel_loop3A_466, %parallel_loop3A_467], %parallel_loop3A_462 {strides = array<i32>} : memref<4x8x8x128xf32, #tpu.memory_space<vmem>>, vector<16xf32>,
        %parallel_loop3A_469 = arith.constant 0 : i32
        %parallel_loop3A_470 = arith.constant 0 : i32
        %parallel_loop3A_471 = tpu.memref_slice %arg6[%parallel_loop3A_332, %parallel_loop3A_469, %parallel_loop3A_470] : memref<2x128x64xf32, #tpu.memory_space<vmem>> -> memref<1x128x64xf32, #tpu.memory_space<vmem>>
        %parallel_loop3A_472 = tpu.memref_squeeze %parallel_loop3A_471 : memref<1x128x64xf32, #tpu.memory_space<vmem>> -> memref<128x64xf32, #tpu.memory_space<vmem>>
        %parallel_loop3A_473 = tpu.vector_load_idx %parallel_loop3A_472[%add3A_25, %parallel_loop3A_362] : memref<128x64xf32, #tpu.memory_space<vmem>>[vector<16xi32>, vector<16xi32>], vector<16xf32>,
        %parallel_loop3A_474 = arith.constant 3 : i32
        %parallel_loop3A_475 = arith.index_cast %parallel_loop3A_474 : i32 to index
        %parallel_loop3A_476 = arith.index_cast %parallel_loop3A_386 : i32 to index
        %parallel_loop3A_477 = arith.index_cast %parallel_loop3A_402 : i32 to index
        %parallel_loop3A_478 = arith.constant 96 : index
        %parallel_loop3A_479 = tpu.vector_load %arg7[%parallel_loop3A_475, %parallel_loop3A_476, %parallel_loop3A_477, %parallel_loop3A_478] {strides = array<i32>} : memref<4x8x8x128xf32, #tpu.memory_space<vmem>>, vector<16xf32>,
        tpu.vector_store %arg7[%parallel_loop3A_475, %parallel_loop3A_476, %parallel_loop3A_477, %parallel_loop3A_478], %parallel_loop3A_473 {strides = array<i32>} : memref<4x8x8x128xf32, #tpu.memory_space<vmem>>, vector<16xf32>,
        %parallel_loop3A_480 = arith.constant 0 : i32
        %parallel_loop3A_481 = arith.constant 0 : i32
        %parallel_loop3A_482 = tpu.memref_slice %arg6[%parallel_loop3A_332, %parallel_loop3A_480, %parallel_loop3A_481] : memref<2x128x64xf32, #tpu.memory_space<vmem>> -> memref<1x128x64xf32, #tpu.memory_space<vmem>>
        %parallel_loop3A_483 = tpu.memref_squeeze %parallel_loop3A_482 : memref<1x128x64xf32, #tpu.memory_space<vmem>> -> memref<128x64xf32, #tpu.memory_space<vmem>>
        %parallel_loop3A_484 = tpu.vector_load_idx %parallel_loop3A_483[%add3A_28, %parallel_loop3A_362] : memref<128x64xf32, #tpu.memory_space<vmem>>[vector<16xi32>, vector<16xi32>], vector<16xf32>,
        %parallel_loop3A_485 = arith.constant 3 : i32
        %parallel_loop3A_486 = arith.index_cast %parallel_loop3A_485 : i32 to index
        %parallel_loop3A_487 = arith.index_cast %parallel_loop3A_386 : i32 to index
        %parallel_loop3A_488 = arith.index_cast %parallel_loop3A_402 : i32 to index
        %parallel_loop3A_489 = arith.constant 112 : index
        %parallel_loop3A_490 = tpu.vector_load %arg7[%parallel_loop3A_486, %parallel_loop3A_487, %parallel_loop3A_488, %parallel_loop3A_489] {strides = array<i32>} : memref<4x8x8x128xf32, #tpu.memory_space<vmem>>, vector<16xf32>,
        tpu.vector_store %arg7[%parallel_loop3A_486, %parallel_loop3A_487, %parallel_loop3A_488, %parallel_loop3A_489], %parallel_loop3A_484 {strides = array<i32>} : memref<4x8x8x128xf32, #tpu.memory_space<vmem>>, vector<16xf32>,
      } {sc.loop_unroll_factor = 8 : i64, sc.parallel_access}
      %add3A_333 = arith.constant 2 : i32
      %add3A_334 = arith.addi %add3A_308, %add3A_333 : i32
      %lt3A_335 = arith.constant 200 : i32
      %lt3A_336 = arith.cmpi slt, %add3A_334, %lt3A_335 : i32
      %convert_element_type3A_337 = arith.extui %lt3A_336 : i1 to i32
      %cond3A_338 = arith.constant 0 : i32
      %cond3A_339 = arith.cmpi ne, %convert_element_type3A_337, %cond3A_338 : i32
      scf.if %cond3A_339 {
        %add3A_361 = arith.constant 2 : i32
        %add3A_362 = arith.addi %add3A_308, %add3A_361 : i32
        %jit3A = arith.constant 8 : i32
        %div3A = arith.divsi %add3A_362, %jit3A : i32
        %sign3A = arith.constant 0 : i32
        %sign3A_363 = arith.cmpi sgt, %add3A_362, %sign3A : i32
        %sign3A_364 = arith.extui %sign3A_363 : i1 to i32
        %sign3A_365 = arith.constant 0 : i32
        %sign3A_366 = arith.cmpi slt, %add3A_362, %sign3A_365 : i32
        %sign3A_367 = arith.extui %sign3A_366 : i1 to i32
        %sign3A_368 = arith.subi %sign3A_364, %sign3A_367 : i32
        %sign3A_369 = arith.constant 0 : i32
        %sign3A_370 = arith.cmpi sgt, %jit3A, %sign3A_369 : i32
        %sign3A_371 = arith.extui %sign3A_370 : i1 to i32
        %sign3A_372 = arith.constant 0 : i32
        %sign3A_373 = arith.cmpi slt, %jit3A, %sign3A_372 : i32
        %sign3A_374 = arith.extui %sign3A_373 : i1 to i32
        %sign3A_375 = arith.subi %sign3A_371, %sign3A_374 : i32
        %ne3A = arith.cmpi ne, %sign3A_368, %sign3A_375 : i32
        %rem3A = arith.remsi %add3A_362, %jit3A : i32
        %ne3A_376 = arith.constant 0 : i32
        %ne3A_377 = arith.cmpi ne, %rem3A, %ne3A_376 : i32
        %and3A = arith.andi %ne3A, %ne3A_377 : i1
        %sub3A = arith.constant 1 : i32
        %sub3A_378 = arith.subi %div3A, %sub3A : i32
        %select_n3A = arith.select %and3A, %sub3A_378, %div3A : i32
        %jit3A_379 = arith.constant 8 : i32
        %eq3A = arith.constant 0 : i32
        %eq3A_380 = arith.cmpi eq, %jit3A_379, %eq3A : i32
        %jit3A_381 = arith.constant 1 : i32
        %select_n3A_382 = arith.select %eq3A_380, %jit3A_381, %jit3A_379 : i32
        %rem3A_383 = arith.remsi %add3A_362, %select_n3A_382 : i32
        %ne3A_384 = arith.constant 0 : i32
        %ne3A_385 = arith.cmpi ne, %rem3A_383, %ne3A_384 : i32
        %lt3A_386 = arith.constant 0 : i32
        %lt3A_387 = arith.cmpi slt, %rem3A_383, %lt3A_386 : i32
        %lt3A_388 = arith.constant 0 : i32
        %lt3A_389 = arith.cmpi slt, %select_n3A_382, %lt3A_388 : i32
        %ne3A_390 = arith.xori %lt3A_387, %lt3A_389 : i1
        %and3A_391 = arith.andi %ne3A_390, %ne3A_385 : i1
        %add3A_392 = arith.addi %rem3A_383, %select_n3A_382 : i32
        %select_n3A_393 = arith.select %and3A_391, %add3A_392, %rem3A_383 : i32
        %dma_start3A_394 = arith.constant 1 : i32
        %dma_start3A_395 = arith.constant 0 : i32
        %dma_start3A_396 = arith.constant 0 : i32
        %dma_start3A_397 = tpu.memref_slice %arg6[%dma_start3A_394, %dma_start3A_395, %dma_start3A_396] : memref<2x128x64xf32, #tpu.memory_space<vmem>> -> memref<1x128x64xf32, #tpu.memory_space<vmem>>
        %dma_start3A_398 = tpu.memref_squeeze %dma_start3A_397 : memref<1x128x64xf32, #tpu.memory_space<vmem>> -> memref<128x64xf32, #tpu.memory_space<vmem>>
        %dma_start3A_399 = arith.constant 0 : i32
        %dma_start3A_400 = tpu.memref_slice %arg5[%select_n3A, %select_n3A_393, %dma_start3A_399] : memref<25x8x128xi32, #tpu.memory_space<vmem>> -> memref<1x1x128xi32, #tpu.memory_space<vmem>>
        %dma_start3A_401 = tpu.memref_squeeze %dma_start3A_400 : memref<1x1x128xi32, #tpu.memory_space<vmem>> -> memref<128xi32, #tpu.memory_space<vmem>>
        %dma_start3A_402 = arith.constant 0 : i32
        %dma_start3A_403 = arith.constant 0 : i32
        %dma_start3A_404 = tpu.memref_slice %arg8[%dma_start3A_402, %dma_start3A_403] : memref<8192x64xf32, #tpu.memory_space<vmem_shared>> -> memref<8192x64xf32, #tpu.memory_space<vmem_shared>>
        tpu.enqueue_indirect_dma source(%dma_start3A_404 : memref<8192x64xf32, #tpu.memory_space<vmem_shared>>) target(%dma_start3A_398 : memref<128x64xf32, #tpu.memory_space<vmem>>) offsets(%dma_start3A_401 : memref<128xi32, #tpu.memory_space<vmem>>) semaphore(%arg10 : memref<!tpu.dma_semaphore, #tpu.memory_space<semaphore_mem>>)
      } else {
      }
      %dma_start3A_340 = arith.constant 3 : i32
      %dma_start3A_341 = arith.constant 0 : i32
      %dma_start3A_342 = arith.constant 0 : i32
      %dma_start3A_343 = arith.constant 0 : i32
      %dma_start3A_344 = tpu.memref_slice %arg7[%dma_start3A_340, %dma_start3A_341, %dma_start3A_342, %dma_start3A_343] : memref<4x8x8x128xf32, #tpu.memory_space<vmem>> -> memref<1x8x8x128xf32, #tpu.memory_space<vmem>>
      %dma_start3A_345 = tpu.memref_squeeze %dma_start3A_344 : memref<1x8x8x128xf32, #tpu.memory_space<vmem>> -> memref<8x8x128xf32, #tpu.memory_space<vmem>>
      %dma_start3A_346 = arith.constant 0 : i32
      %dma_start3A_347 = arith.constant 0 : i32
      %dma_start3A_348 = arith.constant 0 : i32
      %dma_start3A_349 = tpu.memref_slice %arg4[%add3A_308, %dma_start3A_346, %add3A, %dma_start3A_347, %dma_start3A_348] : memref<200x8x32x8x128xf32, #tpu.memory_space<hbm>> -> memref<1x8x1x8x128xf32, #tpu.memory_space<hbm>>
      %dma_start3A_350 = tpu.memref_squeeze %dma_start3A_349 : memref<1x8x1x8x128xf32, #tpu.memory_space<hbm>> -> memref<8x8x128xf32, #tpu.memory_space<hbm>>
      %dma_start3A_351 = arith.constant 0 : i32
      %dma_start3A_352 = arith.constant 0 : i32
      %dma_start3A_353 = arith.constant 0 : i32
      %dma_start3A_354 = tpu.memref_slice %arg4[%add3A_308, %dma_start3A_351, %add3A, %dma_start3A_352, %dma_start3A_353] : memref<200x8x32x8x128xf32, #tpu.memory_space<hbm>> -> memref<1x8x1x8x128xf32, #tpu.memory_space<hbm>>
      %dma_start3A_355 = tpu.memref_squeeze %dma_start3A_354 : memref<1x8x1x8x128xf32, #tpu.memory_space<hbm>> -> memref<8x8x128xf32, #tpu.memory_space<hbm>>
      %dma_start3A_356 = arith.constant 0 : i32
      %dma_start3A_357 = arith.constant 0 : i32
      %dma_start3A_358 = arith.constant 0 : i32
      %dma_start3A_359 = tpu.memref_slice %arg7[%dma_start3A_340, %dma_start3A_356, %dma_start3A_357, %dma_start3A_358] : memref<4x8x8x128xf32, #tpu.memory_space<vmem>> -> memref<1x8x8x128xf32, #tpu.memory_space<vmem>>
      %dma_start3A_360 = tpu.memref_squeeze %dma_start3A_359 : memref<1x8x8x128xf32, #tpu.memory_space<vmem>> -> memref<8x8x128xf32, #tpu.memory_space<vmem>>
      tpu.enqueue_dma source(%dma_start3A_360 : memref<8x8x128xf32, #tpu.memory_space<vmem>>) target(%dma_start3A_355 : memref<8x8x128xf32, #tpu.memory_space<hbm>>) target_semaphore(%arg14 : memref<!tpu.dma_semaphore, #tpu.memory_space<semaphore_mem>>)
    }
    %scan3A_57 = arith.constant 50 : i32
    %dma_wait3A = arith.constant 0 : i32
    %dma_wait3A_58 = arith.constant 0 : i32
    %dma_wait3A_59 = arith.constant 0 : i32
    %dma_wait3A_60 = arith.constant 0 : i32
    %dma_wait3A_61 = arith.constant 0 : i32
    %dma_wait3A_62 = tpu.memref_slice %arg7[%dma_wait3A, %dma_wait3A_59, %dma_wait3A_60, %dma_wait3A_61] : memref<4x8x8x128xf32, #tpu.memory_space<vmem>> -> memref<1x8x8x128xf32, #tpu.memory_space<vmem>>
    %dma_wait3A_63 = tpu.memref_squeeze %dma_wait3A_62 : memref<1x8x8x128xf32, #tpu.memory_space<vmem>> -> memref<8x8x128xf32, #tpu.memory_space<vmem>>
    %dma_wait3A_64 = arith.constant 0 : i32
    %dma_wait3A_65 = arith.constant 0 : i32
    %dma_wait3A_66 = arith.constant 0 : i32
    %dma_wait3A_67 = tpu.memref_slice %arg4[%dma_wait3A_58, %dma_wait3A_64, %add3A, %dma_wait3A_65, %dma_wait3A_66] : memref<200x8x32x8x128xf32, #tpu.memory_space<hbm>> -> memref<1x8x1x8x128xf32, #tpu.memory_space<hbm>>
    %dma_wait3A_68 = tpu.memref_squeeze %dma_wait3A_67 : memref<1x8x1x8x128xf32, #tpu.memory_space<hbm>> -> memref<8x8x128xf32, #tpu.memory_space<hbm>>
    %dma_wait3A_69 = arith.constant 0 : i32
    %dma_wait3A_70 = arith.constant 0 : i32
    %dma_wait3A_71 = arith.constant 0 : i32
    %dma_wait3A_72 = tpu.memref_slice %arg4[%dma_wait3A_58, %dma_wait3A_69, %add3A, %dma_wait3A_70, %dma_wait3A_71] : memref<200x8x32x8x128xf32, #tpu.memory_space<hbm>> -> memref<1x8x1x8x128xf32, #tpu.memory_space<hbm>>
    %dma_wait3A_73 = tpu.memref_squeeze %dma_wait3A_72 : memref<1x8x1x8x128xf32, #tpu.memory_space<hbm>> -> memref<8x8x128xf32, #tpu.memory_space<hbm>>
    %dma_wait3A_74 = arith.constant 0 : i32
    %dma_wait3A_75 = arith.constant 0 : i32
    %dma_wait3A_76 = arith.constant 0 : i32
    %dma_wait3A_77 = tpu.memref_slice %arg7[%dma_wait3A, %dma_wait3A_74, %dma_wait3A_75, %dma_wait3A_76] : memref<4x8x8x128xf32, #tpu.memory_space<vmem>> -> memref<1x8x8x128xf32, #tpu.memory_space<vmem>>
    %dma_wait3A_78 = tpu.memref_squeeze %dma_wait3A_77 : memref<1x8x8x128xf32, #tpu.memory_space<vmem>> -> memref<8x8x128xf32, #tpu.memory_space<vmem>>
    tpu.wait_dma2 semaphore(%arg11 : memref<!tpu.dma_semaphore, #tpu.memory_space<semaphore_mem>>) src(%dma_wait3A_78 : memref<8x8x128xf32, #tpu.memory_space<vmem>>) dst(%dma_wait3A_73 : memref<8x8x128xf32, #tpu.memory_space<hbm>>)
    %dma_wait3A_79 = arith.constant 1 : i32
    %dma_wait3A_80 = arith.constant 0 : i32
    %dma_wait3A_81 = arith.constant 0 : i32
    %dma_wait3A_82 = arith.constant 0 : i32
    %dma_wait3A_83 = arith.constant 0 : i32
    %dma_wait3A_84 = tpu.memref_slice %arg7[%dma_wait3A_79, %dma_wait3A_81, %dma_wait3A_82, %dma_wait3A_83] : memref<4x8x8x128xf32, #tpu.memory_space<vmem>> -> memref<1x8x8x128xf32, #tpu.memory_space<vmem>>
    %dma_wait3A_85 = tpu.memref_squeeze %dma_wait3A_84 : memref<1x8x8x128xf32, #tpu.memory_space<vmem>> -> memref<8x8x128xf32, #tpu.memory_space<vmem>>
    %dma_wait3A_86 = arith.constant 0 : i32
    %dma_wait3A_87 = arith.constant 0 : i32
    %dma_wait3A_88 = arith.constant 0 : i32
    %dma_wait3A_89 = tpu.memref_slice %arg4[%dma_wait3A_80, %dma_wait3A_86, %add3A, %dma_wait3A_87, %dma_wait3A_88] : memref<200x8x32x8x128xf32, #tpu.memory_space<hbm>> -> memref<1x8x1x8x128xf32, #tpu.memory_space<hbm>>
    %dma_wait3A_90 = tpu.memref_squeeze %dma_wait3A_89 : memref<1x8x1x8x128xf32, #tpu.memory_space<hbm>> -> memref<8x8x128xf32, #tpu.memory_space<hbm>>
    %dma_wait3A_91 = arith.constant 0 : i32
    %dma_wait3A_92 = arith.constant 0 : i32
    %dma_wait3A_93 = arith.constant 0 : i32
    %dma_wait3A_94 = tpu.memref_slice %arg4[%dma_wait3A_80, %dma_wait3A_91, %add3A, %dma_wait3A_92, %dma_wait3A_93] : memref<200x8x32x8x128xf32, #tpu.memory_space<hbm>> -> memref<1x8x1x8x128xf32, #tpu.memory_space<hbm>>
    %dma_wait3A_95 = tpu.memref_squeeze %dma_wait3A_94 : memref<1x8x1x8x128xf32, #tpu.memory_space<hbm>> -> memref<8x8x128xf32, #tpu.memory_space<hbm>>
    %dma_wait3A_96 = arith.constant 0 : i32
    %dma_wait3A_97 = arith.constant 0 : i32
    %dma_wait3A_98 = arith.constant 0 : i32
    %dma_wait3A_99 = tpu.memref_slice %arg7[%dma_wait3A_79, %dma_wait3A_96, %dma_wait3A_97, %dma_wait3A_98] : memref<4x8x8x128xf32, #tpu.memory_space<vmem>> -> memref<1x8x8x128xf32, #tpu.memory_space<vmem>>
    %dma_wait3A_100 = tpu.memref_squeeze %dma_wait3A_99 : memref<1x8x8x128xf32, #tpu.memory_space<vmem>> -> memref<8x8x128xf32, #tpu.memory_space<vmem>>
    tpu.wait_dma2 semaphore(%arg12 : memref<!tpu.dma_semaphore, #tpu.memory_space<semaphore_mem>>) src(%dma_wait3A_100 : memref<8x8x128xf32, #tpu.memory_space<vmem>>) dst(%dma_wait3A_95 : memref<8x8x128xf32, #tpu.memory_space<hbm>>)
    %dma_wait3A_101 = arith.constant 2 : i32
    %dma_wait3A_102 = arith.constant 0 : i32
    %dma_wait3A_103 = arith.constant 0 : i32
    %dma_wait3A_104 = arith.constant 0 : i32
    %dma_wait3A_105 = arith.constant 0 : i32
    %dma_wait3A_106 = tpu.memref_slice %arg7[%dma_wait3A_101, %dma_wait3A_103, %dma_wait3A_104, %dma_wait3A_105] : memref<4x8x8x128xf32, #tpu.memory_space<vmem>> -> memref<1x8x8x128xf32, #tpu.memory_space<vmem>>
    %dma_wait3A_107 = tpu.memref_squeeze %dma_wait3A_106 : memref<1x8x8x128xf32, #tpu.memory_space<vmem>> -> memref<8x8x128xf32, #tpu.memory_space<vmem>>
    %dma_wait3A_108 = arith.constant 0 : i32
    %dma_wait3A_109 = arith.constant 0 : i32
    %dma_wait3A_110 = arith.constant 0 : i32
    %dma_wait3A_111 = tpu.memref_slice %arg4[%dma_wait3A_102, %dma_wait3A_108, %add3A, %dma_wait3A_109, %dma_wait3A_110] : memref<200x8x32x8x128xf32, #tpu.memory_space<hbm>> -> memref<1x8x1x8x128xf32, #tpu.memory_space<hbm>>
    %dma_wait3A_112 = tpu.memref_squeeze %dma_wait3A_111 : memref<1x8x1x8x128xf32, #tpu.memory_space<hbm>> -> memref<8x8x128xf32, #tpu.memory_space<hbm>>
    %dma_wait3A_113 = arith.constant 0 : i32
    %dma_wait3A_114 = arith.constant 0 : i32
    %dma_wait3A_115 = arith.constant 0 : i32
    %dma_wait3A_116 = tpu.memref_slice %arg4[%dma_wait3A_102, %dma_wait3A_113, %add3A, %dma_wait3A_114, %dma_wait3A_115] : memref<200x8x32x8x128xf32, #tpu.memory_space<hbm>> -> memref<1x8x1x8x128xf32, #tpu.memory_space<hbm>>
    %dma_wait3A_117 = tpu.memref_squeeze %dma_wait3A_116 : memref<1x8x1x8x128xf32, #tpu.memory_space<hbm>> -> memref<8x8x128xf32, #tpu.memory_space<hbm>>
    %dma_wait3A_118 = arith.constant 0 : i32
    %dma_wait3A_119 = arith.constant 0 : i32
    %dma_wait3A_120 = arith.constant 0 : i32
    %dma_wait3A_121 = tpu.memref_slice %arg7[%dma_wait3A_101, %dma_wait3A_118, %dma_wait3A_119, %dma_wait3A_120] : memref<4x8x8x128xf32, #tpu.memory_space<vmem>> -> memref<1x8x8x128xf32, #tpu.memory_space<vmem>>
    %dma_wait3A_122 = tpu.memref_squeeze %dma_wait3A_121 : memref<1x8x8x128xf32, #tpu.memory_space<vmem>> -> memref<8x8x128xf32, #tpu.memory_space<vmem>>
    tpu.wait_dma2 semaphore(%arg13 : memref<!tpu.dma_semaphore, #tpu.memory_space<semaphore_mem>>) src(%dma_wait3A_122 : memref<8x8x128xf32, #tpu.memory_space<vmem>>) dst(%dma_wait3A_117 : memref<8x8x128xf32, #tpu.memory_space<hbm>>)
    %dma_wait3A_123 = arith.constant 3 : i32
    %dma_wait3A_124 = arith.constant 0 : i32
    %dma_wait3A_125 = arith.constant 0 : i32
    %dma_wait3A_126 = arith.constant 0 : i32
    %dma_wait3A_127 = arith.constant 0 : i32
    %dma_wait3A_128 = tpu.memref_slice %arg7[%dma_wait3A_123, %dma_wait3A_125, %dma_wait3A_126, %dma_wait3A_127] : memref<4x8x8x128xf32, #tpu.memory_space<vmem>> -> memref<1x8x8x128xf32, #tpu.memory_space<vmem>>
    %dma_wait3A_129 = tpu.memref_squeeze %dma_wait3A_128 : memref<1x8x8x128xf32, #tpu.memory_space<vmem>> -> memref<8x8x128xf32, #tpu.memory_space<vmem>>
    %dma_wait3A_130 = arith.constant 0 : i32
    %dma_wait3A_131 = arith.constant 0 : i32
    %dma_wait3A_132 = arith.constant 0 : i32
    %dma_wait3A_133 = tpu.memref_slice %arg4[%dma_wait3A_124, %dma_wait3A_130, %add3A, %dma_wait3A_131, %dma_wait3A_132] : memref<200x8x32x8x128xf32, #tpu.memory_space<hbm>> -> memref<1x8x1x8x128xf32, #tpu.memory_space<hbm>>
    %dma_wait3A_134 = tpu.memref_squeeze %dma_wait3A_133 : memref<1x8x1x8x128xf32, #tpu.memory_space<hbm>> -> memref<8x8x128xf32, #tpu.memory_space<hbm>>
    %dma_wait3A_135 = arith.constant 0 : i32
    %dma_wait3A_136 = arith.constant 0 : i32
    %dma_wait3A_137 = arith.constant 0 : i32
    %dma_wait3A_138 = tpu.memref_slice %arg4[%dma_wait3A_124, %dma_wait3A_135, %add3A, %dma_wait3A_136, %dma_wait3A_137] : memref<200x8x32x8x128xf32, #tpu.memory_space<hbm>> -> memref<1x8x1x8x128xf32, #tpu.memory_space<hbm>>
    %dma_wait3A_139 = tpu.memref_squeeze %dma_wait3A_138 : memref<1x8x1x8x128xf32, #tpu.memory_space<hbm>> -> memref<8x8x128xf32, #tpu.memory_space<hbm>>
    %dma_wait3A_140 = arith.constant 0 : i32
    %dma_wait3A_141 = arith.constant 0 : i32
    %dma_wait3A_142 = arith.constant 0 : i32
    %dma_wait3A_143 = tpu.memref_slice %arg7[%dma_wait3A_123, %dma_wait3A_140, %dma_wait3A_141, %dma_wait3A_142] : memref<4x8x8x128xf32, #tpu.memory_space<vmem>> -> memref<1x8x8x128xf32, #tpu.memory_space<vmem>>
    %dma_wait3A_144 = tpu.memref_squeeze %dma_wait3A_143 : memref<1x8x8x128xf32, #tpu.memory_space<vmem>> -> memref<8x8x128xf32, #tpu.memory_space<vmem>>
    tpu.wait_dma2 semaphore(%arg14 : memref<!tpu.dma_semaphore, #tpu.memory_space<semaphore_mem>>) src(%dma_wait3A_144 : memref<8x8x128xf32, #tpu.memory_space<vmem>>) dst(%dma_wait3A_139 : memref<8x8x128xf32, #tpu.memory_space<hbm>>)
    return
  }
}

</mosaic_0001>

<sc_bundles>
// kernel: kernel.3.cloned.1.call-start
scs
__scs_entry_jumppad:
0x0: {  	(pc) =	sbr.rel $0x88, $3  }
0x1: {  	(tag) =	ssettag $0x0;
	lr =	simm.s32 $0x1  }
0x2: {  	[smem:$0x3F9F] =	sst lr;
	_ =	strace $0xD0000000  }
0x3: {  	_ = 	snop  }
0x4: {  	_ = 	snop  }
0x5: {  	_ = 	snop  }
0x6: {  	_ = 	snop  }
0x7: {  	_ = 	snop  }
__scs_overlays_trampoline_lowered:
0x8: {  	[smem:$0x3FAE] =	sst s0  }
0x9: {  	[smem:$0x3FAF] =	sst s1  }
0xa: {  	[smem:$0x3FB0] =	sst s2  }
0xb: {  	[smem:$0x3FB1] =	sst s3  }
0xc: {  	[smem:$0x3FB2] =	sst s4  }
0xd: {  	[smem:$0x3FB3] =	sst s5  }
0xe: {  	[smem:$0x3FB4] =	sst s6  }
0xf: {  	[smem:$0x3FB5] =	sst s7  }
0x10: {  	[smem:$0x3FB6] =	sst s8  }
0x11: {  	[smem:$0x3FB7] =	sst s9;
	s0 =	simm.s32 @!p0 $0x0  }
0x12: {  	s1 =	sld [smem:$0x3F9D];
	s0 =	simm.s32 @p0 $0x1  }
0x13: {  	[smem:$0x3FB8] =	sst s0;
	s0 =	simm.s32 @!p1 $0x0  }
0x14: {  	s2 =	sld [smem:$0x3F9C];
	s0 =	simm.s32 @p1 $0x1  }
0x15: {  	[smem:$0x3FB9] =	sst s0;
	s0 =	simm.s32 @!p2 $0x0  }
0x16: {  	s3 =	sld [smem:$0x3FDB];
	s0 =	simm.s32 @p2 $0x1  }
0x17: {  	s4 =	simm.s32 $0x1BF5;
	[smem:$0x3FBB] =	sst s0  }
0x18: {  	s0 =	sld [smem:$0x3F9E];
	_ =	swait.ge [sflag:s4], $0x0  }
0x19: {  	s7 =	sld [smem:$0x3F9F]  }
0x1a: {  	s8 =	sadd.s32 $0xFFFFE003, lr  }
0x1b: {  	s9 =	sadd.s32 $0xFFFFFEF7, lr;
	s5 =	simm.s32 $0xFFFFFFFF;
	p2 =	slt.u32 s8, $0xFFFFF086  }
0x1c: {  	p1 =	slt.u32 s9, $0xF7A;
	s5 =	simm.s32 @!p2 $0x0  }
0x1d: {  	s5 =	simm.s32 @p1 $0x1;
	p0 =	seq.s32 s7, s2  }
0x1e: {  	s7 =	smul.u32 @!p0 $0xF7A, s2;
	p2 =	seq.s32 @!p0 s5, $0x0  }
0x1f: {  	s9 =	smul.u32 $0xF7A, s1;
	s8 =	simm.s32 @!p0 $0x1BF5;
	p2 =	por !p2, p0  }
0x20: {  	[sflag:s8] =	ssyncset.s32 @!p0 $0xFFFFF086;
	s6 =	sadd.s32 @!p0 s3, s7;
	s7 =	simm.s32 @!p0 $0x108  }
0x21: {  	s3 =	sadd.s32 s3, s9;
	s6 =	sadd.s32 @!p0 $0x88, s6;
	s7 =	simm.s32 @p2 $0x1082  }
0x22: {  	[simem:s7], [sflag:s8] =	dma.local @!p0 [hbm:s6], $0xF7A  }
0x23: {  	s9 =	sor.u32 $0xD0000000, s2;
	s6 =	simm.s32 $0x108;
	_ =	swait.ge @!p0 [sflag:s8], $0x0  }
0x24: {  	s3 =	sadd.s32 $0x88, s3;
	s6 =	simm.s32 @!p1 $0x1082;
	[sflag:s4] =	ssyncset.s32 $0xFFFFF086  }
0x25: {  	[simem:s6], [sflag:s4] =	dma.local [hbm:s3], $0xF7A  }
0x26: {  	[smem:$0x3F9F] =	sst s1;
	(tag) =	ssettag s2;
	_ =	strace s9  }
0x27: {  	s1 =	sld [smem:$0x3FAF]  }
0x28: {  	s2 =	sld [smem:$0x3FB0]  }
0x29: {  	s4 =	sld [smem:$0x3FB2]  }
0x2a: {  	p0 =	seq.s32 s5, $0x0;
	s5 =	sld [smem:$0x3FB3]  }
0x2b: {  	s6 =	sld [smem:$0x3FB4]  }
0x2c: {  	s7 =	sld [smem:$0x3FB5]  }
0x2d: {  	s3 =	simm.s32 $0x108;
	s8 =	sld [smem:$0x3FB6]  }
0x2e: {  	s3 =	simm.s32 @!p0 $0x1082;
	s9 =	sld [smem:$0x3FB7]  }
0x2f: {  	lr =	sadd.s32 s0, s3;
	s0 =	sld [smem:$0x3FAE]  }
0x30: {  	s3 =	sld [smem:$0x3FB1]  }
0x31: {  	[smem:$0x3FBA] =	sst s10  }
0x32: {  	s10 =	sld [smem:$0x3FB8];
	_ =	sdelay $0x3  }
0x33: {  	p0 =	seq.s32 s10, $0x1;
	s10 =	sld [smem:$0x3FBA];
	_ =	sdelay $0x3  }
0x34: {  	[smem:$0x3FBA] =	sst s10  }
0x35: {  	s10 =	sld [smem:$0x3FB9];
	_ =	sdelay $0x3  }
0x36: {  	p1 =	seq.s32 s10, $0x1;
	s10 =	sld [smem:$0x3FBA];
	_ =	sdelay $0x3  }
0x37: {  	[smem:$0x3FBA] =	sst s10  }
0x38: {  	s10 =	sld [smem:$0x3FBB]  }
0x39: {  	_ = 	snop;
	(pc) =	sbr.ind lr, $3  }
0x3a: {  	_ = 	snop  }
0x3b: {  	_ = 	snop  }
0x3c: {  	p2 =	seq.s32 s10, $0x1;
	s10 =	sld [smem:$0x3FBA]  }
0x3d: {  	_ =	shalt  }
0x3e: {  	_ =	shalt  }
0x3f: {  	_ =	shalt  }
0x40: {  	_ =	shalt  }
0x41: {  	_ =	shalt  }
0x42: {  	_ =	shalt  }
0x43: {  	_ =	shalt  }
0x44: {  	_ =	shalt  }
0x45: {  	_ =	shalt  }
0x46: {  	_ =	shalt  }
0x47: {  	_ =	shalt  }
0x48: {  	_ =	shalt  }
0x49: {  	_ =	shalt  }
0x4a: {  	_ =	shalt  }
0x4b: {  	_ =	shalt  }
0x4c: {  	_ =	shalt  }
0x4d: {  	_ =	shalt  }
0x4e: {  	_ =	shalt  }
0x4f: {  	_ =	shalt  }
0x50: {  	_ =	shalt  }
0x51: {  	_ =	shalt  }
0x52: {  	_ =	shalt  }
0x53: {  	_ =	shalt  }
0x54: {  	_ =	shalt  }
0x55: {  	_ =	shalt  }
0x56: {  	_ =	shalt  }
0x57: {  	_ =	shalt  }
0x58: {  	_ =	shalt  }
0x59: {  	_ =	shalt  }
0x5a: {  	_ =	shalt  }
0x5b: {  	_ =	shalt  }
0x5c: {  	_ =	shalt  }
0x5d: {  	_ =	shalt  }
0x5e: {  	_ =	shalt  }
0x5f: {  	_ =	shalt  }
0x60: {  	_ =	shalt  }
0x61: {  	_ =	shalt  }
0x62: {  	_ =	shalt  }
0x63: {  	_ =	shalt  }
0x64: {  	_ =	shalt  }
0x65: {  	_ =	shalt  }
0x66: {  	_ =	shalt  }
0x67: {  	_ =	shalt  }
0x68: {  	_ =	shalt  }
0x69: {  	_ =	shalt  }
0x6a: {  	_ =	shalt  }
0x6b: {  	_ =	shalt  }
0x6c: {  	_ =	shalt  }
0x6d: {  	_ =	shalt  }
0x6e: {  	_ =	shalt  }
0x6f: {  	_ =	shalt  }
0x70: {  	_ =	shalt  }
0x71: {  	_ =	shalt  }
0x72: {  	_ =	shalt  }
0x73: {  	_ =	shalt  }
0x74: {  	_ =	shalt  }
0x75: {  	_ =	shalt  }
0x76: {  	_ =	shalt  }
0x77: {  	_ =	shalt  }
0x78: {  	_ =	shalt  }
0x79: {  	_ =	shalt  }
0x7a: {  	_ =	shalt  }
0x7b: {  	_ =	shalt  }
0x7c: {  	_ =	shalt  }
0x7d: {  	_ =	shalt  }
0x7e: {  	_ =	shalt  }
0x7f: {  	_ =	shalt  }
0x80: {  	_ =	shalt  }
0x81: {  	_ =	shalt  }
0x82: {  	_ =	shalt  }
0x83: {  	_ =	shalt  }
0x84: {  	_ =	shalt  }
0x85: {  	_ =	shalt  }
0x86: {  	_ =	shalt  }
0x87: {  	_ =	shalt  }
.Lfunc_end0:
.L_simem_size_0:
called_computation_lowered:
.L_overlay_start_0:
0x88: {  	s2 =	sld [smem:$0x3FD9]  }
0x89: {  	s3 =	sld [smem:$0x3FFE];
	_ =	sdelay $0x1  }
0x8a: {  	s1 =	srdreg.scid  }
0x8b: {  	s0 =	sand.u32 $0x1, s1  }
0x8c: {  	s17 =	sshll.u32 s0, $0xA;
	s2 =	sadd.s32 s3, s2  }
0x8d: {  	s2 =	sadd.s32 s2, s17  }
0x8e: {  	[smem:$0x3FC6] =	sst s2  }
0x8f: {  	_ = 	snop  }
0x90: {  	s2 =	sld [smem:$0x3FC9]  }
0x91: {  	s18 =	sld [smem:$0x3FD0];
	(tm) =	ssettm $0x1  }
0x92: {  	s4 =	sld [smem:$0x3FFB];
	_ =	sdelay $0x3  }
0x93: {  	_ =	strace s4  }
0x94: {  	s4 =	sld [smem:$0x3FFC];
	_ =	sdelay $0x3  }
0x95: {  	_ =	strace s4  }
0x96: {  	s4 =	sld [smem:$0x3FFD];
	_ =	sdelay $0x3  }
0x97: {  	_ =	strace s4  }
0x98: {  	_ =	strace $0x8FFFFFFF  }
0x99: {  	s19 =	sld [smem:$0x3FDB];
	_ =	sdelay $0x1  }
0x9a: {  	s5 =	simm.s32 $_scs_section_size  }
0x9b: {  	s6 =	simm.s32 $_size__tile_overlayer_lowered;
	s7 =	simm.s32 $_tile_overlayer_lowered  }
0x9c: {  	s22 =	simm.s32 $0x1BFF;
	s21 =	sshll.u32 s7, $0x1;
	s4 =	sadd.s32 s5, s19  }
0x9d: {  	s8 =	simm.s32 $0x0;
	s20 =	sshll.u32 s6, $0x1;
	s6 =	sadd.s32 s21, s4  }
0x9e: {  	[timem:s8], [sflag:s22] =	dma.local [hbm:s6], s20  }
0x9f: {  	_ =	swait.ge [sflag:s22], s20  }
0xa0: {  	s5 =	ssub.s32 $0x0, s20;
	[sflag:s22] =	ssyncset.done $0x0  }
0xa1: {  	[sflag:s22] =	ssyncadd.s32 s5;
	_ =	sdelay $0x1  }
0xa2: {  	s23 =	simm.s32 $0x1B8B  }
0xa3: {  	_ =	swait.ge [sflag:s23], $0x1  }
0xa4: {  	[sflag:s23] =	ssyncset.done $0x0  }
0xa5: {  	s25 =	simm.s32 $0x1B8E;
	s24 =	sld [smem:$0x3FFE];
	[sflag:s23] =	ssyncadd.s32 $0xFFFFFFFF  }
0xa6: {  	s26 =	simm.s32 $execute0_lowered;
	[smem:$0x3FD2] =	sst s25  }
0xa7: {  	s6 =	sshll.u32 s26, $0x1;
	_ =	strace $0x80000046;
	[dreg:$0x1] =	wrdreg $0xFFFFFFFF  }
0xa8: {  	s28 =	simm.s32 $_size_execute0_lowered;
	s4 =	sadd.s32 s4, s6;
	[dreg:$0x0] =	wrdreg $0x0  }
0xa9: {  	s6 =	sshll.u32 s28, $0x1;
	[dreg:$0x2] =	wrdreg s4  }
0xaa: {  	[dreg:$0x3] =	wrdreg s6  }
0xab: {  	[dreg:$0x4] =	wrdreg $0xC0  }
0xac: {  	_ =	task [dreg:s8], $0x5FFFF  }
0xad: {  	[dreg:$0x1] =	wrdreg $0xFFFFFFFF  }
0xae: {  	[dreg:$0x0] =	wrdreg $0x60  }
0xaf: {  	[dreg:$0x2] =	wrdreg s2  }
0xb0: {  	[dreg:$0x3] =	wrdreg s24  }
0xb1: {  	[dreg:$0x4] =	wrdreg s18  }
0xb2: {  	[dreg:$0x5] =	wrdreg $0x124000  }
0xb3: {  	[dreg:$0x6] =	wrdreg $0x9  }
0xb4: {  	_ =	task.clear_ibuf [dreg:s8], $0x7FFFF;
	_ =	strace $0x90000046  }
0xb5: {  	s29 =	simm.s32 $0x9;
	_ =	strace $0x80000048  }
0xb6: {  	_ =	swait.ge [sflag:s29], $0x1  }
0xb7: {  	[sflag:s29] =	ssyncadd.s32 $0xFFFFFFFF  }
0xb8: {  	_ =	strace $0x90000048  }
0xb9: {  	_ =	sfence  }
0xba: {  	s30 =	sld [smem:$0x0];
	_ =	sdelay $0x2  }
0xbb: {  	s31 =	sshll.u32 s1, $0xD;
	s1 =	sshrl.u32 s1, $0x2  }
0xbc: {  	s3 =	sand.u32 $0x4000, s31;
	s1 =	sadd.s32 s1, s30  }
0xbd: {  	s0 =	sor.u32 s3, s0;
	s1 =	sshll.u32 s1, $0x11  }
0xbe: {  	s0 =	sor.u32 s1, s0  }
0xbf: {  	s0 =	sadd.s32 $0x8F2B, s0  }
0xc0: {  	[sflag:s0] =	ssyncadd.remote.s32 $0x1  }
0xc1: {  	_ =	sfence.sel $0xFFFF  }
0xc2: {  	[dreg:$0x0] =	wrdreg $0xFFFFFFFF;
	(pc) =	sbr.abs _section_cstart, $3  }
0xc3: {  	[dreg:$0x1] =	wrdreg $0xFFFFFFFF  }
0xc4: {  	_ =	task.clear_ibuf [dreg:s8], $0x2FFFF;
	_ =	strace $0x9FFFFFFF  }
0xc5: {  	(tm) =	ssettm $0x7FFFFFFF  }
tec
execute0_lowered:
.L_overlay_start_1:
0x0: {  	(tag) =	ssettag $0x1  }
0x1: {  	v0 =	vlaneseq.u32  }
0x2: {  	s1 =	rddreg [dreg:$0x0];
	v19 =	vmul.u32 $0x40, v0  }
0x3: {  	s3 =	rddreg [dreg:$0x1]  }
0x4: {  	s0 =	rddreg [dreg:$0x2];
	s6 =	simm.s32 $0x0;
	v0 =	vor.u32 $0x1802, v19  }
0x5: {  	[smem:$0x7FF] =	sst s6;
	[tilespmem:$0x1FD30] =	vst v0;
	v0 =	vor.u32 $0x1C05, v19  }
0x6: {  	s2 =	rddreg [dreg:$0x3];
	v3 =	vor.u32 $0x5, v19;
	_ =	strace $0x80000047;
	[tilespmem:$0x1FD40] =	vst v0  }
0x7: {  	v9 =	vor.u32 $0x405, v19;
	[tilespmem:$0x1FE50] =	vst v3  }
0x8: {  	v6 =	vor.u32 $0x2, v19;
	[tilespmem:$0x1FE60] =	vst v9  }
0x9: {  	v10 =	vor.u32 $0x4, v19;
	[tilespmem:$0x1FE70] =	vst v6  }
0xa: {  	v11 =	vor.u32 $0x3, v19;
	[tilespmem:$0x1FE80] =	vst v10  }
0xb: {  	v12 =	vor.u32 $0x805, v19;
	[tilespmem:$0x1FE90] =	vst v11  }
0xc: {  	v1 =	vor.u32 $0x1C04, v19;
	[tilespmem:$0x1FEA0] =	vst v12  }
0xd: {  	v14 =	vor.u32 $0x404, v19;
	[tilespmem:$0x1FEB0] =	vst v1  }
0xe: {  	v2 =	vor.u32 $0x1C03, v19;
	[tilespmem:$0x1FEC0] =	vst v14  }
0xf: {  	v4 =	vor.u32 $0x1C02, v19;
	[tilespmem:$0x1FED0] =	vst v2  }
0x10: {  	v5 =	vor.u32 $0x1C01, v19;
	[tilespmem:$0x1FEE0] =	vst v4  }
0x11: {  	v7 =	vor.u32 $0x1800, v19;
	[tilespmem:$0x1FEF0] =	vst v5  }
0x12: {  	v27 =	vor.u32 $0xC05, v19;
	[tilespmem:$0x1FF00] =	vst v7  }
0x13: {  	v35 =	vor.u32 $0x804, v19;
	[tilespmem:$0x1FF10] =	vst v27  }
0x14: {  	v36 =	vor.u32 $0x1004, v19;
	[tilespmem:$0x1FF20] =	vst v35  }
0x15: {  	v39 =	vor.u32 $0xC04, v19;
	[tilespmem:$0x1FF30] =	vst v36  }
0x16: {  	v49 =	vor.u32 $0x403, v19;
	[tilespmem:$0x1FF40] =	vst v39  }
0x17: {  	v51 =	vor.u32 $0x803, v19;
	[tilespmem:$0x1FF50] =	vst v49  }
0x18: {  	v52 =	vor.u32 $0xC03, v19;
	[tilespmem:$0x1FF60] =	vst v51  }
0x19: {  	v15 =	vor.u32 $0x402, v19;
	[tilespmem:$0x1FF70] =	vst v52  }
0x1a: {  	v44 =	vor.u32 $0xC02, v19;
	[tilespmem:$0x1FF80] =	vst v15  }
0x1b: {  	v45 =	vor.u32 $0x802, v19;
	[tilespmem:$0x1FF90] =	vst v44  }
0x1c: {  	v46 =	vor.u32 $0x1002, v19;
	[tilespmem:$0x1FFA0] =	vst v45  }
0x1d: {  	v37 =	vor.u32 $0x801, v19;
	[tilespmem:$0x1FFB0] =	vst v46  }
0x1e: {  	v60 =	vor.u32 $0x1005, v19;
	[tilespmem:$0x1FFC0] =	vst v37  }
0x1f: {  	v50 =	vor.u32 $0x1805, v19;
	[tilespmem:$0x1FFD0] =	vst v60  }
0x20: {  	v40 =	vor.u32 $0x1405, v19;
	[tilespmem:$0x1FFE0] =	vst v50  }
0x21: {  	v0 =	vor.u32 $0x6, v19;
	[tilespmem:$0x1FFF0] =	vst v40  }
0x22: {  	[tilespmem:$0x1FD50] =	vst v0;
	v0 =	vor.u32 $0x406, v19  }
0x23: {  	[tilespmem:$0x1FD60] =	vst v0;
	v0 =	vor.u32 $0x806, v19  }
0x24: {  	s4 =	srdreg.scid;
	s9 =	stileid.u32;
	s12 =	simm.s32 $0x7;
	[tilespmem:$0x1FD70] =	vst v0;
	v0 =	vor.u32 $0xC06, v19  }
0x25: {  	s13 =	simm.s32 $0x400;
	s14 =	simm.s32 $0x8000;
	s15 =	simm.s32 $0x80;
	[tilespmem:$0x1FD80] =	vst v0;
	v0 =	vor.u32 $0x1006, v19  }
0x26: {  	s16 =	simm.s32 $0x6400;
	s17 =	simm.s32 $0x8400;
	s18 =	simm.s32 $0x1;
	[tilespmem:$0x1FD90] =	vst v0;
	v0 =	vor.u32 $0x1406, v19  }
0x27: {  	s19 =	simm.s32 $0xA400;
	s20 =	simm.s32 $0x2;
	s21 =	simm.s32 $0xC400;
	[tilespmem:$0x1FDA0] =	vst v0;
	v0 =	vor.u32 $0x1806, v19  }
0x28: {  	s28 =	simm.s32 $0x6;
	s29 =	simm.s32 $0x0;
	s4 =	sand.u32 $0x1, s4;
	[tilespmem:$0x1FDB0] =	vst v0;
	v0 =	vor.u32 $0x1C06, v19  }
0x29: {  	s22 =	sshll.u32 s9, $0xC;
	s24 =	sshll.u32 s9, $0xF;
	s25 =	sshll.u32 s9, $0xB;
	v16 =	vor.u32 $0x400, v19;
	[tilespmem:$0x1FDC0] =	vst v0;
	v0 =	vor.u32 $0x7, v19  }
0x2a: {  	s9 =	sshll.u32 s9, $0x6;
	s5 =	ssub.s32 $0x2, s4;
	s3 =	sadd.s32 s22, s3;
	v17 =	vor.u32 $0x800, v19;
	v25 =	vor.u32 $0xC00, v19;
	[tilespmem:$0x1FDD0] =	vst v0;
	v0 =	vor.u32 $0x407, v19  }
0x2b: {  	s4 =	sshll.u32 s4, $0xA;
	s8 =	sadd.s32 s24, s2;
	s26 =	sor.u32 $0x1C07, s9;
	v26 =	vor.u32 $0x1000, v19;
	v24 =	vor.u32 $0x1400, v19;
	[tilespmem:$0x1FDE0] =	vst v0;
	v0 =	vor.u32 $0x807, v19  }
0x2c: {  	s9 =	sadd.s32 $0x8000, s0;
	s22 =	simm.s32 $0xE400;
	s24 =	simm.s32 $0x3;
	v22 =	vor.u32 $0x1C00, v19;
	v20 =	vor.u32 $0x1, v19;
	[tilespmem:$0x1FDF0] =	vst v0;
	v0 =	vor.u32 $0xC07, v19  }
0x2d: {  	v23 =	vor.u32 $0x401, v19;
	v38 =	vor.u32 $0xC01, v19;
	s7 =	sshrl.u32 s5, $0x1;
	s3 =	sadd.s32 $0x400, s3;
	s11 =	sshrl.u32 s8, $0x3;
	[tilespmem:$0x1FE00] =	vst v0;
	v0 =	vor.u32 $0x1007, v19  }
0x2e: {  	v21 =	vor.u32 $0x1001, v19;
	v18 =	vor.u32 $0x1401, v19;
	s23 =	ssub.s32 s5, s7;
	s5 =	sor.u32 s4, s25;
	[dreg:$0x5] =	wrdreg s3;
	[tilespmem:$0x1FE10] =	vst v0;
	v0 =	vor.u32 $0x1407, v19  }
0x2f: {  	v41 =	vor.u32 $0x1801, v19;
	v48 =	vor.u32 $0x1402, v19;
	[dreg:$0x6] =	wrdreg s26;
	s30 =	sshrl.u32 s5, $0x3;
	s31 =	smax.u32 s23, $0x1;
	[tilespmem:$0x1FE20] =	vst v0;
	v0 =	vor.u32 $0x1807, v19  }
0x30: {  	v55 =	vor.u32 $0x1003, v19;
	v56 =	vor.u32 $0x1403, v19;
	s25 =	simm.s32 $0x4;
	s1 =	sadd.s32 s1, s30;
	[dreg:$0x8] =	wrdreg s31;
	[tilespmem:$0x1FE30] =	vst v0;
	v0 =	vor.u32 $0x1C07, v19  }
0x31: {  	v58 =	vor.u32 $0x1803, v19;
	v43 =	vor.u32 $0x1404, v19;
	v59 =	vor.u32 $0x1804, v19;
	s23 =	simm.s32 $0x10400;
	s26 =	simm.s32 $0x5;
	[dreg:$0x7] =	wrdreg s1;
	[tilespmem:$0x1FE40] =	vst v0  }
.LBB2_1:
0x32: {  	s1 =	rddreg [dreg:$0x5]  }
0x33: {  	s3 =	rddreg [dreg:$0x6]  }
0x34: {  	[spmem:s11], [sflag:s3] =	dma.local [hbm:s1], $0x1000  }
0x35: {  	_ =	swait.ge [sflag:s12], $0x1000  }
0x36: {  	[sflag:s12] =	ssyncset.done $0x0  }
0x37: {  	s10 =	simm.s32 $0x0;
	s31 =	rddreg [dreg:$0x7];
	[sflag:s12] =	ssyncadd.s32 $0xFFFFF000  }
0x38: {  	[tilespmem:s10], [sflag:$0x7] =	stream.strided.gather [hbm4b:s31+s13], $0x6400, s14, s13, $0x38;
	[tilespmem:$0x1A400] =	vst v63  }
0x39: {  	_ =	swait.ge [sflag:s12], $0x6400  }
0x3a: {  	[sflag:s12] =	ssyncset.done $0x0  }
0x3b: {  	[sflag:s12] =	ssyncadd.s32 $0xFFFF9C00  }
0x3c: {  	[bflag:$0x0] =	sbarrier.arrive $0xFFFF  }
0x3d: {  	[tilespmem:s16], [sflag:$0x1] =	stream.indirect.gather [spmem:s2], $0x40, s10, s15, $0xb8;
	[tilespmem:$0x1A400] =	vst v63  }
0x3e: {  	s30 =	simm.s32 $0x0  }
0x3f: {  	[tilespmem:s17], [sflag:$0x2] =	stream.indirect.gather [spmem:s2], $0x40, s15, s15, $0xb8;
	[tilespmem:$0x1A400] =	vst v63  }
.LBB2_2:
0x40: {  	s3 =	simm.s32 $0x0;
	_ =	swait.ge [sflag:s18], $0x2000  }
0x41: {  	v0 =	vmov s3;
	v42 =	vld [tilespmem:$0x1FD50]  }
0x42: {  	v53 =	vld [tilespmem:$0x1FDD0];
	v0 =	vshrl.u32 v0, $0x3  }
0x43: {  	v0 =	vshll.u32 v0, $0x3  }
0x44: {  	v0 =	vbroadcast v0, $0x0  }
0x45: {  	p0 =	seq.s32 s30, $0x0;
	[sflag:s18] =	ssyncset.done $0x0  }
0x46: {  	s1 =	simm.s32 @!p0 $0x3;
	[sflag:s18] =	ssyncadd.s32 $0xFFFFE000;
	v1 =	vor.u32 v42, v0  }
0x47: {  	_ =	swait.ge @!p0 [sflag:s1], $0x2000;
	v2 =	vor.u32 v53, v0  }
0x48: {  	v33 =	vld [tilespmem:$0x1FD60];
	v3 =	vor.u32 v3, v0  }
0x49: {  	[sflag:s1] =	ssyncset.done @!p0 $0x0  }
0x4a: {  	v54 =	vld [tilespmem:$0x1FDE0];
	[sflag:s1] =	ssyncadd.s32 @!p0 $0xFFFFE000  }
0x4b: {  	v4 =	vor.u32 v19, v0;
	v1 =	vld.idx.msk [tilespmem:v1+s16+$0x0], $0xffff  }
0x4c: {  	v5 =	vor.u32 v20, v0;
	v2 =	vld.idx.msk [tilespmem:v2+s16+$0x0], $0xffff  }
0x4d: {  	v7 =	vor.u32 v33, v0;
	v3 =	vld.idx.msk [tilespmem:v3+s16+$0x0], $0xffff;
	_ =	sdelay $0x1  }
0x4e: {  	s1 =	simm.s32 $0xA600;
	v8 =	vor.u32 v54, v0  }
0x4f: {  	v9 =	vor.u32 v9, v0;
	v4 =	vld.idx.msk [tilespmem:v4+s16+$0x0], $0xffff;
	[tilespmem:s1+$0x100] =	vst v1  }
0x50: {  	v5 =	vld.idx.msk [tilespmem:v5+s16+$0x0], $0xffff;
	[tilespmem:s1+$0x180] =	vst v2  }
0x51: {  	v10 =	vor.u32 v10, v0;
	[tilespmem:s1+$0x80] =	vst v3;
	v7 =	vld.idx.msk [tilespmem:v7+s16+$0x0], $0xffff  }
0x52: {  	v30 =	vld [tilespmem:$0x1FD70]  }
0x53: {  	v3 =	vld.idx.msk [tilespmem:v8+s16+$0x0], $0xffff  }
0x54: {  	v6 =	vor.u32 v6, v0;
	v8 =	vld.idx.msk [tilespmem:v9+s16+$0x0], $0xffff  }
0x55: {  	v34 =	vld [tilespmem:$0x1FDF0];
	[tilespmem:s1+$0xFFFFFE00] =	vst v4  }
0x56: {  	v10 =	vld.idx.msk [tilespmem:v10+s16+$0x0], $0xffff;
	v1 =	vor.u32 v23, v0;
	[tilespmem:s1+$0xFFFFFE80] =	vst v5  }
0x57: {  	[tilespmem:s1+$0x110] =	vst v7  }
0x58: {  	v4 =	vor.u32 v12, v0;
	[tilespmem:s1+$0x190] =	vst v3  }
0x59: {  	v6 =	vld.idx.msk [tilespmem:v6+s16+$0x0], $0xffff;
	v2 =	vor.u32 v30, v0;
	[tilespmem:s1+$0x90] =	vst v8  }
0x5a: {  	v9 =	vor.u32 v34, v0;
	v61 =	vld [tilespmem:$0x1FD80]  }
0x5b: {  	v11 =	vor.u32 v11, v0;
	v1 =	vld.idx.msk [tilespmem:v1+s16+$0x0], $0xffff;
	[tilespmem:s1+$0x0] =	vst v10  }
0x5c: {  	v12 =	vor.u32 v14, v0;
	v5 =	vor.u32 v15, v0;
	v15 =	vld [tilespmem:$0x1FE00]  }
0x5d: {  	v4 =	vld.idx.msk [tilespmem:v4+s16+$0x0], $0xffff  }
0x5e: {  	[tilespmem:s1+$0xFFFFFF00] =	vst v6;
	v6 =	vor.u32 v27, v0;
	v2 =	vld.idx.msk [tilespmem:v2+s16+$0x0], $0xffff  }
0x5f: {  	v8 =	vld.idx.msk [tilespmem:v9+s16+$0x0], $0xffff;
	v3 =	vor.u32 v61, v0  }
0x60: {  	v11 =	vld.idx.msk [tilespmem:v11+s16+$0x0], $0xffff  }
0x61: {  	v10 =	vld.idx.msk [tilespmem:v12+s16+$0x0], $0xffff;
	[tilespmem:s1+$0xFFFFFE90] =	vst v1;
	v9 =	vor.u32 v15, v0  }
0x62: {  	v1 =	vld.idx.msk [tilespmem:v5+s16+$0x0], $0xffff;
	[tilespmem:s1+$0xA0] =	vst v4  }
0x63: {  	v12 =	vor.u32 v35, v0;
	v6 =	vld.idx.msk [tilespmem:v6+s16+$0x0], $0xffff;
	[tilespmem:s1+$0x120] =	vst v2  }
0x64: {  	[tilespmem:s1+$0x1A0] =	vst v8;
	v3 =	vld.idx.msk [tilespmem:v3+s16+$0x0], $0xffff  }
0x65: {  	v63 =	vld [tilespmem:$0x1FD90]  }
0x66: {  	v5 =	vor.u32 v45, v0;
	[tilespmem:s1+$0x10] =	vst v10;
	v4 =	vld.idx.msk [tilespmem:v9+s16+$0x0], $0xffff  }
0x67: {  	v45 =	vld [tilespmem:$0x1FE10];
	[tilespmem:s1+$0xFFFFFF10] =	vst v1  }
0x68: {  	v2 =	vor.u32 v49, v0;
	v10 =	vld.idx.msk [tilespmem:v12+s16+$0x0], $0xffff;
	[tilespmem:s1+$0xFFFFFF80] =	vst v11  }
0x69: {  	[tilespmem:s1+$0xB0] =	vst v6  }
0x6a: {  	v1 =	vor.u32 v60, v0;
	[tilespmem:s1+$0x130] =	vst v3  }
0x6b: {  	v5 =	vld.idx.msk [tilespmem:v5+s16+$0x0], $0xffff;
	v8 =	vor.u32 v63, v0;
	[tilespmem:s1+$0x1B0] =	vst v4  }
0x6c: {  	v9 =	vor.u32 v45, v0;
	v62 =	vld [tilespmem:$0x1FDA0]  }
0x6d: {  	v7 =	vor.u32 v37, v0;
	v2 =	vld.idx.msk [tilespmem:v2+s16+$0x0], $0xffff;
	[tilespmem:s1+$0x20] =	vst v10  }
0x6e: {  	v11 =	vor.u32 v39, v0;
	v47 =	vld [tilespmem:$0x1FE20]  }
0x6f: {  	v12 =	vor.u32 v44, v0;
	v1 =	vld.idx.msk [tilespmem:v1+s16+$0x0], $0xffff  }
0x70: {  	v3 =	vor.u32 v51, v0;
	v8 =	vld.idx.msk [tilespmem:v8+s16+$0x0], $0xffff  }
0x71: {  	v4 =	vld.idx.msk [tilespmem:v9+s16+$0x0], $0xffff;
	v6 =	vor.u32 v62, v0  }
0x72: {  	v29 =	vld.idx.msk [tilespmem:v7+s16+$0x0], $0xffff;
	[tilespmem:s1+$0xFFFFFF20] =	vst v5  }
0x73: {  	v11 =	vld.idx.msk [tilespmem:v11+s16+$0x0], $0xffff;
	[tilespmem:s1+$0xFFFFFF90] =	vst v2;
	v9 =	vor.u32 v47, v0  }
0x74: {  	v10 =	vor.u32 v40, v0;
	v2 =	vld.idx.msk [tilespmem:v12+s16+$0x0], $0xffff;
	[tilespmem:s1+$0xC0] =	vst v1  }
0x75: {  	v3 =	vld.idx.msk [tilespmem:v3+s16+$0x0], $0xffff;
	[tilespmem:s1+$0x140] =	vst v8  }
0x76: {  	v5 =	vor.u32 v36, v0;
	[tilespmem:s1+$0x1C0] =	vst v4;
	v13 =	vld.idx.msk [tilespmem:v6+s16+$0x0], $0xffff  }
0x77: {  	v12 =	vor.u32 v46, v0;
	v57 =	vld [tilespmem:$0x1FDB0]  }
0x78: {  	v8 =	vor.u32 v52, v0;
	v7 =	vld.idx.msk [tilespmem:v9+s16+$0x0], $0xffff  }
0x79: {  	[tilespmem:s1+$0x30] =	vst v11;
	v9 =	vld.idx.msk [tilespmem:v10+s16+$0x0], $0xffff  }
0x7a: {  	v37 =	vld [tilespmem:$0x1FE30]  }
0x7b: {  	v11 =	vor.u32 v38, v0;
	v5 =	vld.idx.msk [tilespmem:v5+s16+$0x0], $0xffff;
	[tilespmem:s1+$0xFFFFFF30] =	vst v2  }
0x7c: {  	v2 =	vor.u32 v50, v0;
	[tilespmem:s1+$0xFFFFFFA0] =	vst v3;
	v6 =	vld.idx.msk [tilespmem:v12+s16+$0x0], $0xffff  }
0x7d: {  	v4 =	vor.u32 v43, v0;
	[tilespmem:s1+$0xFFFFFEA0] =	vst v29;
	v12 =	vld.idx.msk [tilespmem:v8+s16+$0x0], $0xffff  }
0x7e: {  	[tilespmem:s1+$0x150] =	vst v13  }
0x7f: {  	[tilespmem:s1+$0x1D0] =	vst v7  }
0x80: {  	v11 =	vld.idx.msk [tilespmem:v11+s16+$0x0], $0xffff;
	[tilespmem:s1+$0xD0] =	vst v9  }
0x81: {  	[tilespmem:s1+$0x40] =	vst v5;
	v7 =	vld.idx.msk [tilespmem:v2+s16+$0x0], $0xffff  }
0x82: {  	v1 =	vor.u32 v57, v0;
	v5 =	vld.idx.msk [tilespmem:v4+s16+$0x0], $0xffff;
	[tilespmem:s1+$0xFFFFFFB0] =	vst v12  }
0x83: {  	v10 =	vor.u32 v37, v0;
	v50 =	vld [tilespmem:$0x1FE40]  }
0x84: {  	v46 =	vmov v15;
	v15 =	vor.u32 v55, v0;
	v4 =	vld [tilespmem:$0x1FD40]  }
0x85: {  	v49 =	vld [tilespmem:$0x1FD30]  }
0x86: {  	v52 =	vld [tilespmem:$0x1FDC0]  }
0x87: {  	v44 =	vmov v34;
	v51 =	vmov v30;
	v1 =	vld.idx.msk [tilespmem:v1+s16+$0x0], $0xffff  }
0x88: {  	v3 =	vor.u32 v21, v0;
	v13 =	vor.u32 v16, v0;
	v2 =	vor.u32 v59, v0;
	v8 =	vld.idx.msk [tilespmem:v10+s16+$0x0], $0xffff  }
0x89: {  	s31 =	sshll.u32 s30, $0x2;
	s6 =	simm.s32 $0xA600;
	v12 =	vor.u32 v48, v0;
	v10 =	vor.u32 v50, v0;
	v9 =	vor.u32 v4, v0;
	v4 =	vld.idx.msk [tilespmem:v15+s16+$0x0], $0xffff  }
.LBB2_3:
0x8a: {  	_ =	sdelay $0x1  }
0x8b: {  	s3 =	sadd.s32 $0x8, s3;
	[tilespmem:s1+$0x50] =	vst v5  }
0x8c: {  	[tilespmem:s1+$0xFFFFFF40] =	vst v6;
	v28 =	vmovc v16;
	v16 =	vor.u32 v18, v0;
	v40 =	vmov v18;
	v6 =	vmov s3;
	v18 =	vld.idx.msk [tilespmem:v2+s16+$0x0], $0xffff  }
0x8d: {  	v6 =	vshrl.u32 v6, $0x3;
	v2 =	vld [tilespmem:$0x1FF60]  }
0x8e: {  	v13 =	vld.idx.msk [tilespmem:v13+s16+$0x0], $0xffff;
	v6 =	vshll.u32 v6, $0x3;
	[tilespmem:s1+$0x1E0] =	vst v8  }
0x8f: {  	v14 =	vor.u32 v56, v0;
	v12 =	vld.idx.msk [tilespmem:v12+s16+$0x0], $0xffff;
	[tilespmem:s1+$0xE0] =	vst v7;
	v6 =	vbroadcast v6, $0x0  }
0x90: {  	[tilespmem:s1+$0xFFFFFEB0] =	vst v11;
	v11 =	vor.u32 v17, v0;
	v10 =	vld.idx.msk [tilespmem:v10+s16+$0x0], $0xffff  }
0x91: {  	v27 =	vmov v19;
	v9 =	vld.idx.msk [tilespmem:v9+s16+$0x0], $0xffff;
	v19 =	vor.u32 v19, v6  }
0x92: {  	v8 =	vor.u32 v2, v6;
	v2 =	vld [tilespmem:$0x1FF50]  }
0x93: {  	[tilespmem:s1+$0xFFFFFFC0] =	vst v4;
	v15 =	vld.idx.msk [tilespmem:v3+s16+$0x0], $0xffff  }
0x94: {  	v35 =	vmov v20;
	v14 =	vld.idx.msk [tilespmem:v14+s16+$0x0], $0xffff;
	[tilespmem:s1+$0xFFFFFE10] =	vst v13;
	v20 =	vor.u32 v20, v6  }
0x95: {  	v29 =	vmov v17;
	v17 =	vor.u32 v49, v0;
	v11 =	vld.idx.msk [tilespmem:v11+s16+$0x0], $0xffff  }
0x96: {  	[tilespmem:s1+$0xF0] =	vst v9;
	v9 =	vld.idx.msk [tilespmem:v19+s16+$0x0], $0xffff  }
0x97: {  	v39 =	vmov v21;
	v3 =	vor.u32 v21, v6;
	[tilespmem:s1+$0xFFFFFF50] =	vst v12;
	v21 =	vor.u32 v2, v6;
	v2 =	vld [tilespmem:$0x1FE70]  }
0x98: {  	[tilespmem:s1+$0x1F0] =	vst v10;
	v19 =	vld [tilespmem:$0x1FE50]  }
0x99: {  	[tilespmem:s1+$0x60] =	vst v18;
	v18 =	vld.idx.msk [tilespmem:v20+s16+$0x0], $0xffff  }
0x9a: {  	v17 =	vld.idx.msk [tilespmem:v17+s16+$0x0], $0xffff;
	v20 =	vor.u32 v42, v6;
	[tilespmem:s1+$0xFFFFFEC0] =	vst v15  }
0x9b: {  	[tilespmem:s1+$0xFFFFFFD0] =	vst v14;
	v15 =	vor.u32 v53, v6;
	v16 =	vld.idx.msk [tilespmem:v16+s16+$0x0], $0xffff  }
0x9c: {  	v34 =	vmov v22;
	[tilespmem:s1+$0xFFFFFE20] =	vst v11;
	s1 =	sadd.s32 $0x400, s1;
	v22 =	vor.u32 v2, v6;
	v2 =	vld [tilespmem:$0x1FFB0]  }
0x9d: {  	[tilespmem:s1+$0xFFFFFE00] =	vst v9;
	v9 =	vld [tilespmem:$0x1FEC0]  }
0x9e: {  	v19 =	vor.u32 v19, v6;
	[tilespmem:s1+$0xFFFFFE80] =	vst v18;
	v18 =	vld [tilespmem:$0x1FE60]  }
0x9f: {  	v20 =	vld.idx.msk [tilespmem:v20+s16+$0x0], $0xffff  }
0xa0: {  	v15 =	vld.idx.msk [tilespmem:v15+s16+$0x0], $0xffff  }
0xa1: {  	v7 =	vor.u32 v2, v6;
	v2 =	vld [tilespmem:$0x1FE90]  }
0xa2: {  	v12 =	vor.u32 v23, v6;
	v14 =	vld.idx.msk [tilespmem:v22+s16+$0x0], $0xffff  }
0xa3: {  	v32 =	vmov v24;
	v24 =	vor.u32 v33, v6;
	[tilespmem:s6+$0xFFFFFF60] =	vst v17;
	v17 =	vld.idx.msk [tilespmem:v19+s16+$0x0], $0xffff  }
0xa4: {  	[tilespmem:s6+$0xFFFFFED0] =	vst v16;
	v16 =	vld [tilespmem:$0x1FFC0];
	v18 =	vor.u32 v18, v6  }
0xa5: {  	[tilespmem:s1+$0x100] =	vst v20;
	v20 =	vld [tilespmem:$0x1FEA0]  }
0xa6: {  	v13 =	vor.u32 v2, v6;
	v2 =	vld [tilespmem:$0x1FE80]  }
0xa7: {  	v12 =	vld.idx.msk [tilespmem:v12+s16+$0x0], $0xffff  }
0xa8: {  	v24 =	vld.idx.msk [tilespmem:v24+s16+$0x0], $0xffff;
	[tilespmem:s1+$0x80] =	vst v17  }
0xa9: {  	v18 =	vld.idx.msk [tilespmem:v18+s16+$0x0], $0xffff  }
0xaa: {  	[tilespmem:s1+$0x180] =	vst v15;
	v15 =	vld [tilespmem:$0x1FEF0];
	v20 =	vor.u32 v20, v6  }
0xab: {  	v22 =	vld [tilespmem:$0x1FF80];
	v10 =	vor.u32 v2, v6  }
0xac: {  	v19 =	vld [tilespmem:$0x1FEB0];
	[tilespmem:s1+$0xFFFFFF00] =	vst v14;
	v14 =	vor.u32 v54, v6  }
0xad: {  	[tilespmem:s1+$0x110] =	vst v24;
	v24 =	vld [tilespmem:$0x1FEE0]  }
0xae: {  	v13 =	vld.idx.msk [tilespmem:v13+s16+$0x0], $0xffff;
	[tilespmem:s1+$0x90] =	vst v18  }
0xaf: {  	v11 =	vor.u32 v58, v0;
	v20 =	vld.idx.msk [tilespmem:v20+s16+$0x0], $0xffff  }
0xb0: {  	v10 =	vld.idx.msk [tilespmem:v10+s16+$0x0], $0xffff  }
0xb1: {  	v19 =	vor.u32 v19, v0;
	v14 =	vld.idx.msk [tilespmem:v14+s16+$0x0], $0xffff  }
0xb2: {  	v36 =	vmovc v23;
	v31 =	vmov v26;
	v23 =	vor.u32 v41, v0;
	v18 =	vor.u32 v26, v0;
	v26 =	vld [tilespmem:$0x1FF10]  }
0xb3: {  	[tilespmem:s1+$0xFFFFFF80] =	vst v13;
	v13 =	vld [tilespmem:$0x1FFA0]  }
0xb4: {  	v17 =	vor.u32 v25, v0;
	v11 =	vld.idx.msk [tilespmem:v11+s16+$0x0], $0xffff;
	[tilespmem:s1+$0xA0] =	vst v20  }
0xb5: {  	v20 =	vld [tilespmem:$0x1FF30];
	[tilespmem:s1+$0x0] =	vst v10  }
0xb6: {  	v16 =	vor.u32 v16, v6;
	v10 =	vld.idx.msk [tilespmem:v19+s16+$0x0], $0xffff  }
0xb7: {  	v22 =	vor.u32 v22, v6;
	v19 =	vld.idx.msk [tilespmem:v23+s16+$0x0], $0xffff  }
0xb8: {  	v23 =	vld [tilespmem:$0x1FF20]  }
0xb9: {  	[tilespmem:s6+$0xFFFFFFE0] =	vst v11;
	v11 =	vld.idx.msk [tilespmem:v17+s16+$0x0], $0xffff  }
0xba: {  	[tilespmem:s1+$0xFFFFFE90] =	vst v12;
	v12 =	vor.u32 v51, v6;
	v17 =	vld [tilespmem:$0x1FF90]  }
0xbb: {  	v15 =	vor.u32 v15, v0;
	v16 =	vld.idx.msk [tilespmem:v16+s16+$0x0], $0xffff  }
0xbc: {  	v30 =	vmov v25;
	v25 =	vor.u32 v44, v6;
	[tilespmem:s6+$0x70] =	vst v10;
	v10 =	vld.idx.msk [tilespmem:v22+s16+$0x0], $0xffff  }
0xbd: {  	v9 =	vor.u32 v9, v6;
	[tilespmem:s6+$0xFFFFFEE0] =	vst v19;
	v19 =	vld [tilespmem:$0x1FF70]  }
0xbe: {  	v22 =	vld [tilespmem:$0x1FF40]  }
0xbf: {  	v24 =	vor.u32 v24, v0;
	v12 =	vld.idx.msk [tilespmem:v12+s16+$0x0], $0xffff  }
0xc0: {  	[tilespmem:s1+$0x190] =	vst v14;
	v15 =	vld.idx.msk [tilespmem:v15+s16+$0x0], $0xffff  }
0xc1: {  	v26 =	vor.u32 v26, v6;
	[tilespmem:s1+$0xFFFFFEA0] =	vst v16;
	v16 =	vld.idx.msk [tilespmem:v25+s16+$0x0], $0xffff  }
0xc2: {  	[tilespmem:s6+$0xFFFFFE30] =	vst v11;
	v9 =	vld.idx.msk [tilespmem:v9+s16+$0x0], $0xffff;
	v25 =	vor.u32 v46, v6  }
0xc3: {  	v14 =	vor.u32 v61, v6;
	[tilespmem:s1+$0xFFFFFF10] =	vst v10;
	v10 =	vld.idx.msk [tilespmem:v18+s16+$0x0], $0xffff  }
0xc4: {  	v23 =	vor.u32 v23, v6;
	[tilespmem:s1+$0x120] =	vst v12;
	v11 =	vld.idx.msk [tilespmem:v24+s16+$0x0], $0xffff  }
0xc5: {  	v18 =	vor.u32 v32, v0;
	[tilespmem:s6+$0xFFFFFEF0] =	vst v15;
	v15 =	vld.idx.msk [tilespmem:v21+s16+$0x0], $0xffff  }
0xc6: {  	v21 =	vld.idx.msk [tilespmem:v26+s16+$0x0], $0xffff;
	[tilespmem:s1+$0x1A0] =	vst v16  }
0xc7: {  	[tilespmem:s1+$0x10] =	vst v9;
	v9 =	vld.idx.msk [tilespmem:v25+s16+$0x0], $0xffff  }
0xc8: {  	v13 =	vor.u32 v13, v6;
	v14 =	vld.idx.msk [tilespmem:v14+s16+$0x0], $0xffff  }
0xc9: {  	v16 =	vld.idx.msk [tilespmem:v23+s16+$0x0], $0xffff;
	[tilespmem:s6+$0xFFFFFE40] =	vst v10  }
0xca: {  	v23 =	vor.u32 v63, v6;
	v18 =	vld.idx.msk [tilespmem:v18+s16+$0x0], $0xffff;
	[tilespmem:s6+$0xFFFFFF70] =	vst v11  }
0xcb: {  	[tilespmem:s1+$0xFFFFFF90] =	vst v15;
	v15 =	vld [tilespmem:$0x1FFF0]  }
0xcc: {  	v12 =	vor.u32 v60, v6;
	[tilespmem:s1+$0x1B0] =	vst v9;
	v9 =	vld [tilespmem:$0x1FED0]  }
0xcd: {  	v22 =	vor.u32 v22, v6;
	v11 =	vld.idx.msk [tilespmem:v13+s16+$0x0], $0xffff  }
0xce: {  	v10 =	vor.u32 v45, v6;
	[tilespmem:s1+$0x130] =	vst v14;
	v13 =	vld [tilespmem:$0x1FF00]  }
0xcf: {  	v17 =	vor.u32 v17, v6;
	v14 =	vld.idx.msk [tilespmem:v23+s16+$0x0], $0xffff  }
0xd0: {  	[tilespmem:s1+$0xB0] =	vst v21;
	v21 =	vor.u32 v62, v6;
	v8 =	vld.idx.msk [tilespmem:v8+s16+$0x0], $0xffff  }
0xd1: {  	v12 =	vld.idx.msk [tilespmem:v12+s16+$0x0], $0xffff;
	[tilespmem:s1+$0x20] =	vst v16;
	v9 =	vor.u32 v9, v0  }
0xd2: {  	v16 =	vld.idx.msk [tilespmem:v22+s16+$0x0], $0xffff;
	v15 =	vor.u32 v15, v6  }
0xd3: {  	v10 =	vld.idx.msk [tilespmem:v10+s16+$0x0], $0xffff;
	v13 =	vor.u32 v13, v0;
	[tilespmem:s1+$0xFFFFFF20] =	vst v11  }
0xd4: {  	v11 =	vor.u32 v47, v6;
	[tilespmem:s1+$0x140] =	vst v14;
	v17 =	vld.idx.msk [tilespmem:v17+s16+$0x0], $0xffff  }
0xd5: {  	[tilespmem:s1+$0xFFFFFFA0] =	vst v8;
	v14 =	vld.idx.msk [tilespmem:v21+s16+$0x0], $0xffff  }
0xd6: {  	[tilespmem:s1+$0xC0] =	vst v12;
	v9 =	vld.idx.msk [tilespmem:v9+s16+$0x0], $0xffff  }
0xd7: {  	v19 =	vor.u32 v19, v6;
	[tilespmem:s6+$0xFFFFFE50] =	vst v18;
	v12 =	vld.idx.msk [tilespmem:v15+s16+$0x0], $0xffff  }
0xd8: {  	v4 =	vor.u32 v55, v6;
	v20 =	vor.u32 v20, v6;
	[tilespmem:s1+$0x1C0] =	vst v10;
	v13 =	vld.idx.msk [tilespmem:v13+s16+$0x0], $0xffff  }
0xd9: {  	v5 =	vor.u32 v38, v6;
	v10 =	vld.idx.msk [tilespmem:v11+s16+$0x0], $0xffff;
	v11 =	vor.u32 v52, v0;
	[tilespmem:s1+$0xFFFFFF30] =	vst v17  }
0xda: {  	v2 =	vor.u32 v59, v6;
	v8 =	vor.u32 v34, v0;
	[tilespmem:s1+$0x30] =	vst v16;
	v0 =	vmov v6;
	v6 =	vld.idx.msk [tilespmem:v7+s16+$0x0], $0xffff  }
0xdb: {  	v7 =	vld [tilespmem:$0x1FFE0];
	[tilespmem:s6+$0xFFFFFFF0] =	vst v9  }
0xdc: {  	[tilespmem:s6+$0x160] =	vst v1;
	v9 =	vld.idx.msk [tilespmem:v19+s16+$0x0], $0xffff  }
0xdd: {  	v15 =	vld.idx.msk [tilespmem:v20+s16+$0x0], $0xffff;
	v16 =	vor.u32 v57, v0;
	[tilespmem:s1+$0x150] =	vst v14  }
0xde: {  	v17 =	vor.u32 v37, v0;
	v14 =	vld.idx.msk [tilespmem:v11+s16+$0x0], $0xffff  }
0xdf: {  	[tilespmem:s6+$0xFFFFFE60] =	vst v13;
	v11 =	vld.idx.msk [tilespmem:v5+s16+$0x0], $0xffff;
	v19 =	vor.u32 v43, v0  }
0xe0: {  	v18 =	vld.idx.msk [tilespmem:v8+s16+$0x0], $0xffff;
	v7 =	vor.u32 v7, v0  }
0xe1: {  	p1 =	slt.u32 s3, $0x38;
	[tilespmem:s1+$0xFFFFFFB0] =	vst v9;
	v9 =	vld [tilespmem:$0x1FD40]  }
.Ltmp0:
0xe2: {  	[tilespmem:s1+$0x1D0] =	vst v10;
	v1 =	vld.idx.msk [tilespmem:v16+s16+$0x0], $0xffff;
	(pc) =	sbr.rel @p1 .LBB2_3-.Ltmp0, $4  }
0xe3: {  	v24 =	vmovc v32;
	v26 =	vmov v31;
	v25 =	vmov v30;
	v23 =	vmov v36;
	[tilespmem:s1+$0x40] =	vst v15;
	v8 =	vld.idx.msk [tilespmem:v17+s16+$0x0], $0xffff  }
0xe4: {  	v22 =	vmovc v34;
	v21 =	vmov v39;
	v20 =	vmov v35;
	[tilespmem:s1+$0xD0] =	vst v12;
	v12 =	vor.u32 v48, v0;
	v5 =	vld.idx.msk [tilespmem:v19+s16+$0x0], $0xffff  }
0xe5: {  	v13 =	vor.u32 v28, v0;
	v10 =	vor.u32 v50, v0;
	v16 =	vmov v28;
	[tilespmem:s6+$0x170] =	vst v14;
	v7 =	vld.idx.msk [tilespmem:v7+s16+$0x0], $0xffff  }
0xe6: {  	v17 =	vmovc v29;
	[tilespmem:s6+$0xFFFFFE70] =	vst v18;
	v18 =	vmov v40;
	v19 =	vmov v27;
	s6 =	smov.u32 s1;
	v4 =	vld.idx.msk [tilespmem:v4+s16+$0x0], $0xffff;
	v9 =	vor.u32 v9, v0  }
0xe7: {  	_ =	sdelay $0x3  }
0xe8: {  	v13 =	vld.idx.msk [tilespmem:v13+s16+$0x0], $0xffff  }
0xe9: {  	v14 =	vor.u32 v17, v0;
	_ =	sdelay $0x3  }
0xea: {  	[tilespmem:s1+$0xFFFFFE10] =	vst v13  }
0xeb: {  	v13 =	vld.idx.msk [tilespmem:v14+s16+$0x0], $0xffff  }
0xec: {  	v14 =	vor.u32 v25, v0;
	_ =	sdelay $0x3  }
0xed: {  	[tilespmem:s1+$0xFFFFFE20] =	vst v13  }
0xee: {  	v13 =	vld.idx.msk [tilespmem:v14+s16+$0x0], $0xffff  }
0xef: {  	[tilespmem:s1+$0xFFFFFEB0] =	vst v11;
	v14 =	vor.u32 v26, v0  }
0xf0: {  	v3 =	vld.idx.msk [tilespmem:v3+s16+$0x0], $0xffff  }
0xf1: {  	v11 =	vor.u32 v18, v0  }
0xf2: {  	[tilespmem:s1+$0xFFFFFF40] =	vst v6  }
0xf3: {  	v6 =	vor.u32 v56, v0;
	[tilespmem:s6+$0xFFFFFE30] =	vst v13  }
0xf4: {  	[tilespmem:s1+$0x1E0] =	vst v8;
	v13 =	vld.idx.msk [tilespmem:v14+s16+$0x0], $0xffff  }
0xf5: {  	v8 =	vor.u32 v24, v0;
	v12 =	vld.idx.msk [tilespmem:v12+s16+$0x0], $0xffff;
	[tilespmem:s1+$0xFFFFFEC0] =	vst v3  }
0xf6: {  	[tilespmem:s1+$0xE0] =	vst v7;
	v3 =	vld.idx.msk [tilespmem:v11+s16+$0x0], $0xffff  }
0xf7: {  	v7 =	vld.idx.msk [tilespmem:v10+s16+$0x0], $0xffff;
	v10 =	vor.u32 v49, v0;
	[tilespmem:s1+$0xFFFFFFC0] =	vst v4  }
0xf8: {  	[tilespmem:s1+$0x50] =	vst v5;
	v6 =	vld.idx.msk [tilespmem:v6+s16+$0x0], $0xffff  }
0xf9: {  	v9 =	vld.idx.msk [tilespmem:v9+s16+$0x0], $0xffff;
	[tilespmem:s6+$0xFFFFFE40] =	vst v13  }
0xfa: {  	[tilespmem:s1+$0xFFFFFF50] =	vst v12;
	v8 =	vld.idx.msk [tilespmem:v8+s16+$0x0], $0xffff  }
0xfb: {  	v11 =	vld [tilespmem:$0x1FF00];
	[tilespmem:s6+$0xFFFFFED0] =	vst v3  }
0xfc: {  	[tilespmem:s1+$0x1F0] =	vst v7;
	v7 =	vld.idx.msk [tilespmem:v10+s16+$0x0], $0xffff  }
0xfd: {  	v3 =	vld [tilespmem:$0x1FEB0];
	[tilespmem:s1+$0xFFFFFFD0] =	vst v6  }
0xfe: {  	v4 =	vor.u32 v41, v0;
	v6 =	vld [tilespmem:$0x1FEF0]  }
0xff: {  	v10 =	vld [tilespmem:$0x1FEE0];
	[tilespmem:s1+$0xF0] =	vst v9  }
0x100: {  	v5 =	vor.u32 v58, v0;
	[tilespmem:s6+$0xFFFFFE50] =	vst v8  }
0x101: {  	v11 =	vor.u32 v11, v0;
	v8 =	vld [tilespmem:$0x1FED0]  }
0x102: {  	v2 =	vld.idx.msk [tilespmem:v2+s16+$0x0], $0xffff  }
0x103: {  	v4 =	vld.idx.msk [tilespmem:v4+s16+$0x0], $0xffff;
	v3 =	vor.u32 v3, v0  }
0x104: {  	v6 =	vor.u32 v6, v0  }
0x105: {  	v5 =	vld.idx.msk [tilespmem:v5+s16+$0x0], $0xffff;
	v10 =	vor.u32 v10, v0  }
0x106: {  	v9 =	vld.idx.msk [tilespmem:v11+s16+$0x0], $0xffff;
	v8 =	vor.u32 v8, v0  }
0x107: {  	[tilespmem:s1+$0x60] =	vst v2;
	v2 =	vor.u32 v22, v0  }
0x108: {  	[tilespmem:s6+$0xFFFFFEE0] =	vst v4;
	v3 =	vld.idx.msk [tilespmem:v3+s16+$0x0], $0xffff;
	v0 =	vor.u32 v52, v0  }
0x109: {  	[tilespmem:s6+$0xFFFFFF60] =	vst v7;
	v4 =	vld.idx.msk [tilespmem:v6+s16+$0x0], $0xffff  }
0x10a: {  	[tilespmem:s6+$0xFFFFFFE0] =	vst v5;
	v5 =	vld.idx.msk [tilespmem:v10+s16+$0x0], $0xffff  }
0x10b: {  	[tilespmem:s6+$0xFFFFFE60] =	vst v9;
	v6 =	vld.idx.msk [tilespmem:v8+s16+$0x0], $0xffff  }
0x10c: {  	[tilespmem:s6+$0x160] =	vst v1;
	v2 =	vld.idx.msk [tilespmem:v2+s16+$0x0], $0xffff  }
0x10d: {  	[tilespmem:s6+$0x70] =	vst v3;
	v0 =	vld.idx.msk [tilespmem:v0+s16+$0x0], $0xffff  }
0x10e: {  	[tilespmem:s6+$0xFFFFFEF0] =	vst v4  }
0x10f: {  	s1 =	sor.u32 $0x2, s31;
	[tilespmem:s6+$0xFFFFFF70] =	vst v5  }
0x110: {  	s4 =	sshll.u32 s30, $0x9;
	s3 =	sshll.u32 s1, $0x7;
	[tilespmem:s6+$0xFFFFFFF0] =	vst v6  }
0x111: {  	s4 =	sand.u32 $0x7C00, s4;
	s3 =	sand.u32 $0x300, s3;
	[tilespmem:s6+$0xFFFFFE70] =	vst v2  }
0x112: {  	s10 =	sshll.u32 s30, $0x14;
	s3 =	sor.u32 s3, s4;
	[tilespmem:s6+$0x170] =	vst v0  }
0x113: {  	[tilespmem:s16], [sflag:$0x1] =	stream.indirect.gather [spmem:s2], $0x40, s3, s15, $0xb8;
	[tilespmem:$0x1A400] =	vst v63  }
0x114: {  	s3 =	sor.u32 s5, s10  }
0x115: {  	s6 =	sshrl.u32 s3, $0x3  }
0x116: {  	s7 =	simm.s32 $0x0;
	s3 =	sadd.s32 s0, s6  }
0x117: {  	[hbm4b:s3+s13] =	stream.strided.scatter [tilespmem:s19], [sflag:$0x3], $0x2000, s14, s13, $0x38;
	[tilespmem:$0x1A400] =	vst v63  }
0x118: {  	v0 =	vmov s7;
	_ =	swait.ge [sflag:s20], $0x2000  }
0x119: {  	v0 =	vshrl.u32 v0, $0x3;
	[sflag:s20] =	ssyncset.done $0x0  }
0x11a: {  	v0 =	vshll.u32 v0, $0x3;
	s3 =	simm.s32 @!p0 $0x4;
	[sflag:s20] =	ssyncadd.s32 $0xFFFFE000  }
0x11b: {  	v0 =	vbroadcast v0, $0x0;
	_ =	swait.ge @!p0 [sflag:s3], $0x2000  }
0x11c: {  	v3 =	vld [tilespmem:$0x1FE50]  }
0x11d: {  	v1 =	vor.u32 v42, v0;
	_ =	sdelay $0x1  }
0x11e: {  	v2 =	vor.u32 v53, v0;
	v6 =	vld [tilespmem:$0x1FE70]  }
0x11f: {  	v4 =	vor.u32 v19, v0;
	[sflag:s3] =	ssyncset.done @!p0 $0x0;
	v10 =	vld [tilespmem:$0x1FE80]  }
0x120: {  	v9 =	vld [tilespmem:$0x1FE60];
	[sflag:s3] =	ssyncadd.s32 @!p0 $0xFFFFE000;
	v3 =	vor.u32 v3, v0  }
0x121: {  	v5 =	vor.u32 v20, v0;
	v1 =	vld.idx.msk [tilespmem:v1+s17+$0x0], $0xffff  }
0x122: {  	v7 =	vor.u32 v33, v0;
	v11 =	vld [tilespmem:$0x1FE90]  }
0x123: {  	v2 =	vld.idx.msk [tilespmem:v2+s17+$0x0], $0xffff;
	v6 =	vor.u32 v6, v0  }
0x124: {  	v4 =	vld.idx.msk [tilespmem:v4+s17+$0x0], $0xffff;
	v10 =	vor.u32 v10, v0  }
0x125: {  	v8 =	vor.u32 v54, v0;
	s3 =	simm.s32 $0xC7F0;
	v3 =	vld.idx.msk [tilespmem:v3+s17+$0x0], $0xffff  }
0x126: {  	v5 =	vld.idx.msk [tilespmem:v5+s17+$0x0], $0xffff;
	[tilespmem:s3+$0xFFFFFF10] =	vst v1  }
0x127: {  	v7 =	vld.idx.msk [tilespmem:v7+s17+$0x0], $0xffff  }
0x128: {  	v9 =	vor.u32 v9, v0;
	[tilespmem:s3+$0xFFFFFF90] =	vst v2;
	v6 =	vld.idx.msk [tilespmem:v6+s17+$0x0], $0xffff  }
0x129: {  	[tilespmem:s3+$0xFFFFFC10] =	vst v4;
	v10 =	vld.idx.msk [tilespmem:v10+s17+$0x0], $0xffff  }
0x12a: {  	v11 =	vor.u32 v11, v0;
	[tilespmem:s3+$0xFFFFFE90] =	vst v3;
	v3 =	vld.idx.msk [tilespmem:v8+s17+$0x0], $0xffff  }
0x12b: {  	v4 =	vld [tilespmem:$0x1FEA0]  }
0x12c: {  	v1 =	vor.u32 v23, v0;
	v12 =	vld [tilespmem:$0x1FEC0]  }
0x12d: {  	v2 =	vor.u32 v51, v0;
	v8 =	vld.idx.msk [tilespmem:v9+s17+$0x0], $0xffff;
	[tilespmem:s3+$0xFFFFFC90] =	vst v5  }
0x12e: {  	v9 =	vor.u32 v44, v0;
	v5 =	vld [tilespmem:$0x1FF80]  }
0x12f: {  	v11 =	vld.idx.msk [tilespmem:v11+s17+$0x0], $0xffff;
	[tilespmem:s3+$0xFFFFFF20] =	vst v7  }
0x130: {  	v7 =	vld [tilespmem:$0x1FFC0];
	[tilespmem:s3+$0xFFFFFE10] =	vst v10;
	v4 =	vor.u32 v4, v0  }
0x131: {  	v1 =	vld.idx.msk [tilespmem:v1+s17+$0x0], $0xffff;
	[tilespmem:s3+$0xFFFFFD10] =	vst v6;
	v12 =	vor.u32 v12, v0  }
0x132: {  	v2 =	vld.idx.msk [tilespmem:v2+s17+$0x0], $0xffff;
	[tilespmem:s3+$0xFFFFFFA0] =	vst v3  }
0x133: {  	[tilespmem:s3+$0xFFFFFEA0] =	vst v8;
	v8 =	vld.idx.msk [tilespmem:v9+s17+$0x0], $0xffff;
	v5 =	vor.u32 v5, v0  }
0x134: {  	v6 =	vld [tilespmem:$0x1FF10]  }
0x135: {  	v4 =	vld.idx.msk [tilespmem:v4+s17+$0x0], $0xffff  }
0x136: {  	v10 =	vld.idx.msk [tilespmem:v12+s17+$0x0], $0xffff  }
0x137: {  	v12 =	vld [tilespmem:$0x1FF20]  }
0x138: {  	v3 =	vor.u32 v61, v0;
	[tilespmem:s3+$0xFFFFFCA0] =	vst v1;
	v1 =	vld.idx.msk [tilespmem:v5+s17+$0x0], $0xffff  }
0x139: {  	v9 =	vor.u32 v46, v0;
	v5 =	vld [tilespmem:$0x1FFA0]  }
0x13a: {  	v6 =	vor.u32 v6, v0;
	[tilespmem:s3+$0xFFFFFF30] =	vst v2  }
0x13b: {  	v2 =	vld [tilespmem:$0x1FF50];
	[tilespmem:s3+$0xFFFFFFB0] =	vst v8  }
0x13c: {  	[tilespmem:s3+$0xFFFFFD90] =	vst v11;
	v12 =	vor.u32 v12, v0  }
0x13d: {  	v3 =	vld.idx.msk [tilespmem:v3+s17+$0x0], $0xffff;
	[tilespmem:s3+$0xFFFFFEB0] =	vst v4  }
0x13e: {  	v4 =	vld.idx.msk [tilespmem:v9+s17+$0x0], $0xffff;
	[tilespmem:s3+$0xFFFFFE20] =	vst v10;
	v5 =	vor.u32 v5, v0  }
0x13f: {  	v6 =	vld.idx.msk [tilespmem:v6+s17+$0x0], $0xffff;
	[tilespmem:s3+$0xFFFFFD20] =	vst v1  }
0x140: {  	v8 =	vor.u32 v63, v0;
	v11 =	vld [tilespmem:$0x1FF40]  }
0x141: {  	v2 =	vor.u32 v2, v0;
	v10 =	vld.idx.msk [tilespmem:v12+s17+$0x0], $0xffff  }
0x142: {  	v9 =	vor.u32 v45, v0;
	v12 =	vld [tilespmem:$0x1FF90]  }
0x143: {  	v1 =	vor.u32 v60, v0;
	[tilespmem:s3+$0xFFFFFF40] =	vst v3;
	v5 =	vld.idx.msk [tilespmem:v5+s17+$0x0], $0xffff  }
0x144: {  	v3 =	vld [tilespmem:$0x1FF60]  }
0x145: {  	v8 =	vld.idx.msk [tilespmem:v8+s17+$0x0], $0xffff;
	v11 =	vor.u32 v11, v0  }
0x146: {  	[tilespmem:s3+$0xFFFFFFC0] =	vst v4;
	v2 =	vld.idx.msk [tilespmem:v2+s17+$0x0], $0xffff  }
0x147: {  	[tilespmem:s3+$0xFFFFFEC0] =	vst v6;
	v4 =	vld.idx.msk [tilespmem:v9+s17+$0x0], $0xffff;
	v12 =	vor.u32 v12, v0  }
0x148: {  	v1 =	vld.idx.msk [tilespmem:v1+s17+$0x0], $0xffff;
	[tilespmem:s3+$0xFFFFFE30] =	vst v10  }
0x149: {  	v10 =	vld [tilespmem:$0x1FFF0]  }
0x14a: {  	[tilespmem:s3+$0xFFFFFD30] =	vst v5;
	v11 =	vld.idx.msk [tilespmem:v11+s17+$0x0], $0xffff  }
0x14b: {  	v7 =	vor.u32 v7, v0;
	v5 =	vld [tilespmem:$0x1FF30]  }
0x14c: {  	v3 =	vor.u32 v3, v0;
	[tilespmem:s3+$0xFFFFFDA0] =	vst v2;
	v2 =	vld.idx.msk [tilespmem:v12+s17+$0x0], $0xffff  }
0x14d: {  	v6 =	vor.u32 v62, v0;
	v12 =	vld [tilespmem:$0x1FFB0];
	[tilespmem:s3+$0xFFFFFF50] =	vst v8  }
0x14e: {  	v9 =	vor.u32 v47, v0;
	v8 =	vld [tilespmem:$0x1FF70]  }
0x14f: {  	v10 =	vor.u32 v10, v0  }
0x150: {  	v7 =	vld.idx.msk [tilespmem:v7+s17+$0x0], $0xffff  }
0x151: {  	v3 =	vld.idx.msk [tilespmem:v3+s17+$0x0], $0xffff;
	[tilespmem:s3+$0xFFFFFFD0] =	vst v4;
	v5 =	vor.u32 v5, v0  }
0x152: {  	v13 =	vld.idx.msk [tilespmem:v6+s17+$0x0], $0xffff;
	[tilespmem:s3+$0xFFFFFED0] =	vst v1;
	v12 =	vor.u32 v12, v0  }
0x153: {  	v4 =	vld.idx.msk [tilespmem:v9+s17+$0x0], $0xffff;
	[tilespmem:s3+$0xFFFFFE40] =	vst v11;
	v8 =	vor.u32 v8, v0  }
0x154: {  	[tilespmem:s3+$0xFFFFFD40] =	vst v2;
	v9 =	vld.idx.msk [tilespmem:v10+s17+$0x0], $0xffff  }
0x155: {  	v2 =	vld [tilespmem:$0x1FFE0]  }
0x156: {  	v5 =	vld.idx.msk [tilespmem:v5+s17+$0x0], $0xffff  }
0x157: {  	[tilespmem:s3+$0xFFFFFDB0] =	vst v3;
	v6 =	vld.idx.msk [tilespmem:v12+s17+$0x0], $0xffff  }
0x158: {  	v1 =	vor.u32 v57, v0;
	[tilespmem:s3+$0xFFFFFF60] =	vst v13;
	v12 =	vld.idx.msk [tilespmem:v8+s17+$0x0], $0xffff  }
0x159: {  	[tilespmem:s3+$0xFFFFFCB0] =	vst v7  }
0x15a: {  	v14 =	vor.u32 v43, v0;
	[tilespmem:s3+$0xFFFFFFE0] =	vst v4  }
0x15b: {  	v2 =	vor.u32 v2, v0;
	[tilespmem:s3+$0xFFFFFEE0] =	vst v9  }
0x15c: {  	v11 =	vor.u32 v38, v0;
	[tilespmem:s3+$0xFFFFFE50] =	vst v5  }
0x15d: {  	v10 =	vor.u32 v37, v0;
	v1 =	vld.idx.msk [tilespmem:v1+s17+$0x0], $0xffff;
	[tilespmem:s3+$0xFFFFFDC0] =	vst v12  }
0x15e: {  	v15 =	vor.u32 v55, v0;
	v4 =	vld [tilespmem:$0x1FD40]  }
0x15f: {  	v5 =	vld.idx.msk [tilespmem:v14+s17+$0x0], $0xffff  }
0x160: {  	v7 =	vld.idx.msk [tilespmem:v2+s17+$0x0], $0xffff;
	v2 =	vor.u32 v59, v0  }
0x161: {  	v11 =	vld.idx.msk [tilespmem:v11+s17+$0x0], $0xffff  }
0x162: {  	v3 =	vor.u32 v21, v0;
	v13 =	vor.u32 v16, v0;
	v8 =	vld.idx.msk [tilespmem:v10+s17+$0x0], $0xffff  }
0x163: {  	s8 =	simm.s32 $0xC7F0;
	v10 =	vor.u32 v50, v0;
	v12 =	vor.u32 v48, v0;
	v9 =	vor.u32 v4, v0;
	v4 =	vld.idx.msk [tilespmem:v15+s17+$0x0], $0xffff  }
.LBB2_5:
0x164: {  	[tilespmem:s3+$0xFFFFFE60] =	vst v5  }
0x165: {  	s7 =	sadd.s32 $0x8, s7;
	v16 =	vor.u32 v18, v0;
	v18 =	vld.idx.msk [tilespmem:v2+s17+$0x0], $0xffff  }
0x166: {  	[tilespmem:s3+$0xFFFFFD50] =	vst v6;
	v6 =	vmov s7;
	v2 =	vld [tilespmem:$0x1FF60]  }
0x167: {  	v6 =	vshrl.u32 v6, $0x3  }
0x168: {  	v13 =	vld.idx.msk [tilespmem:v13+s17+$0x0], $0xffff;
	v6 =	vshll.u32 v6, $0x3  }
0x169: {  	v14 =	vor.u32 v56, v0;
	[tilespmem:s3+$0xFFFFFCC0] =	vst v11;
	v12 =	vld.idx.msk [tilespmem:v12+s17+$0x0], $0xffff;
	v6 =	vbroadcast v6, $0x0  }
0x16a: {  	v11 =	vor.u32 v17, v0;
	v15 =	vld.idx.msk [tilespmem:v3+s17+$0x0], $0xffff;
	[tilespmem:s3+$0xFFFFFFF0] =	vst v8  }
0x16b: {  	[tilespmem:s3+$0xFFFFFEF0] =	vst v7;
	v8 =	vor.u32 v2, v6;
	v2 =	vld [tilespmem:$0x1FF50]  }
0x16c: {  	v9 =	vld.idx.msk [tilespmem:v9+s17+$0x0], $0xffff;
	v19 =	vor.u32 v27, v6  }
0x16d: {  	[tilespmem:s3+$0xFFFFFDD0] =	vst v4;
	v10 =	vld.idx.msk [tilespmem:v10+s17+$0x0], $0xffff  }
0x16e: {  	v14 =	vld.idx.msk [tilespmem:v14+s17+$0x0], $0xffff;
	[tilespmem:s3+$0xFFFFFC20] =	vst v13;
	v20 =	vor.u32 v35, v6  }
0x16f: {  	v17 =	vor.u32 v49, v0;
	v11 =	vld.idx.msk [tilespmem:v11+s17+$0x0], $0xffff  }
0x170: {  	v3 =	vor.u32 v21, v6;
	[tilespmem:s3+$0xFFFFFD60] =	vst v12;
	v21 =	vor.u32 v2, v6;
	v2 =	vld [tilespmem:$0x1FE70]  }
0x171: {  	[tilespmem:s3+$0xFFFFFF00] =	vst v9;
	v9 =	vld.idx.msk [tilespmem:v19+s17+$0x0], $0xffff  }
0x172: {  	[tilespmem:s3+$0xFFFFFE70] =	vst v18;
	v19 =	vld [tilespmem:$0x1FE50]  }
0x173: {  	[tilespmem:s3+$0x0] =	vst v10;
	v18 =	vld.idx.msk [tilespmem:v20+s17+$0x0], $0xffff  }
0x174: {  	v17 =	vld.idx.msk [tilespmem:v17+s17+$0x0], $0xffff;
	v20 =	vor.u32 v42, v6;
	[tilespmem:s3+$0xFFFFFCD0] =	vst v15  }
0x175: {  	[tilespmem:s3+$0xFFFFFDE0] =	vst v14;
	v15 =	vor.u32 v53, v6;
	v16 =	vld.idx.msk [tilespmem:v16+s17+$0x0], $0xffff  }
0x176: {  	[tilespmem:s3+$0xFFFFFC30] =	vst v11;
	s3 =	sadd.s32 $0x400, s3;
	v22 =	vor.u32 v2, v6;
	v2 =	vld [tilespmem:$0x1FFB0]  }
0x177: {  	[tilespmem:s3+$0xFFFFFC10] =	vst v9;
	v9 =	vld [tilespmem:$0x1FEC0]  }
0x178: {  	v19 =	vor.u32 v19, v6;
	[tilespmem:s3+$0xFFFFFC90] =	vst v18;
	v18 =	vld [tilespmem:$0x1FE60]  }
0x179: {  	v20 =	vld.idx.msk [tilespmem:v20+s17+$0x0], $0xffff  }
0x17a: {  	v15 =	vld.idx.msk [tilespmem:v15+s17+$0x0], $0xffff  }
0x17b: {  	v7 =	vor.u32 v2, v6;
	v2 =	vld [tilespmem:$0x1FE90]  }
0x17c: {  	v12 =	vor.u32 v23, v6;
	v14 =	vld.idx.msk [tilespmem:v22+s17+$0x0], $0xffff  }
0x17d: {  	v24 =	vor.u32 v33, v6;
	[tilespmem:s8+$0xFFFFFD70] =	vst v17;
	v17 =	vld.idx.msk [tilespmem:v19+s17+$0x0], $0xffff  }
0x17e: {  	[tilespmem:s8+$0xFFFFFCE0] =	vst v16;
	v16 =	vld [tilespmem:$0x1FFC0];
	v18 =	vor.u32 v18, v6  }
0x17f: {  	[tilespmem:s3+$0xFFFFFF10] =	vst v20;
	v20 =	vld [tilespmem:$0x1FEA0]  }
0x180: {  	v13 =	vor.u32 v2, v6;
	v2 =	vld [tilespmem:$0x1FE80]  }
0x181: {  	v12 =	vld.idx.msk [tilespmem:v12+s17+$0x0], $0xffff  }
0x182: {  	v24 =	vld.idx.msk [tilespmem:v24+s17+$0x0], $0xffff;
	[tilespmem:s3+$0xFFFFFE90] =	vst v17  }
0x183: {  	v18 =	vld.idx.msk [tilespmem:v18+s17+$0x0], $0xffff  }
0x184: {  	v22 =	vld [tilespmem:$0x1FF80];
	v20 =	vor.u32 v20, v6  }
0x185: {  	v19 =	vld [tilespmem:$0x1FEB0];
	[tilespmem:s3+$0xFFFFFF90] =	vst v15;
	v10 =	vor.u32 v2, v6  }
0x186: {  	v15 =	vld [tilespmem:$0x1FEF0];
	[tilespmem:s3+$0xFFFFFD10] =	vst v14;
	v14 =	vor.u32 v54, v6  }
0x187: {  	[tilespmem:s3+$0xFFFFFF20] =	vst v24;
	v24 =	vld [tilespmem:$0x1FEE0]  }
0x188: {  	v13 =	vld.idx.msk [tilespmem:v13+s17+$0x0], $0xffff;
	[tilespmem:s3+$0xFFFFFEA0] =	vst v18  }
0x189: {  	v11 =	vor.u32 v58, v0;
	v20 =	vld.idx.msk [tilespmem:v20+s17+$0x0], $0xffff  }
0x18a: {  	v10 =	vld.idx.msk [tilespmem:v10+s17+$0x0], $0xffff  }
0x18b: {  	v19 =	vor.u32 v19, v0;
	v14 =	vld.idx.msk [tilespmem:v14+s17+$0x0], $0xffff  }
0x18c: {  	v23 =	vor.u32 v41, v0;
	v18 =	vor.u32 v26, v0;
	v26 =	vld [tilespmem:$0x1FF10]  }
0x18d: {  	[tilespmem:s3+$0xFFFFFD90] =	vst v13;
	v13 =	vld [tilespmem:$0x1FFA0]  }
0x18e: {  	v17 =	vor.u32 v25, v0;
	v11 =	vld.idx.msk [tilespmem:v11+s17+$0x0], $0xffff;
	[tilespmem:s3+$0xFFFFFEB0] =	vst v20  }
0x18f: {  	v20 =	vld [tilespmem:$0x1FF30];
	[tilespmem:s3+$0xFFFFFE10] =	vst v10  }
0x190: {  	v16 =	vor.u32 v16, v6;
	v10 =	vld.idx.msk [tilespmem:v19+s17+$0x0], $0xffff  }
0x191: {  	v22 =	vor.u32 v22, v6;
	v19 =	vld.idx.msk [tilespmem:v23+s17+$0x0], $0xffff  }
0x192: {  	v23 =	vld [tilespmem:$0x1FF20]  }
0x193: {  	[tilespmem:s8+$0xFFFFFDF0] =	vst v11;
	v11 =	vld.idx.msk [tilespmem:v17+s17+$0x0], $0xffff  }
0x194: {  	[tilespmem:s3+$0xFFFFFCA0] =	vst v12;
	v12 =	vor.u32 v51, v6;
	v17 =	vld [tilespmem:$0x1FF90]  }
0x195: {  	v15 =	vor.u32 v15, v0;
	v16 =	vld.idx.msk [tilespmem:v16+s17+$0x0], $0xffff  }
0x196: {  	v25 =	vor.u32 v44, v6;
	[tilespmem:s8+$0xFFFFFE80] =	vst v10;
	v10 =	vld.idx.msk [tilespmem:v22+s17+$0x0], $0xffff  }
0x197: {  	v9 =	vor.u32 v9, v6;
	[tilespmem:s8+$0xFFFFFCF0] =	vst v19;
	v19 =	vld [tilespmem:$0x1FF70]  }
0x198: {  	v22 =	vld [tilespmem:$0x1FF40]  }
0x199: {  	v24 =	vor.u32 v24, v0;
	v12 =	vld.idx.msk [tilespmem:v12+s17+$0x0], $0xffff  }
0x19a: {  	[tilespmem:s3+$0xFFFFFFA0] =	vst v14;
	v15 =	vld.idx.msk [tilespmem:v15+s17+$0x0], $0xffff  }
0x19b: {  	v26 =	vor.u32 v26, v6;
	[tilespmem:s3+$0xFFFFFCB0] =	vst v16;
	v16 =	vld.idx.msk [tilespmem:v25+s17+$0x0], $0xffff  }
0x19c: {  	v14 =	vor.u32 v61, v6;
	[tilespmem:s8+$0xFFFFFC40] =	vst v11;
	v9 =	vld.idx.msk [tilespmem:v9+s17+$0x0], $0xffff  }
0x19d: {  	v25 =	vor.u32 v46, v6;
	[tilespmem:s3+$0xFFFFFD20] =	vst v10;
	v10 =	vld.idx.msk [tilespmem:v18+s17+$0x0], $0xffff  }
0x19e: {  	v23 =	vor.u32 v23, v6;
	v11 =	vld.idx.msk [tilespmem:v24+s17+$0x0], $0xffff  }
0x19f: {  	v18 =	vor.u32 v32, v0;
	[tilespmem:s8+$0xFFFFFD00] =	vst v15;
	v15 =	vld.idx.msk [tilespmem:v21+s17+$0x0], $0xffff  }
0x1a0: {  	[tilespmem:s3+$0xFFFFFF30] =	vst v12;
	v21 =	vld.idx.msk [tilespmem:v26+s17+$0x0], $0xffff  }
0x1a1: {  	v13 =	vor.u32 v13, v6;
	v14 =	vld.idx.msk [tilespmem:v14+s17+$0x0], $0xffff;
	[tilespmem:s3+$0xFFFFFFB0] =	vst v16  }
0x1a2: {  	[tilespmem:s3+$0xFFFFFE20] =	vst v9;
	v9 =	vld.idx.msk [tilespmem:v25+s17+$0x0], $0xffff  }
0x1a3: {  	v16 =	vld.idx.msk [tilespmem:v23+s17+$0x0], $0xffff;
	[tilespmem:s8+$0xFFFFFC50] =	vst v10  }
0x1a4: {  	v23 =	vor.u32 v63, v6;
	v18 =	vld.idx.msk [tilespmem:v18+s17+$0x0], $0xffff;
	[tilespmem:s8+$0xFFFFFD80] =	vst v11  }
0x1a5: {  	v12 =	vor.u32 v60, v6;
	[tilespmem:s3+$0xFFFFFDA0] =	vst v15;
	v15 =	vld [tilespmem:$0x1FFF0]  }
0x1a6: {  	v11 =	vld.idx.msk [tilespmem:v13+s17+$0x0], $0xffff  }
0x1a7: {  	v22 =	vor.u32 v22, v6;
	[tilespmem:s3+$0xFFFFFFC0] =	vst v9;
	v9 =	vld [tilespmem:$0x1FED0]  }
0x1a8: {  	v10 =	vor.u32 v45, v6;
	[tilespmem:s3+$0xFFFFFF40] =	vst v14;
	v13 =	vld [tilespmem:$0x1FF00]  }
0x1a9: {  	v17 =	vor.u32 v17, v6;
	[tilespmem:s3+$0xFFFFFEC0] =	vst v21;
	v14 =	vld.idx.msk [tilespmem:v23+s17+$0x0], $0xffff  }
0x1aa: {  	v21 =	vor.u32 v62, v6;
	v12 =	vld.idx.msk [tilespmem:v12+s17+$0x0], $0xffff  }
0x1ab: {  	v8 =	vld.idx.msk [tilespmem:v8+s17+$0x0], $0xffff;
	[tilespmem:s3+$0xFFFFFE30] =	vst v16;
	v15 =	vor.u32 v15, v6  }
0x1ac: {  	v16 =	vld.idx.msk [tilespmem:v22+s17+$0x0], $0xffff;
	v9 =	vor.u32 v9, v0  }
0x1ad: {  	v20 =	vor.u32 v20, v6;
	v10 =	vld.idx.msk [tilespmem:v10+s17+$0x0], $0xffff;
	[tilespmem:s3+$0xFFFFFD30] =	vst v11  }
0x1ae: {  	v13 =	vor.u32 v13, v0;
	[tilespmem:s3+$0xFFFFFF50] =	vst v14;
	v17 =	vld.idx.msk [tilespmem:v17+s17+$0x0], $0xffff  }
0x1af: {  	v11 =	vor.u32 v47, v6;
	[tilespmem:s3+$0xFFFFFED0] =	vst v12;
	v14 =	vld.idx.msk [tilespmem:v21+s17+$0x0], $0xffff  }
0x1b0: {  	[tilespmem:s3+$0xFFFFFDB0] =	vst v8;
	v12 =	vld.idx.msk [tilespmem:v15+s17+$0x0], $0xffff  }
0x1b1: {  	[tilespmem:s3+$0xFFFFFE40] =	vst v16;
	v9 =	vld.idx.msk [tilespmem:v9+s17+$0x0], $0xffff  }
0x1b2: {  	v19 =	vor.u32 v19, v6;
	[tilespmem:s8+$0xFFFFFC60] =	vst v18;
	v15 =	vld.idx.msk [tilespmem:v20+s17+$0x0], $0xffff  }
0x1b3: {  	v4 =	vor.u32 v55, v6;
	[tilespmem:s3+$0xFFFFFFD0] =	vst v10;
	v13 =	vld.idx.msk [tilespmem:v13+s17+$0x0], $0xffff  }
0x1b4: {  	v5 =	vor.u32 v38, v6;
	v10 =	vld.idx.msk [tilespmem:v11+s17+$0x0], $0xffff;
	v11 =	vor.u32 v52, v0;
	[tilespmem:s3+$0xFFFFFD40] =	vst v17  }
0x1b5: {  	v2 =	vor.u32 v59, v6;
	v8 =	vor.u32 v34, v0;
	v0 =	vmov v6;
	v6 =	vld.idx.msk [tilespmem:v7+s17+$0x0], $0xffff  }
0x1b6: {  	v7 =	vld [tilespmem:$0x1FFE0];
	[tilespmem:s8+$0xFFFFFE00] =	vst v9  }
0x1b7: {  	[tilespmem:s8+$0xFFFFFF70] =	vst v1;
	v9 =	vld.idx.msk [tilespmem:v19+s17+$0x0], $0xffff;
	v19 =	vor.u32 v43, v0  }
0x1b8: {  	[tilespmem:s3+$0xFFFFFF60] =	vst v14  }
0x1b9: {  	v14 =	vld.idx.msk [tilespmem:v11+s17+$0x0], $0xffff  }
0x1ba: {  	v16 =	vor.u32 v57, v0;
	[tilespmem:s8+$0xFFFFFC70] =	vst v13;
	v11 =	vld.idx.msk [tilespmem:v5+s17+$0x0], $0xffff  }
0x1bb: {  	v17 =	vor.u32 v37, v0;
	[tilespmem:s3+$0xFFFFFE50] =	vst v15;
	v18 =	vld.idx.msk [tilespmem:v8+s17+$0x0], $0xffff  }
0x1bc: {  	v7 =	vor.u32 v7, v0;
	v5 =	vld.idx.msk [tilespmem:v19+s17+$0x0], $0xffff  }
0x1bd: {  	p1 =	slt.u32 s7, $0x38;
	v19 =	vld [tilespmem:$0x1FD40]  }
.Ltmp1:
0x1be: {  	[tilespmem:s3+$0xFFFFFEE0] =	vst v12;
	(pc) =	sbr.rel @p1 .LBB2_5-.Ltmp1, $4  }
0x1bf: {  	[tilespmem:s3+$0xFFFFFFE0] =	vst v10;
	v1 =	vld.idx.msk [tilespmem:v16+s17+$0x0], $0xffff  }
0x1c0: {  	v26 =	vmov v31;
	v25 =	vmov v30;
	v12 =	vor.u32 v48, v0;
	v8 =	vld.idx.msk [tilespmem:v17+s17+$0x0], $0xffff;
	[tilespmem:s8+$0xFFFFFF80] =	vst v14  }
0x1c1: {  	v23 =	vmov v36;
	v13 =	vor.u32 v28, v0;
	v10 =	vor.u32 v50, v0;
	[tilespmem:s3+$0xFFFFFDC0] =	vst v9;
	v7 =	vld.idx.msk [tilespmem:v7+s17+$0x0], $0xffff  }
0x1c2: {  	v21 =	vmovc v39;
	v17 =	vmov v29;
	[tilespmem:s8+$0xFFFFFC80] =	vst v18;
	v18 =	vmov v40;
	s8 =	smov.u32 s3;
	v4 =	vld.idx.msk [tilespmem:v4+s17+$0x0], $0xffff;
	v9 =	vor.u32 v19, v0  }
0x1c3: {  	_ =	sdelay $0x3  }
0x1c4: {  	v13 =	vld.idx.msk [tilespmem:v13+s17+$0x0], $0xffff  }
0x1c5: {  	v14 =	vor.u32 v17, v0;
	_ =	sdelay $0x3  }
0x1c6: {  	[tilespmem:s3+$0xFFFFFC20] =	vst v13  }
0x1c7: {  	v13 =	vld.idx.msk [tilespmem:v14+s17+$0x0], $0xffff  }
0x1c8: {  	v14 =	vor.u32 v25, v0;
	_ =	sdelay $0x3  }
0x1c9: {  	[tilespmem:s3+$0xFFFFFC30] =	vst v13  }
0x1ca: {  	v13 =	vld.idx.msk [tilespmem:v14+s17+$0x0], $0xffff  }
0x1cb: {  	[tilespmem:s3+$0xFFFFFCC0] =	vst v11;
	v14 =	vor.u32 v26, v0  }
0x1cc: {  	v3 =	vld.idx.msk [tilespmem:v3+s17+$0x0], $0xffff  }
0x1cd: {  	v11 =	vor.u32 v18, v0  }
0x1ce: {  	[tilespmem:s3+$0xFFFFFD50] =	vst v6  }
0x1cf: {  	v6 =	vor.u32 v56, v0;
	[tilespmem:s8+$0xFFFFFC40] =	vst v13  }
0x1d0: {  	[tilespmem:s3+$0xFFFFFFF0] =	vst v8;
	v13 =	vld.idx.msk [tilespmem:v14+s17+$0x0], $0xffff  }
0x1d1: {  	v12 =	vld.idx.msk [tilespmem:v12+s17+$0x0], $0xffff;
	v8 =	vor.u32 v32, v0;
	[tilespmem:s3+$0xFFFFFCD0] =	vst v3  }
0x1d2: {  	[tilespmem:s3+$0xFFFFFEF0] =	vst v7;
	v3 =	vld.idx.msk [tilespmem:v11+s17+$0x0], $0xffff  }
0x1d3: {  	v7 =	vld.idx.msk [tilespmem:v10+s17+$0x0], $0xffff;
	v10 =	vor.u32 v49, v0;
	[tilespmem:s3+$0xFFFFFDD0] =	vst v4  }
0x1d4: {  	[tilespmem:s3+$0xFFFFFE60] =	vst v5;
	v6 =	vld.idx.msk [tilespmem:v6+s17+$0x0], $0xffff  }
0x1d5: {  	v9 =	vld.idx.msk [tilespmem:v9+s17+$0x0], $0xffff;
	[tilespmem:s8+$0xFFFFFC50] =	vst v13  }
0x1d6: {  	[tilespmem:s3+$0xFFFFFD60] =	vst v12;
	v8 =	vld.idx.msk [tilespmem:v8+s17+$0x0], $0xffff  }
0x1d7: {  	v11 =	vld [tilespmem:$0x1FF00];
	[tilespmem:s8+$0xFFFFFCE0] =	vst v3  }
0x1d8: {  	[tilespmem:s3+$0x0] =	vst v7;
	v7 =	vld.idx.msk [tilespmem:v10+s17+$0x0], $0xffff  }
0x1d9: {  	v3 =	vld [tilespmem:$0x1FEB0];
	[tilespmem:s3+$0xFFFFFDE0] =	vst v6  }
0x1da: {  	v4 =	vor.u32 v41, v0;
	v6 =	vld [tilespmem:$0x1FEF0]  }
0x1db: {  	v10 =	vld [tilespmem:$0x1FEE0];
	[tilespmem:s3+$0xFFFFFF00] =	vst v9  }
0x1dc: {  	v5 =	vor.u32 v58, v0;
	[tilespmem:s8+$0xFFFFFC60] =	vst v8  }
0x1dd: {  	v11 =	vor.u32 v11, v0;
	v8 =	vld [tilespmem:$0x1FED0]  }
0x1de: {  	v2 =	vld.idx.msk [tilespmem:v2+s17+$0x0], $0xffff  }
0x1df: {  	v4 =	vld.idx.msk [tilespmem:v4+s17+$0x0], $0xffff;
	v3 =	vor.u32 v3, v0  }
0x1e0: {  	v6 =	vor.u32 v6, v0  }
0x1e1: {  	v5 =	vld.idx.msk [tilespmem:v5+s17+$0x0], $0xffff;
	v10 =	vor.u32 v10, v0  }
0x1e2: {  	v9 =	vld.idx.msk [tilespmem:v11+s17+$0x0], $0xffff;
	v8 =	vor.u32 v8, v0  }
0x1e3: {  	[tilespmem:s3+$0xFFFFFE70] =	vst v2;
	v2 =	vor.u32 v34, v0  }
0x1e4: {  	[tilespmem:s8+$0xFFFFFCF0] =	vst v4;
	v3 =	vld.idx.msk [tilespmem:v3+s17+$0x0], $0xffff;
	v0 =	vor.u32 v52, v0  }
0x1e5: {  	[tilespmem:s8+$0xFFFFFD70] =	vst v7;
	v4 =	vld.idx.msk [tilespmem:v6+s17+$0x0], $0xffff  }
0x1e6: {  	[tilespmem:s8+$0xFFFFFDF0] =	vst v5;
	v5 =	vld.idx.msk [tilespmem:v10+s17+$0x0], $0xffff  }
0x1e7: {  	[tilespmem:s8+$0xFFFFFC70] =	vst v9;
	v6 =	vld.idx.msk [tilespmem:v8+s17+$0x0], $0xffff  }
0x1e8: {  	[tilespmem:s8+$0xFFFFFF70] =	vst v1;
	v2 =	vld.idx.msk [tilespmem:v2+s17+$0x0], $0xffff  }
0x1e9: {  	[tilespmem:s8+$0xFFFFFE80] =	vst v3;
	v0 =	vld.idx.msk [tilespmem:v0+s17+$0x0], $0xffff  }
0x1ea: {  	[tilespmem:s8+$0xFFFFFD00] =	vst v4  }
0x1eb: {  	s3 =	sor.u32 $0x3, s31;
	[tilespmem:s8+$0xFFFFFD80] =	vst v5  }
0x1ec: {  	s7 =	sshll.u32 s3, $0x7;
	[tilespmem:s8+$0xFFFFFE00] =	vst v6  }
0x1ed: {  	s10 =	sand.u32 $0x380, s7;
	[tilespmem:s8+$0xFFFFFC80] =	vst v2  }
0x1ee: {  	s4 =	sadd.s32 s10, s4;
	[tilespmem:s8+$0xFFFFFF80] =	vst v0  }
0x1ef: {  	[tilespmem:s17], [sflag:$0x2] =	stream.indirect.gather [spmem:s2], $0x40, s4, s15, $0xb8;
	[tilespmem:$0x1A400] =	vst v63  }
0x1f0: {  	s7 =	simm.s32 $0x0;
	s10 =	sadd.s32 s6, s9  }
0x1f1: {  	[hbm4b:s10+s13] =	stream.strided.scatter [tilespmem:s21], [sflag:$0x4], $0x2000, s14, s13, $0x38;
	[tilespmem:$0x1A400] =	vst v63  }
0x1f2: {  	v0 =	vmov s7;
	_ =	swait.ge [sflag:s18], $0x2000  }
0x1f3: {  	v0 =	vshrl.u32 v0, $0x3;
	[sflag:s18] =	ssyncset.done $0x0  }
0x1f4: {  	s4 =	simm.s32 @!p0 $0x5;
	v0 =	vshll.u32 v0, $0x3;
	[sflag:s18] =	ssyncadd.s32 $0xFFFFE000  }
0x1f5: {  	v0 =	vbroadcast v0, $0x0;
	_ =	swait.ge @!p0 [sflag:s4], $0x2000  }
0x1f6: {  	v3 =	vld [tilespmem:$0x1FE50]  }
0x1f7: {  	v1 =	vor.u32 v42, v0;
	_ =	sdelay $0x1  }
0x1f8: {  	v2 =	vor.u32 v53, v0;
	v6 =	vld [tilespmem:$0x1FE70]  }
0x1f9: {  	v4 =	vor.u32 v27, v0;
	[sflag:s4] =	ssyncset.done @!p0 $0x0;
	v10 =	vld [tilespmem:$0x1FE80]  }
0x1fa: {  	v9 =	vld [tilespmem:$0x1FE60];
	[sflag:s4] =	ssyncadd.s32 @!p0 $0xFFFFE000;
	v3 =	vor.u32 v3, v0  }
0x1fb: {  	v5 =	vor.u32 v35, v0;
	v1 =	vld.idx.msk [tilespmem:v1+s16+$0x0], $0xffff  }
0x1fc: {  	v7 =	vor.u32 v33, v0;
	v11 =	vld [tilespmem:$0x1FE90]  }
0x1fd: {  	v2 =	vld.idx.msk [tilespmem:v2+s16+$0x0], $0xffff;
	v6 =	vor.u32 v6, v0  }
0x1fe: {  	v4 =	vld.idx.msk [tilespmem:v4+s16+$0x0], $0xffff;
	v10 =	vor.u32 v10, v0  }
0x1ff: {  	v8 =	vor.u32 v54, v0;
	s4 =	simm.s32 $0xE400;
	v3 =	vld.idx.msk [tilespmem:v3+s16+$0x0], $0xffff  }
0x200: {  	v5 =	vld.idx.msk [tilespmem:v5+s16+$0x0], $0xffff;
	[tilespmem:s4+$0x300] =	vst v1  }
0x201: {  	v7 =	vld.idx.msk [tilespmem:v7+s16+$0x0], $0xffff  }
0x202: {  	v9 =	vor.u32 v9, v0;
	[tilespmem:s4+$0x380] =	vst v2;
	v6 =	vld.idx.msk [tilespmem:v6+s16+$0x0], $0xffff  }
0x203: {  	[tilespmem:s4+$0x0] =	vst v4;
	v10 =	vld.idx.msk [tilespmem:v10+s16+$0x0], $0xffff  }
0x204: {  	v11 =	vor.u32 v11, v0;
	[tilespmem:s4+$0x280] =	vst v3;
	v3 =	vld.idx.msk [tilespmem:v8+s16+$0x0], $0xffff  }
0x205: {  	v4 =	vld [tilespmem:$0x1FEA0]  }
0x206: {  	v1 =	vor.u32 v23, v0;
	v12 =	vld [tilespmem:$0x1FEC0]  }
0x207: {  	v2 =	vor.u32 v51, v0;
	v8 =	vld.idx.msk [tilespmem:v9+s16+$0x0], $0xffff;
	[tilespmem:s4+$0x80] =	vst v5  }
0x208: {  	v9 =	vor.u32 v44, v0;
	v5 =	vld [tilespmem:$0x1FF80]  }
0x209: {  	v11 =	vld.idx.msk [tilespmem:v11+s16+$0x0], $0xffff;
	[tilespmem:s4+$0x310] =	vst v7  }
0x20a: {  	v7 =	vld [tilespmem:$0x1FFC0];
	[tilespmem:s4+$0x200] =	vst v10;
	v4 =	vor.u32 v4, v0  }
0x20b: {  	v1 =	vld.idx.msk [tilespmem:v1+s16+$0x0], $0xffff;
	[tilespmem:s4+$0x100] =	vst v6;
	v12 =	vor.u32 v12, v0  }
0x20c: {  	v2 =	vld.idx.msk [tilespmem:v2+s16+$0x0], $0xffff;
	[tilespmem:s4+$0x390] =	vst v3  }
0x20d: {  	[tilespmem:s4+$0x290] =	vst v8;
	v8 =	vld.idx.msk [tilespmem:v9+s16+$0x0], $0xffff;
	v5 =	vor.u32 v5, v0  }
0x20e: {  	v6 =	vld [tilespmem:$0x1FF10]  }
0x20f: {  	v4 =	vld.idx.msk [tilespmem:v4+s16+$0x0], $0xffff  }
0x210: {  	v10 =	vld.idx.msk [tilespmem:v12+s16+$0x0], $0xffff  }
0x211: {  	v12 =	vld [tilespmem:$0x1FF20]  }
0x212: {  	v3 =	vor.u32 v61, v0;
	[tilespmem:s4+$0x90] =	vst v1;
	v1 =	vld.idx.msk [tilespmem:v5+s16+$0x0], $0xffff  }
0x213: {  	v9 =	vor.u32 v46, v0;
	v5 =	vld [tilespmem:$0x1FFA0]  }
0x214: {  	v6 =	vor.u32 v6, v0;
	[tilespmem:s4+$0x320] =	vst v2  }
0x215: {  	v2 =	vld [tilespmem:$0x1FF50];
	[tilespmem:s4+$0x3A0] =	vst v8  }
0x216: {  	[tilespmem:s4+$0x180] =	vst v11;
	v12 =	vor.u32 v12, v0  }
0x217: {  	v3 =	vld.idx.msk [tilespmem:v3+s16+$0x0], $0xffff;
	[tilespmem:s4+$0x2A0] =	vst v4  }
0x218: {  	v4 =	vld.idx.msk [tilespmem:v9+s16+$0x0], $0xffff;
	[tilespmem:s4+$0x210] =	vst v10;
	v5 =	vor.u32 v5, v0  }
0x219: {  	v6 =	vld.idx.msk [tilespmem:v6+s16+$0x0], $0xffff;
	[tilespmem:s4+$0x110] =	vst v1  }
0x21a: {  	v8 =	vor.u32 v63, v0;
	v11 =	vld [tilespmem:$0x1FF40]  }
0x21b: {  	v2 =	vor.u32 v2, v0;
	v10 =	vld.idx.msk [tilespmem:v12+s16+$0x0], $0xffff  }
0x21c: {  	v9 =	vor.u32 v45, v0;
	v12 =	vld [tilespmem:$0x1FF90]  }
0x21d: {  	v1 =	vor.u32 v60, v0;
	[tilespmem:s4+$0x330] =	vst v3;
	v5 =	vld.idx.msk [tilespmem:v5+s16+$0x0], $0xffff  }
0x21e: {  	v3 =	vld [tilespmem:$0x1FF60]  }
0x21f: {  	v8 =	vld.idx.msk [tilespmem:v8+s16+$0x0], $0xffff;
	v11 =	vor.u32 v11, v0  }
0x220: {  	[tilespmem:s4+$0x3B0] =	vst v4;
	v2 =	vld.idx.msk [tilespmem:v2+s16+$0x0], $0xffff  }
0x221: {  	[tilespmem:s4+$0x2B0] =	vst v6;
	v4 =	vld.idx.msk [tilespmem:v9+s16+$0x0], $0xffff;
	v12 =	vor.u32 v12, v0  }
0x222: {  	v1 =	vld.idx.msk [tilespmem:v1+s16+$0x0], $0xffff;
	[tilespmem:s4+$0x220] =	vst v10  }
0x223: {  	v10 =	vld [tilespmem:$0x1FFF0]  }
0x224: {  	[tilespmem:s4+$0x120] =	vst v5;
	v11 =	vld.idx.msk [tilespmem:v11+s16+$0x0], $0xffff  }
0x225: {  	v7 =	vor.u32 v7, v0;
	v5 =	vld [tilespmem:$0x1FF30]  }
0x226: {  	v3 =	vor.u32 v3, v0;
	[tilespmem:s4+$0x190] =	vst v2;
	v2 =	vld.idx.msk [tilespmem:v12+s16+$0x0], $0xffff  }
0x227: {  	v6 =	vor.u32 v62, v0;
	v12 =	vld [tilespmem:$0x1FFB0];
	[tilespmem:s4+$0x340] =	vst v8  }
0x228: {  	v8 =	vld [tilespmem:$0x1FF70]  }
0x229: {  	v9 =	vor.u32 v47, v0;
	[tilespmem:s4+$0x3C0] =	vst v4  }
0x22a: {  	v7 =	vld.idx.msk [tilespmem:v7+s16+$0x0], $0xffff;
	v10 =	vor.u32 v10, v0;
	[tilespmem:s4+$0x2C0] =	vst v1  }
0x22b: {  	v3 =	vld.idx.msk [tilespmem:v3+s16+$0x0], $0xffff;
	v5 =	vor.u32 v5, v0;
	[tilespmem:s4+$0x230] =	vst v11  }
0x22c: {  	v13 =	vld.idx.msk [tilespmem:v6+s16+$0x0], $0xffff;
	v12 =	vor.u32 v12, v0;
	[tilespmem:s4+$0x130] =	vst v2  }
0x22d: {  	v8 =	vor.u32 v8, v0;
	v2 =	vld [tilespmem:$0x1FFE0]  }
0x22e: {  	v1 =	vor.u32 v57, v0;
	v4 =	vld.idx.msk [tilespmem:v9+s16+$0x0], $0xffff  }
0x22f: {  	v11 =	vor.u32 v38, v0;
	v9 =	vld.idx.msk [tilespmem:v10+s16+$0x0], $0xffff  }
0x230: {  	v10 =	vor.u32 v37, v0;
	v5 =	vld.idx.msk [tilespmem:v5+s16+$0x0], $0xffff  }
0x231: {  	v14 =	vor.u32 v43, v0;
	[tilespmem:s4+$0x1A0] =	vst v3;
	v6 =	vld.idx.msk [tilespmem:v12+s16+$0x0], $0xffff  }
0x232: {  	[tilespmem:s4+$0x350] =	vst v13;
	v2 =	vor.u32 v2, v0;
	v12 =	vld.idx.msk [tilespmem:v8+s16+$0x0], $0xffff  }
0x233: {  	v15 =	vor.u32 v55, v0;
	[tilespmem:s4+$0xA0] =	vst v7;
	v1 =	vld.idx.msk [tilespmem:v1+s16+$0x0], $0xffff  }
0x234: {  	[tilespmem:s4+$0x3D0] =	vst v4;
	v11 =	vld.idx.msk [tilespmem:v11+s16+$0x0], $0xffff  }
0x235: {  	v8 =	vld.idx.msk [tilespmem:v10+s16+$0x0], $0xffff;
	[tilespmem:s4+$0x240] =	vst v5  }
0x236: {  	v60 =	vmov v52;
	v3 =	vor.u32 v21, v0;
	[tilespmem:s4+$0x2D0] =	vst v9;
	v5 =	vld.idx.msk [tilespmem:v14+s16+$0x0], $0xffff  }
0x237: {  	v52 =	vmov v42;
	v13 =	vor.u32 v28, v0;
	v10 =	vor.u32 v50, v0;
	v7 =	vld.idx.msk [tilespmem:v2+s16+$0x0], $0xffff;
	[tilespmem:s4+$0x1B0] =	vst v12  }
0x238: {  	s6 =	simm.s32 $0xE400;
	v9 =	vor.u32 v19, v0;
	v2 =	vor.u32 v59, v0;
	v12 =	vor.u32 v48, v0;
	v4 =	vld.idx.msk [tilespmem:v15+s16+$0x0], $0xffff  }
.LBB2_7:
0x239: {  	_ =	sdelay $0x2  }
0x23a: {  	v13 =	vld.idx.msk [tilespmem:v13+s16+$0x0], $0xffff  }
0x23b: {  	s7 =	sadd.s32 $0x8, s7;
	v42 =	vld [tilespmem:$0x1FD40];
	[tilespmem:s4+$0x250] =	vst v5  }
0x23c: {  	[tilespmem:s4+$0x140] =	vst v6;
	v16 =	vor.u32 v18, v0;
	v6 =	vmov s7;
	v18 =	vld.idx.msk [tilespmem:v2+s16+$0x0], $0xffff  }
0x23d: {  	v6 =	vshrl.u32 v6, $0x3;
	v2 =	vld [tilespmem:$0x1FF60]  }
0x23e: {  	v14 =	vor.u32 v56, v0;
	v12 =	vld.idx.msk [tilespmem:v12+s16+$0x0], $0xffff;
	v6 =	vshll.u32 v6, $0x3;
	[tilespmem:s4+$0x3E0] =	vst v8  }
0x23f: {  	[tilespmem:s4+$0xB0] =	vst v11;
	v6 =	vbroadcast v6, $0x0;
	v11 =	vor.u32 v17, v0;
	v17 =	vor.u32 v49, v0;
	v49 =	vld [tilespmem:$0x1FD30]  }
0x240: {  	[tilespmem:s4+$0x2E0] =	vst v7;
	v10 =	vld.idx.msk [tilespmem:v10+s16+$0x0], $0xffff  }
0x241: {  	v9 =	vld.idx.msk [tilespmem:v9+s16+$0x0], $0xffff;
	v19 =	vor.u32 v27, v6  }
0x242: {  	v8 =	vor.u32 v2, v6;
	v2 =	vld [tilespmem:$0x1FF50]  }
0x243: {  	[tilespmem:s4+$0x1C0] =	vst v4;
	v15 =	vld.idx.msk [tilespmem:v3+s16+$0x0], $0xffff  }
0x244: {  	v14 =	vld.idx.msk [tilespmem:v14+s16+$0x0], $0xffff;
	[tilespmem:s4+$0x10] =	vst v13;
	v20 =	vor.u32 v35, v6  }
0x245: {  	v11 =	vld.idx.msk [tilespmem:v11+s16+$0x0], $0xffff  }
0x246: {  	[tilespmem:s4+$0x2F0] =	vst v9;
	v9 =	vld.idx.msk [tilespmem:v19+s16+$0x0], $0xffff  }
0x247: {  	v3 =	vor.u32 v21, v6;
	[tilespmem:s4+$0x150] =	vst v12;
	v21 =	vor.u32 v2, v6;
	v2 =	vld [tilespmem:$0x1FE70]  }
0x248: {  	[tilespmem:s4+$0x3F0] =	vst v10;
	v19 =	vld [tilespmem:$0x1FE50]  }
0x249: {  	[tilespmem:s4+$0x260] =	vst v18;
	v18 =	vld.idx.msk [tilespmem:v20+s16+$0x0], $0xffff  }
0x24a: {  	v17 =	vld.idx.msk [tilespmem:v17+s16+$0x0], $0xffff;
	v20 =	vor.u32 v52, v6;
	[tilespmem:s4+$0xC0] =	vst v15  }
0x24b: {  	[tilespmem:s4+$0x1D0] =	vst v14;
	v15 =	vor.u32 v53, v6;
	v16 =	vld.idx.msk [tilespmem:v16+s16+$0x0], $0xffff  }
0x24c: {  	[tilespmem:s4+$0x20] =	vst v11;
	s4 =	sadd.s32 $0x400, s4;
	v22 =	vor.u32 v2, v6;
	v2 =	vld [tilespmem:$0x1FFB0]  }
0x24d: {  	[tilespmem:s4+$0x0] =	vst v9;
	v9 =	vld [tilespmem:$0x1FEC0]  }
0x24e: {  	v19 =	vor.u32 v19, v6;
	[tilespmem:s4+$0x80] =	vst v18;
	v18 =	vld [tilespmem:$0x1FE60]  }
0x24f: {  	v20 =	vld.idx.msk [tilespmem:v20+s16+$0x0], $0xffff  }
0x250: {  	v15 =	vld.idx.msk [tilespmem:v15+s16+$0x0], $0xffff  }
0x251: {  	v7 =	vor.u32 v2, v6;
	v2 =	vld [tilespmem:$0x1FE90]  }
0x252: {  	v12 =	vor.u32 v23, v6;
	v14 =	vld.idx.msk [tilespmem:v22+s16+$0x0], $0xffff  }
0x253: {  	v24 =	vor.u32 v33, v6;
	[tilespmem:s6+$0x160] =	vst v17;
	v17 =	vld.idx.msk [tilespmem:v19+s16+$0x0], $0xffff  }
0x254: {  	[tilespmem:s6+$0xD0] =	vst v16;
	v16 =	vld [tilespmem:$0x1FFC0];
	v18 =	vor.u32 v18, v6  }
0x255: {  	[tilespmem:s4+$0x300] =	vst v20;
	v20 =	vld [tilespmem:$0x1FEA0]  }
0x256: {  	v13 =	vor.u32 v2, v6;
	v2 =	vld [tilespmem:$0x1FE80]  }
0x257: {  	v12 =	vld.idx.msk [tilespmem:v12+s16+$0x0], $0xffff  }
0x258: {  	v24 =	vld.idx.msk [tilespmem:v24+s16+$0x0], $0xffff;
	[tilespmem:s4+$0x280] =	vst v17  }
0x259: {  	v18 =	vld.idx.msk [tilespmem:v18+s16+$0x0], $0xffff  }
0x25a: {  	[tilespmem:s4+$0x380] =	vst v15;
	v15 =	vld [tilespmem:$0x1FEF0];
	v20 =	vor.u32 v20, v6  }
0x25b: {  	v22 =	vld [tilespmem:$0x1FF80];
	v10 =	vor.u32 v2, v6  }
0x25c: {  	v19 =	vld [tilespmem:$0x1FEB0];
	[tilespmem:s4+$0x100] =	vst v14;
	v14 =	vor.u32 v54, v6  }
0x25d: {  	[tilespmem:s4+$0x310] =	vst v24;
	v24 =	vld [tilespmem:$0x1FEE0]  }
0x25e: {  	v13 =	vld.idx.msk [tilespmem:v13+s16+$0x0], $0xffff;
	[tilespmem:s4+$0x290] =	vst v18  }
0x25f: {  	v11 =	vor.u32 v58, v0;
	v20 =	vld.idx.msk [tilespmem:v20+s16+$0x0], $0xffff  }
0x260: {  	v10 =	vld.idx.msk [tilespmem:v10+s16+$0x0], $0xffff  }
0x261: {  	v19 =	vor.u32 v19, v0;
	v14 =	vld.idx.msk [tilespmem:v14+s16+$0x0], $0xffff  }
0x262: {  	v23 =	vor.u32 v41, v0;
	v18 =	vor.u32 v26, v0;
	v26 =	vld [tilespmem:$0x1FF10]  }
0x263: {  	[tilespmem:s4+$0x180] =	vst v13;
	v13 =	vld [tilespmem:$0x1FFA0]  }
0x264: {  	v17 =	vor.u32 v25, v0;
	v11 =	vld.idx.msk [tilespmem:v11+s16+$0x0], $0xffff;
	[tilespmem:s4+$0x2A0] =	vst v20  }
0x265: {  	v20 =	vld [tilespmem:$0x1FF30];
	[tilespmem:s4+$0x200] =	vst v10  }
0x266: {  	v16 =	vor.u32 v16, v6;
	v10 =	vld.idx.msk [tilespmem:v19+s16+$0x0], $0xffff  }
0x267: {  	v22 =	vor.u32 v22, v6;
	v19 =	vld.idx.msk [tilespmem:v23+s16+$0x0], $0xffff  }
0x268: {  	v23 =	vld [tilespmem:$0x1FF20]  }
0x269: {  	[tilespmem:s6+$0x1E0] =	vst v11;
	v11 =	vld.idx.msk [tilespmem:v17+s16+$0x0], $0xffff  }
0x26a: {  	[tilespmem:s4+$0x90] =	vst v12;
	v12 =	vor.u32 v51, v6;
	v17 =	vld [tilespmem:$0x1FF90]  }
0x26b: {  	v15 =	vor.u32 v15, v0;
	v16 =	vld.idx.msk [tilespmem:v16+s16+$0x0], $0xffff  }
0x26c: {  	v25 =	vor.u32 v44, v6;
	[tilespmem:s6+$0x270] =	vst v10;
	v10 =	vld.idx.msk [tilespmem:v22+s16+$0x0], $0xffff  }
0x26d: {  	v9 =	vor.u32 v9, v6;
	[tilespmem:s6+$0xE0] =	vst v19;
	v19 =	vld [tilespmem:$0x1FF70]  }
0x26e: {  	v22 =	vld [tilespmem:$0x1FF40]  }
0x26f: {  	v12 =	vld.idx.msk [tilespmem:v12+s16+$0x0], $0xffff  }
0x270: {  	v24 =	vor.u32 v24, v0;
	[tilespmem:s4+$0x390] =	vst v14;
	v15 =	vld.idx.msk [tilespmem:v15+s16+$0x0], $0xffff  }
0x271: {  	[tilespmem:s4+$0xA0] =	vst v16;
	v16 =	vld.idx.msk [tilespmem:v25+s16+$0x0], $0xffff  }
0x272: {  	v26 =	vor.u32 v26, v6;
	[tilespmem:s6+$0x30] =	vst v11;
	v9 =	vld.idx.msk [tilespmem:v9+s16+$0x0], $0xffff  }
0x273: {  	v14 =	vor.u32 v61, v6;
	[tilespmem:s4+$0x110] =	vst v10;
	v10 =	vld.idx.msk [tilespmem:v18+s16+$0x0], $0xffff  }
0x274: {  	v25 =	vor.u32 v46, v6;
	[tilespmem:s4+$0x320] =	vst v12;
	v12 =	vld [tilespmem:$0x1FFD0]  }
0x275: {  	v23 =	vor.u32 v23, v6;
	v11 =	vld.idx.msk [tilespmem:v24+s16+$0x0], $0xffff  }
0x276: {  	v18 =	vor.u32 v32, v0;
	[tilespmem:s6+$0xF0] =	vst v15;
	v15 =	vld.idx.msk [tilespmem:v21+s16+$0x0], $0xffff  }
0x277: {  	v13 =	vor.u32 v13, v6;
	v21 =	vld.idx.msk [tilespmem:v26+s16+$0x0], $0xffff  }
0x278: {  	v14 =	vld.idx.msk [tilespmem:v14+s16+$0x0], $0xffff;
	[tilespmem:s4+$0x3A0] =	vst v16  }
0x279: {  	[tilespmem:s4+$0x210] =	vst v9;
	v9 =	vld.idx.msk [tilespmem:v25+s16+$0x0], $0xffff  }
0x27a: {  	v16 =	vld.idx.msk [tilespmem:v23+s16+$0x0], $0xffff;
	[tilespmem:s6+$0x40] =	vst v10  }
0x27b: {  	v23 =	vor.u32 v63, v6;
	v18 =	vld.idx.msk [tilespmem:v18+s16+$0x0], $0xffff;
	[tilespmem:s6+$0x170] =	vst v11  }
0x27c: {  	v11 =	vld.idx.msk [tilespmem:v13+s16+$0x0], $0xffff  }
0x27d: {  	v22 =	vor.u32 v22, v6;
	[tilespmem:s4+$0x190] =	vst v15;
	v13 =	vld [tilespmem:$0x1FF00]  }
0x27e: {  	v10 =	vor.u32 v45, v6;
	[tilespmem:s4+$0x3B0] =	vst v9;
	v9 =	vld [tilespmem:$0x1FED0]  }
0x27f: {  	v17 =	vor.u32 v17, v6;
	[tilespmem:s4+$0x330] =	vst v14;
	v15 =	vld [tilespmem:$0x1FFF0]  }
0x280: {  	v12 =	vor.u32 v12, v6;
	[tilespmem:s4+$0x2B0] =	vst v21;
	v14 =	vld.idx.msk [tilespmem:v23+s16+$0x0], $0xffff  }
0x281: {  	v21 =	vor.u32 v62, v6;
	v8 =	vld.idx.msk [tilespmem:v8+s16+$0x0], $0xffff;
	[tilespmem:s4+$0x220] =	vst v16  }
0x282: {  	v16 =	vld.idx.msk [tilespmem:v22+s16+$0x0], $0xffff;
	v13 =	vor.u32 v13, v0  }
0x283: {  	v10 =	vld.idx.msk [tilespmem:v10+s16+$0x0], $0xffff;
	v9 =	vor.u32 v9, v0;
	[tilespmem:s4+$0x120] =	vst v11  }
0x284: {  	v11 =	vor.u32 v47, v6;
	v17 =	vld.idx.msk [tilespmem:v17+s16+$0x0], $0xffff  }
0x285: {  	v12 =	vld.idx.msk [tilespmem:v12+s16+$0x0], $0xffff;
	[tilespmem:s4+$0x340] =	vst v14  }
0x286: {  	[tilespmem:s6+$0x50] =	vst v18;
	v14 =	vld.idx.msk [tilespmem:v21+s16+$0x0], $0xffff  }
0x287: {  	v4 =	vor.u32 v55, v6;
	v15 =	vor.u32 v15, v6;
	[tilespmem:s4+$0x1A0] =	vst v8;
	v13 =	vld.idx.msk [tilespmem:v13+s16+$0x0], $0xffff  }
0x288: {  	v5 =	vor.u32 v38, v6;
	v20 =	vor.u32 v20, v6;
	[tilespmem:s4+$0x3C0] =	vst v10;
	v9 =	vld.idx.msk [tilespmem:v9+s16+$0x0], $0xffff  }
0x289: {  	v2 =	vor.u32 v59, v6;
	v10 =	vld.idx.msk [tilespmem:v11+s16+$0x0], $0xffff;
	v11 =	vor.u32 v60, v0;
	[tilespmem:s4+$0x130] =	vst v17  }
0x28a: {  	v19 =	vor.u32 v19, v6;
	v8 =	vor.u32 v34, v0;
	[tilespmem:s4+$0x230] =	vst v16;
	v0 =	vmov v6;
	v6 =	vld.idx.msk [tilespmem:v7+s16+$0x0], $0xffff  }
0x28b: {  	[tilespmem:s4+$0x2C0] =	vst v12;
	v7 =	vld [tilespmem:$0x1FFE0]  }
0x28c: {  	[tilespmem:s6+$0x360] =	vst v1;
	v12 =	vld.idx.msk [tilespmem:v15+s16+$0x0], $0xffff  }
0x28d: {  	v15 =	vld.idx.msk [tilespmem:v20+s16+$0x0], $0xffff;
	v16 =	vor.u32 v57, v0;
	[tilespmem:s4+$0x350] =	vst v14  }
0x28e: {  	v17 =	vor.u32 v37, v0;
	[tilespmem:s6+$0x1F0] =	vst v9;
	v14 =	vld.idx.msk [tilespmem:v11+s16+$0x0], $0xffff  }
0x28f: {  	v9 =	vld.idx.msk [tilespmem:v19+s16+$0x0], $0xffff;
	v19 =	vor.u32 v43, v0  }
0x290: {  	[tilespmem:s6+$0x60] =	vst v13;
	v11 =	vld.idx.msk [tilespmem:v5+s16+$0x0], $0xffff;
	v7 =	vor.u32 v7, v0  }
0x291: {  	p1 =	slt.u32 s7, $0x38;
	[tilespmem:s4+$0x2D0] =	vst v12;
	v18 =	vld.idx.msk [tilespmem:v8+s16+$0x0], $0xffff  }
.Ltmp2:
0x292: {  	[tilespmem:s4+$0x3D0] =	vst v10;
	v1 =	vld.idx.msk [tilespmem:v16+s16+$0x0], $0xffff;
	(pc) =	sbr.rel @p1 .LBB2_7-.Ltmp2, $4  }
0x293: {  	[tilespmem:s4+$0x240] =	vst v15;
	v8 =	vld.idx.msk [tilespmem:v17+s16+$0x0], $0xffff  }
0x294: {  	v26 =	vmov v31;
	v25 =	vmov v30;
	v12 =	vor.u32 v48, v0;
	[tilespmem:s6+$0x370] =	vst v14;
	v5 =	vld.idx.msk [tilespmem:v19+s16+$0x0], $0xffff  }
0x295: {  	v23 =	vmov v36;
	v13 =	vor.u32 v28, v0;
	v10 =	vor.u32 v50, v0;
	[tilespmem:s4+$0x1B0] =	vst v9;
	v7 =	vld.idx.msk [tilespmem:v7+s16+$0x0], $0xffff  }
0x296: {  	v21 =	vmovc v39;
	v17 =	vmov v29;
	[tilespmem:s6+$0x70] =	vst v18;
	v18 =	vmov v40;
	v9 =	vor.u32 v42, v0;
	s6 =	smov.u32 s4;
	v4 =	vld.idx.msk [tilespmem:v4+s16+$0x0], $0xffff  }
0x297: {  	_ =	sdelay $0x3  }
0x298: {  	v13 =	vld.idx.msk [tilespmem:v13+s16+$0x0], $0xffff  }
0x299: {  	v14 =	vor.u32 v17, v0;
	_ =	sdelay $0x3  }
0x29a: {  	[tilespmem:s4+$0x10] =	vst v13  }
0x29b: {  	v13 =	vld.idx.msk [tilespmem:v14+s16+$0x0], $0xffff  }
0x29c: {  	v14 =	vor.u32 v25, v0;
	_ =	sdelay $0x3  }
0x29d: {  	[tilespmem:s4+$0x20] =	vst v13  }
0x29e: {  	v13 =	vld.idx.msk [tilespmem:v14+s16+$0x0], $0xffff  }
0x29f: {  	[tilespmem:s4+$0xB0] =	vst v11;
	v14 =	vor.u32 v26, v0  }
0x2a0: {  	v3 =	vld.idx.msk [tilespmem:v3+s16+$0x0], $0xffff  }
0x2a1: {  	v11 =	vor.u32 v18, v0  }
0x2a2: {  	[tilespmem:s4+$0x140] =	vst v6  }
0x2a3: {  	v6 =	vor.u32 v56, v0;
	[tilespmem:s6+$0x30] =	vst v13  }
0x2a4: {  	[tilespmem:s4+$0x3E0] =	vst v8;
	v13 =	vld.idx.msk [tilespmem:v14+s16+$0x0], $0xffff  }
0x2a5: {  	v8 =	vor.u32 v32, v0;
	v12 =	vld.idx.msk [tilespmem:v12+s16+$0x0], $0xffff;
	[tilespmem:s4+$0xC0] =	vst v3  }
0x2a6: {  	[tilespmem:s4+$0x2E0] =	vst v7;
	v3 =	vld.idx.msk [tilespmem:v11+s16+$0x0], $0xffff  }
0x2a7: {  	v7 =	vld.idx.msk [tilespmem:v10+s16+$0x0], $0xffff;
	v10 =	vor.u32 v49, v0;
	[tilespmem:s4+$0x1C0] =	vst v4  }
0x2a8: {  	[tilespmem:s4+$0x250] =	vst v5;
	v6 =	vld.idx.msk [tilespmem:v6+s16+$0x0], $0xffff  }
0x2a9: {  	v9 =	vld.idx.msk [tilespmem:v9+s16+$0x0], $0xffff;
	[tilespmem:s6+$0x40] =	vst v13  }
0x2aa: {  	[tilespmem:s4+$0x150] =	vst v12;
	v8 =	vld.idx.msk [tilespmem:v8+s16+$0x0], $0xffff  }
0x2ab: {  	v11 =	vld [tilespmem:$0x1FF00];
	[tilespmem:s6+$0xD0] =	vst v3  }
0x2ac: {  	[tilespmem:s4+$0x3F0] =	vst v7;
	v7 =	vld.idx.msk [tilespmem:v10+s16+$0x0], $0xffff  }
0x2ad: {  	v3 =	vld [tilespmem:$0x1FEB0];
	[tilespmem:s4+$0x1D0] =	vst v6  }
0x2ae: {  	v4 =	vor.u32 v41, v0;
	v6 =	vld [tilespmem:$0x1FEF0]  }
0x2af: {  	v10 =	vld [tilespmem:$0x1FEE0];
	[tilespmem:s4+$0x2F0] =	vst v9  }
0x2b0: {  	v5 =	vor.u32 v58, v0;
	[tilespmem:s6+$0x50] =	vst v8  }
0x2b1: {  	v11 =	vor.u32 v11, v0;
	v8 =	vld [tilespmem:$0x1FED0]  }
0x2b2: {  	v2 =	vld.idx.msk [tilespmem:v2+s16+$0x0], $0xffff  }
0x2b3: {  	v4 =	vld.idx.msk [tilespmem:v4+s16+$0x0], $0xffff;
	v3 =	vor.u32 v3, v0  }
0x2b4: {  	v6 =	vor.u32 v6, v0  }
0x2b5: {  	v5 =	vld.idx.msk [tilespmem:v5+s16+$0x0], $0xffff;
	v10 =	vor.u32 v10, v0  }
0x2b6: {  	v9 =	vld.idx.msk [tilespmem:v11+s16+$0x0], $0xffff;
	v8 =	vor.u32 v8, v0  }
0x2b7: {  	[tilespmem:s4+$0x260] =	vst v2;
	v2 =	vor.u32 v34, v0  }
0x2b8: {  	[tilespmem:s6+$0xE0] =	vst v4;
	v3 =	vld.idx.msk [tilespmem:v3+s16+$0x0], $0xffff;
	v0 =	vor.u32 v60, v0  }
0x2b9: {  	[tilespmem:s6+$0x160] =	vst v7;
	v4 =	vld.idx.msk [tilespmem:v6+s16+$0x0], $0xffff  }
0x2ba: {  	[tilespmem:s6+$0x1E0] =	vst v5;
	v5 =	vld.idx.msk [tilespmem:v10+s16+$0x0], $0xffff  }
0x2bb: {  	[tilespmem:s6+$0x60] =	vst v9;
	v6 =	vld.idx.msk [tilespmem:v8+s16+$0x0], $0xffff  }
0x2bc: {  	[tilespmem:s6+$0x360] =	vst v1;
	v2 =	vld.idx.msk [tilespmem:v2+s16+$0x0], $0xffff  }
0x2bd: {  	[tilespmem:s6+$0x270] =	vst v3;
	v0 =	vld.idx.msk [tilespmem:v0+s16+$0x0], $0xffff  }
0x2be: {  	[tilespmem:s6+$0xF0] =	vst v4  }
0x2bf: {  	p1 =	seq.s32 s30, $0x31;
	[tilespmem:s6+$0x170] =	vst v5  }
0x2c0: {  	s1 =	sshll.u32 s1, $0x12;
	s4 =	sshll.u32 @!p1 s31, $0x7;
	[tilespmem:s6+$0x1F0] =	vst v6  }
0x2c1: {  	s8 =	simm.s32 @!p1 $0x6400;
	s1 =	sor.u32 s5, s1;
	s7 =	sadd.s32 @!p1 $0x200, s4;
	[tilespmem:s6+$0x70] =	vst v2  }
0x2c2: {  	s1 =	sshrl.u32 s1, $0x3;
	[tilespmem:s6+$0x370] =	vst v0;
	s6 =	sand.u32 @!p1 $0xFE00, s7;
	s7 =	simm.s32 @!p1 $0x80  }
0x2c3: {  	[tilespmem:s8], [sflag:$0x1] =	stream.indirect.gather @!p1 [spmem:s2], $0x40, s6, s7, $0xb8;
	[tilespmem:$0x1A400] =	vst v63  }
0x2c4: {  	s1 =	sadd.s32 s0, s1  }
0x2c5: {  	[hbm4b:s1+s13] =	stream.strided.scatter [tilespmem:s22], [sflag:$0x5], $0x2000, s14, s13, $0x38;
	[tilespmem:$0x1A400] =	vst v63  }
0x2c6: {  	s6 =	simm.s32 $0x0;
	_ =	swait.ge [sflag:s20], $0x2000  }
0x2c7: {  	v0 =	vmov s6;
	[sflag:s20] =	ssyncset.done $0x0  }
0x2c8: {  	v0 =	vshrl.u32 v0, $0x3;
	s1 =	simm.s32 @!p0 $0x6;
	[sflag:s20] =	ssyncadd.s32 $0xFFFFE000  }
0x2c9: {  	v0 =	vshll.u32 v0, $0x3;
	_ =	swait.ge @!p0 [sflag:s1], $0x2000  }
0x2ca: {  	v0 =	vbroadcast v0, $0x0;
	v3 =	vld [tilespmem:$0x1FE50];
	_ =	sdelay $0x1  }
0x2cb: {  	v1 =	vor.u32 v52, v0;
	v6 =	vld [tilespmem:$0x1FE70]  }
0x2cc: {  	v2 =	vor.u32 v53, v0  }
0x2cd: {  	v4 =	vor.u32 v27, v0;
	v10 =	vld [tilespmem:$0x1FE80]  }
0x2ce: {  	[sflag:s1] =	ssyncset.done @!p0 $0x0;
	v9 =	vld [tilespmem:$0x1FE60];
	v3 =	vor.u32 v3, v0  }
0x2cf: {  	v5 =	vor.u32 v35, v0;
	v11 =	vld [tilespmem:$0x1FE90];
	[sflag:s1] =	ssyncadd.s32 @!p0 $0xFFFFE000  }
0x2d0: {  	v1 =	vld.idx.msk [tilespmem:v1+s17+$0x0], $0xffff;
	v6 =	vor.u32 v6, v0  }
0x2d1: {  	v7 =	vor.u32 v33, v0;
	v2 =	vld.idx.msk [tilespmem:v2+s17+$0x0], $0xffff  }
0x2d2: {  	v4 =	vld.idx.msk [tilespmem:v4+s17+$0x0], $0xffff;
	v10 =	vor.u32 v10, v0  }
0x2d3: {  	v8 =	vor.u32 v54, v0;
	v3 =	vld.idx.msk [tilespmem:v3+s17+$0x0], $0xffff  }
0x2d4: {  	s1 =	simm.s32 $0x10400;
	v5 =	vld.idx.msk [tilespmem:v5+s17+$0x0], $0xffff  }
0x2d5: {  	[tilespmem:s1+$0x300] =	vst v1;
	v6 =	vld.idx.msk [tilespmem:v6+s17+$0x0], $0xffff  }
0x2d6: {  	v9 =	vor.u32 v9, v0;
	[tilespmem:s1+$0x380] =	vst v2;
	v7 =	vld.idx.msk [tilespmem:v7+s17+$0x0], $0xffff  }
0x2d7: {  	[tilespmem:s1+$0x0] =	vst v4;
	v10 =	vld.idx.msk [tilespmem:v10+s17+$0x0], $0xffff  }
0x2d8: {  	[tilespmem:s1+$0x280] =	vst v3;
	v3 =	vld.idx.msk [tilespmem:v8+s17+$0x0], $0xffff  }
0x2d9: {  	v4 =	vld [tilespmem:$0x1FEA0]  }
0x2da: {  	v1 =	vor.u32 v23, v0;
	v12 =	vld [tilespmem:$0x1FEC0]  }
0x2db: {  	v2 =	vor.u32 v51, v0;
	v8 =	vld.idx.msk [tilespmem:v9+s17+$0x0], $0xffff;
	[tilespmem:s1+$0x80] =	vst v5  }
0x2dc: {  	v9 =	vor.u32 v44, v0;
	v5 =	vld [tilespmem:$0x1FF80]  }
0x2dd: {  	[tilespmem:s1+$0x310] =	vst v7  }
0x2de: {  	v7 =	vld [tilespmem:$0x1FFC0];
	[tilespmem:s1+$0x200] =	vst v10;
	v4 =	vor.u32 v4, v0  }
0x2df: {  	v1 =	vld.idx.msk [tilespmem:v1+s17+$0x0], $0xffff;
	[tilespmem:s1+$0x100] =	vst v6;
	v12 =	vor.u32 v12, v0  }
0x2e0: {  	v2 =	vld.idx.msk [tilespmem:v2+s17+$0x0], $0xffff;
	[tilespmem:s1+$0x390] =	vst v3  }
0x2e1: {  	[tilespmem:s1+$0x290] =	vst v8;
	v8 =	vld.idx.msk [tilespmem:v9+s17+$0x0], $0xffff;
	v5 =	vor.u32 v5, v0  }
0x2e2: {  	v6 =	vld [tilespmem:$0x1FF10]  }
0x2e3: {  	v11 =	vor.u32 v11, v0;
	v4 =	vld.idx.msk [tilespmem:v4+s17+$0x0], $0xffff  }
0x2e4: {  	v10 =	vld.idx.msk [tilespmem:v12+s17+$0x0], $0xffff  }
0x2e5: {  	v3 =	vor.u32 v61, v0;
	v12 =	vld [tilespmem:$0x1FF20]  }
0x2e6: {  	v9 =	vor.u32 v46, v0;
	[tilespmem:s1+$0x90] =	vst v1;
	v1 =	vld.idx.msk [tilespmem:v5+s17+$0x0], $0xffff  }
0x2e7: {  	v6 =	vor.u32 v6, v0;
	v5 =	vld [tilespmem:$0x1FFA0]  }
0x2e8: {  	v11 =	vld.idx.msk [tilespmem:v11+s17+$0x0], $0xffff;
	[tilespmem:s1+$0x320] =	vst v2  }
0x2e9: {  	v2 =	vld [tilespmem:$0x1FF50];
	[tilespmem:s1+$0x3A0] =	vst v8  }
0x2ea: {  	v3 =	vld.idx.msk [tilespmem:v3+s17+$0x0], $0xffff;
	v12 =	vor.u32 v12, v0;
	[tilespmem:s1+$0x2A0] =	vst v4  }
0x2eb: {  	v4 =	vld.idx.msk [tilespmem:v9+s17+$0x0], $0xffff;
	[tilespmem:s1+$0x210] =	vst v10  }
0x2ec: {  	v5 =	vor.u32 v5, v0;
	v6 =	vld.idx.msk [tilespmem:v6+s17+$0x0], $0xffff;
	[tilespmem:s1+$0x110] =	vst v1  }
0x2ed: {  	v1 =	vld [tilespmem:$0x1FFD0];
	[tilespmem:s1+$0x180] =	vst v11  }
0x2ee: {  	v8 =	vor.u32 v63, v0;
	v11 =	vld [tilespmem:$0x1FF40]  }
0x2ef: {  	v2 =	vor.u32 v2, v0;
	v10 =	vld.idx.msk [tilespmem:v12+s17+$0x0], $0xffff  }
0x2f0: {  	v9 =	vor.u32 v45, v0;
	v12 =	vld [tilespmem:$0x1FF90]  }
0x2f1: {  	[tilespmem:s1+$0x330] =	vst v3;
	v5 =	vld.idx.msk [tilespmem:v5+s17+$0x0], $0xffff  }
0x2f2: {  	v3 =	vld [tilespmem:$0x1FF60];
	v1 =	vor.u32 v1, v0  }
0x2f3: {  	v8 =	vld.idx.msk [tilespmem:v8+s17+$0x0], $0xffff;
	[tilespmem:s1+$0x3B0] =	vst v4  }
0x2f4: {  	[tilespmem:s1+$0x2B0] =	vst v6;
	v2 =	vld.idx.msk [tilespmem:v2+s17+$0x0], $0xffff;
	v11 =	vor.u32 v11, v0  }
0x2f5: {  	v4 =	vld.idx.msk [tilespmem:v9+s17+$0x0], $0xffff;
	v12 =	vor.u32 v12, v0;
	[tilespmem:s1+$0x220] =	vst v10  }
0x2f6: {  	v10 =	vld [tilespmem:$0x1FFF0]  }
0x2f7: {  	[tilespmem:s1+$0x120] =	vst v5;
	v1 =	vld.idx.msk [tilespmem:v1+s17+$0x0], $0xffff  }
0x2f8: {  	v5 =	vld [tilespmem:$0x1FF30]  }
0x2f9: {  	v7 =	vor.u32 v7, v0;
	v11 =	vld.idx.msk [tilespmem:v11+s17+$0x0], $0xffff  }
0x2fa: {  	v3 =	vor.u32 v3, v0;
	[tilespmem:s1+$0x190] =	vst v2;
	v2 =	vld.idx.msk [tilespmem:v12+s17+$0x0], $0xffff  }
0x2fb: {  	v6 =	vor.u32 v62, v0;
	v12 =	vld [tilespmem:$0x1FFB0];
	[tilespmem:s1+$0x340] =	vst v8  }
0x2fc: {  	v8 =	vld [tilespmem:$0x1FF70]  }
0x2fd: {  	v9 =	vor.u32 v47, v0;
	[tilespmem:s1+$0x3C0] =	vst v4  }
0x2fe: {  	v7 =	vld.idx.msk [tilespmem:v7+s17+$0x0], $0xffff;
	v10 =	vor.u32 v10, v0;
	[tilespmem:s1+$0x2C0] =	vst v1  }
0x2ff: {  	v3 =	vld.idx.msk [tilespmem:v3+s17+$0x0], $0xffff;
	v5 =	vor.u32 v5, v0;
	[tilespmem:s1+$0x230] =	vst v11  }
0x300: {  	v13 =	vld.idx.msk [tilespmem:v6+s17+$0x0], $0xffff;
	v12 =	vor.u32 v12, v0;
	[tilespmem:s1+$0x130] =	vst v2  }
0x301: {  	v8 =	vor.u32 v8, v0;
	v2 =	vld [tilespmem:$0x1FFE0]  }
0x302: {  	v4 =	vld.idx.msk [tilespmem:v9+s17+$0x0], $0xffff;
	v1 =	vor.u32 v57, v0  }
0x303: {  	v11 =	vor.u32 v38, v0;
	v9 =	vld.idx.msk [tilespmem:v10+s17+$0x0], $0xffff  }
0x304: {  	v10 =	vor.u32 v37, v0;
	v5 =	vld.idx.msk [tilespmem:v5+s17+$0x0], $0xffff  }
0x305: {  	v14 =	vor.u32 v43, v0;
	[tilespmem:s1+$0x1A0] =	vst v3;
	v6 =	vld.idx.msk [tilespmem:v12+s17+$0x0], $0xffff  }
0x306: {  	[tilespmem:s1+$0x350] =	vst v13;
	v2 =	vor.u32 v2, v0;
	v12 =	vld.idx.msk [tilespmem:v8+s17+$0x0], $0xffff  }
0x307: {  	v15 =	vor.u32 v55, v0;
	[tilespmem:s1+$0xA0] =	vst v7;
	v1 =	vld.idx.msk [tilespmem:v1+s17+$0x0], $0xffff  }
0x308: {  	[tilespmem:s1+$0x3D0] =	vst v4;
	v11 =	vld.idx.msk [tilespmem:v11+s17+$0x0], $0xffff  }
0x309: {  	v8 =	vld.idx.msk [tilespmem:v10+s17+$0x0], $0xffff;
	[tilespmem:s1+$0x240] =	vst v5  }
0x30a: {  	v3 =	vor.u32 v21, v0;
	[tilespmem:s1+$0x2D0] =	vst v9;
	v5 =	vld.idx.msk [tilespmem:v14+s17+$0x0], $0xffff  }
0x30b: {  	v13 =	vor.u32 v28, v0;
	v7 =	vld.idx.msk [tilespmem:v2+s17+$0x0], $0xffff;
	v2 =	vor.u32 v59, v0;
	[tilespmem:s1+$0x1B0] =	vst v12  }
0x30c: {  	s7 =	simm.s32 $0x10400;
	v10 =	vor.u32 v50, v0;
	v9 =	vor.u32 v42, v0;
	v12 =	vor.u32 v48, v0;
	v4 =	vld.idx.msk [tilespmem:v15+s17+$0x0], $0xffff  }
.LBB2_9:
0x30d: {  	_ =	sdelay $0x1  }
0x30e: {  	s6 =	sadd.s32 $0x8, s6;
	[tilespmem:s1+$0x250] =	vst v5  }
0x30f: {  	[tilespmem:s1+$0x140] =	vst v6;
	v16 =	vor.u32 v18, v0;
	v6 =	vmov s6;
	v18 =	vld.idx.msk [tilespmem:v2+s17+$0x0], $0xffff  }
0x310: {  	v6 =	vshrl.u32 v6, $0x3;
	v2 =	vld [tilespmem:$0x1FF60]  }
0x311: {  	v13 =	vld.idx.msk [tilespmem:v13+s17+$0x0], $0xffff;
	v6 =	vshll.u32 v6, $0x3;
	[tilespmem:s1+$0x3E0] =	vst v8  }
0x312: {  	v14 =	vor.u32 v56, v0;
	v12 =	vld.idx.msk [tilespmem:v12+s17+$0x0], $0xffff;
	[tilespmem:s1+$0x2E0] =	vst v7;
	v6 =	vbroadcast v6, $0x0  }
0x313: {  	[tilespmem:s1+$0xB0] =	vst v11;
	v11 =	vor.u32 v17, v0;
	v10 =	vld.idx.msk [tilespmem:v10+s17+$0x0], $0xffff  }
0x314: {  	v9 =	vld.idx.msk [tilespmem:v9+s17+$0x0], $0xffff;
	v19 =	vor.u32 v27, v6  }
0x315: {  	v8 =	vor.u32 v2, v6;
	v2 =	vld [tilespmem:$0x1FF50]  }
0x316: {  	[tilespmem:s1+$0x1C0] =	vst v4;
	v15 =	vld.idx.msk [tilespmem:v3+s17+$0x0], $0xffff  }
0x317: {  	v14 =	vld.idx.msk [tilespmem:v14+s17+$0x0], $0xffff;
	[tilespmem:s1+$0x10] =	vst v13;
	v20 =	vor.u32 v35, v6  }
0x318: {  	v17 =	vor.u32 v49, v0;
	v11 =	vld.idx.msk [tilespmem:v11+s17+$0x0], $0xffff  }
0x319: {  	[tilespmem:s1+$0x2F0] =	vst v9;
	v9 =	vld.idx.msk [tilespmem:v19+s17+$0x0], $0xffff  }
0x31a: {  	v3 =	vor.u32 v21, v6;
	[tilespmem:s1+$0x150] =	vst v12;
	v21 =	vor.u32 v2, v6;
	v2 =	vld [tilespmem:$0x1FE70]  }
0x31b: {  	[tilespmem:s1+$0x3F0] =	vst v10;
	v19 =	vld [tilespmem:$0x1FE50]  }
0x31c: {  	[tilespmem:s1+$0x260] =	vst v18;
	v18 =	vld.idx.msk [tilespmem:v20+s17+$0x0], $0xffff  }
0x31d: {  	v17 =	vld.idx.msk [tilespmem:v17+s17+$0x0], $0xffff;
	v20 =	vor.u32 v52, v6;
	[tilespmem:s1+$0xC0] =	vst v15  }
0x31e: {  	[tilespmem:s1+$0x1D0] =	vst v14;
	v15 =	vor.u32 v53, v6;
	v16 =	vld.idx.msk [tilespmem:v16+s17+$0x0], $0xffff  }
0x31f: {  	[tilespmem:s1+$0x20] =	vst v11;
	s1 =	sadd.s32 $0x400, s1;
	v22 =	vor.u32 v2, v6;
	v2 =	vld [tilespmem:$0x1FFB0]  }
0x320: {  	[tilespmem:s1+$0x0] =	vst v9;
	v9 =	vld [tilespmem:$0x1FEC0]  }
0x321: {  	v19 =	vor.u32 v19, v6;
	[tilespmem:s1+$0x80] =	vst v18;
	v18 =	vld [tilespmem:$0x1FE60]  }
0x322: {  	v20 =	vld.idx.msk [tilespmem:v20+s17+$0x0], $0xffff  }
0x323: {  	v15 =	vld.idx.msk [tilespmem:v15+s17+$0x0], $0xffff  }
0x324: {  	v7 =	vor.u32 v2, v6;
	v2 =	vld [tilespmem:$0x1FE90]  }
0x325: {  	v12 =	vor.u32 v23, v6;
	v14 =	vld.idx.msk [tilespmem:v22+s17+$0x0], $0xffff  }
0x326: {  	v24 =	vor.u32 v33, v6;
	[tilespmem:s7+$0x160] =	vst v17;
	v17 =	vld.idx.msk [tilespmem:v19+s17+$0x0], $0xffff  }
0x327: {  	[tilespmem:s7+$0xD0] =	vst v16;
	v16 =	vld [tilespmem:$0x1FFC0];
	v18 =	vor.u32 v18, v6  }
0x328: {  	[tilespmem:s1+$0x300] =	vst v20;
	v20 =	vld [tilespmem:$0x1FEA0]  }
0x329: {  	v13 =	vor.u32 v2, v6;
	v2 =	vld [tilespmem:$0x1FE80]  }
0x32a: {  	v12 =	vld.idx.msk [tilespmem:v12+s17+$0x0], $0xffff  }
0x32b: {  	v24 =	vld.idx.msk [tilespmem:v24+s17+$0x0], $0xffff;
	[tilespmem:s1+$0x280] =	vst v17  }
0x32c: {  	v18 =	vld.idx.msk [tilespmem:v18+s17+$0x0], $0xffff  }
0x32d: {  	[tilespmem:s1+$0x380] =	vst v15;
	v15 =	vld [tilespmem:$0x1FEF0];
	v20 =	vor.u32 v20, v6  }
0x32e: {  	v22 =	vld [tilespmem:$0x1FF80];
	v10 =	vor.u32 v2, v6  }
0x32f: {  	v19 =	vld [tilespmem:$0x1FEB0];
	[tilespmem:s1+$0x100] =	vst v14;
	v14 =	vor.u32 v54, v6  }
0x330: {  	[tilespmem:s1+$0x310] =	vst v24;
	v24 =	vld [tilespmem:$0x1FEE0]  }
0x331: {  	v13 =	vld.idx.msk [tilespmem:v13+s17+$0x0], $0xffff;
	[tilespmem:s1+$0x290] =	vst v18  }
0x332: {  	v11 =	vor.u32 v58, v0;
	v20 =	vld.idx.msk [tilespmem:v20+s17+$0x0], $0xffff  }
0x333: {  	v10 =	vld.idx.msk [tilespmem:v10+s17+$0x0], $0xffff  }
0x334: {  	v19 =	vor.u32 v19, v0;
	v14 =	vld.idx.msk [tilespmem:v14+s17+$0x0], $0xffff  }
0x335: {  	v23 =	vor.u32 v41, v0;
	v18 =	vor.u32 v26, v0;
	v26 =	vld [tilespmem:$0x1FF10]  }
0x336: {  	[tilespmem:s1+$0x180] =	vst v13;
	v13 =	vld [tilespmem:$0x1FFA0]  }
0x337: {  	v17 =	vor.u32 v25, v0;
	v11 =	vld.idx.msk [tilespmem:v11+s17+$0x0], $0xffff;
	[tilespmem:s1+$0x2A0] =	vst v20  }
0x338: {  	v20 =	vld [tilespmem:$0x1FF30];
	[tilespmem:s1+$0x200] =	vst v10  }
0x339: {  	v16 =	vor.u32 v16, v6;
	v10 =	vld.idx.msk [tilespmem:v19+s17+$0x0], $0xffff  }
0x33a: {  	v22 =	vor.u32 v22, v6;
	v19 =	vld.idx.msk [tilespmem:v23+s17+$0x0], $0xffff  }
0x33b: {  	v23 =	vld [tilespmem:$0x1FF20]  }
0x33c: {  	[tilespmem:s7+$0x1E0] =	vst v11;
	v11 =	vld.idx.msk [tilespmem:v17+s17+$0x0], $0xffff  }
0x33d: {  	[tilespmem:s1+$0x90] =	vst v12;
	v12 =	vor.u32 v51, v6;
	v17 =	vld [tilespmem:$0x1FF90]  }
0x33e: {  	v15 =	vor.u32 v15, v0;
	v16 =	vld.idx.msk [tilespmem:v16+s17+$0x0], $0xffff  }
0x33f: {  	v25 =	vor.u32 v44, v6;
	[tilespmem:s7+$0x270] =	vst v10;
	v10 =	vld.idx.msk [tilespmem:v22+s17+$0x0], $0xffff  }
0x340: {  	v9 =	vor.u32 v9, v6;
	[tilespmem:s7+$0xE0] =	vst v19;
	v19 =	vld [tilespmem:$0x1FF70]  }
0x341: {  	v22 =	vld [tilespmem:$0x1FF40]  }
0x342: {  	v12 =	vld.idx.msk [tilespmem:v12+s17+$0x0], $0xffff  }
0x343: {  	v24 =	vor.u32 v24, v0;
	[tilespmem:s1+$0x390] =	vst v14;
	v15 =	vld.idx.msk [tilespmem:v15+s17+$0x0], $0xffff  }
0x344: {  	[tilespmem:s1+$0xA0] =	vst v16;
	v16 =	vld.idx.msk [tilespmem:v25+s17+$0x0], $0xffff  }
0x345: {  	v26 =	vor.u32 v26, v6;
	[tilespmem:s7+$0x30] =	vst v11;
	v9 =	vld.idx.msk [tilespmem:v9+s17+$0x0], $0xffff  }
0x346: {  	v14 =	vor.u32 v61, v6;
	[tilespmem:s1+$0x110] =	vst v10;
	v10 =	vld.idx.msk [tilespmem:v18+s17+$0x0], $0xffff  }
0x347: {  	v25 =	vor.u32 v46, v6;
	[tilespmem:s1+$0x320] =	vst v12;
	v12 =	vld [tilespmem:$0x1FFD0]  }
0x348: {  	v23 =	vor.u32 v23, v6;
	v11 =	vld.idx.msk [tilespmem:v24+s17+$0x0], $0xffff  }
0x349: {  	v18 =	vor.u32 v32, v0;
	[tilespmem:s7+$0xF0] =	vst v15;
	v15 =	vld.idx.msk [tilespmem:v21+s17+$0x0], $0xffff  }
0x34a: {  	v13 =	vor.u32 v13, v6;
	v21 =	vld.idx.msk [tilespmem:v26+s17+$0x0], $0xffff  }
0x34b: {  	v14 =	vld.idx.msk [tilespmem:v14+s17+$0x0], $0xffff;
	[tilespmem:s1+$0x3A0] =	vst v16  }
0x34c: {  	[tilespmem:s1+$0x210] =	vst v9;
	v9 =	vld.idx.msk [tilespmem:v25+s17+$0x0], $0xffff  }
0x34d: {  	v16 =	vld.idx.msk [tilespmem:v23+s17+$0x0], $0xffff;
	[tilespmem:s7+$0x40] =	vst v10  }
0x34e: {  	v23 =	vor.u32 v63, v6;
	v18 =	vld.idx.msk [tilespmem:v18+s17+$0x0], $0xffff;
	[tilespmem:s7+$0x170] =	vst v11  }
0x34f: {  	v11 =	vld.idx.msk [tilespmem:v13+s17+$0x0], $0xffff  }
0x350: {  	v22 =	vor.u32 v22, v6;
	[tilespmem:s1+$0x190] =	vst v15;
	v13 =	vld [tilespmem:$0x1FF00]  }
0x351: {  	v10 =	vor.u32 v45, v6;
	[tilespmem:s1+$0x3B0] =	vst v9;
	v9 =	vld [tilespmem:$0x1FED0]  }
0x352: {  	v17 =	vor.u32 v17, v6;
	[tilespmem:s1+$0x330] =	vst v14;
	v15 =	vld [tilespmem:$0x1FFF0]  }
0x353: {  	v12 =	vor.u32 v12, v6;
	[tilespmem:s1+$0x2B0] =	vst v21;
	v14 =	vld.idx.msk [tilespmem:v23+s17+$0x0], $0xffff  }
0x354: {  	v21 =	vor.u32 v62, v6;
	v8 =	vld.idx.msk [tilespmem:v8+s17+$0x0], $0xffff;
	[tilespmem:s1+$0x220] =	vst v16  }
0x355: {  	v16 =	vld.idx.msk [tilespmem:v22+s17+$0x0], $0xffff;
	v13 =	vor.u32 v13, v0  }
0x356: {  	v10 =	vld.idx.msk [tilespmem:v10+s17+$0x0], $0xffff;
	v9 =	vor.u32 v9, v0;
	[tilespmem:s1+$0x120] =	vst v11  }
0x357: {  	v11 =	vor.u32 v47, v6;
	v17 =	vld.idx.msk [tilespmem:v17+s17+$0x0], $0xffff  }
0x358: {  	v12 =	vld.idx.msk [tilespmem:v12+s17+$0x0], $0xffff;
	[tilespmem:s1+$0x340] =	vst v14  }
0x359: {  	[tilespmem:s7+$0x50] =	vst v18;
	v14 =	vld.idx.msk [tilespmem:v21+s17+$0x0], $0xffff  }
0x35a: {  	v4 =	vor.u32 v55, v6;
	v15 =	vor.u32 v15, v6;
	[tilespmem:s1+$0x1A0] =	vst v8;
	v13 =	vld.idx.msk [tilespmem:v13+s17+$0x0], $0xffff  }
0x35b: {  	v5 =	vor.u32 v38, v6;
	v20 =	vor.u32 v20, v6;
	[tilespmem:s1+$0x3C0] =	vst v10;
	v9 =	vld.idx.msk [tilespmem:v9+s17+$0x0], $0xffff  }
0x35c: {  	v2 =	vor.u32 v59, v6;
	v10 =	vld.idx.msk [tilespmem:v11+s17+$0x0], $0xffff;
	v11 =	vor.u32 v60, v0;
	[tilespmem:s1+$0x130] =	vst v17  }
0x35d: {  	v19 =	vor.u32 v19, v6;
	v8 =	vor.u32 v34, v0;
	[tilespmem:s1+$0x230] =	vst v16;
	v0 =	vmov v6;
	v6 =	vld.idx.msk [tilespmem:v7+s17+$0x0], $0xffff  }
0x35e: {  	[tilespmem:s1+$0x2C0] =	vst v12;
	v7 =	vld [tilespmem:$0x1FFE0]  }
0x35f: {  	[tilespmem:s7+$0x360] =	vst v1;
	v12 =	vld.idx.msk [tilespmem:v15+s17+$0x0], $0xffff  }
0x360: {  	v15 =	vld.idx.msk [tilespmem:v20+s17+$0x0], $0xffff;
	v16 =	vor.u32 v57, v0;
	[tilespmem:s1+$0x350] =	vst v14  }
0x361: {  	v17 =	vor.u32 v37, v0;
	[tilespmem:s7+$0x1F0] =	vst v9;
	v14 =	vld.idx.msk [tilespmem:v11+s17+$0x0], $0xffff  }
0x362: {  	v9 =	vld.idx.msk [tilespmem:v19+s17+$0x0], $0xffff;
	v19 =	vor.u32 v43, v0  }
0x363: {  	[tilespmem:s7+$0x60] =	vst v13;
	v11 =	vld.idx.msk [tilespmem:v5+s17+$0x0], $0xffff;
	v7 =	vor.u32 v7, v0  }
0x364: {  	p0 =	slt.u32 s6, $0x38;
	[tilespmem:s1+$0x2D0] =	vst v12;
	v18 =	vld.idx.msk [tilespmem:v8+s17+$0x0], $0xffff  }
.Ltmp3:
0x365: {  	[tilespmem:s1+$0x3D0] =	vst v10;
	v1 =	vld.idx.msk [tilespmem:v16+s17+$0x0], $0xffff;
	(pc) =	sbr.rel @p0 .LBB2_9-.Ltmp3, $4  }
0x366: {  	[tilespmem:s1+$0x240] =	vst v15;
	v8 =	vld.idx.msk [tilespmem:v17+s17+$0x0], $0xffff  }
0x367: {  	v26 =	vmov v31;
	v25 =	vmov v30;
	v12 =	vor.u32 v48, v0;
	[tilespmem:s7+$0x370] =	vst v14;
	v5 =	vld.idx.msk [tilespmem:v19+s17+$0x0], $0xffff  }
0x368: {  	v23 =	vmov v36;
	v13 =	vor.u32 v28, v0;
	v10 =	vor.u32 v50, v0;
	[tilespmem:s1+$0x1B0] =	vst v9;
	v7 =	vld.idx.msk [tilespmem:v7+s17+$0x0], $0xffff  }
0x369: {  	v21 =	vmovc v39;
	v17 =	vmov v29;
	[tilespmem:s7+$0x70] =	vst v18;
	v18 =	vmov v40;
	v9 =	vor.u32 v42, v0;
	s7 =	smov.u32 s1;
	v4 =	vld.idx.msk [tilespmem:v4+s17+$0x0], $0xffff  }
0x36a: {  	_ =	sdelay $0x3  }
0x36b: {  	v13 =	vld.idx.msk [tilespmem:v13+s17+$0x0], $0xffff  }
0x36c: {  	v14 =	vor.u32 v17, v0;
	_ =	sdelay $0x3  }
0x36d: {  	[tilespmem:s1+$0x10] =	vst v13  }
0x36e: {  	v13 =	vld.idx.msk [tilespmem:v14+s17+$0x0], $0xffff  }
0x36f: {  	v14 =	vor.u32 v25, v0;
	_ =	sdelay $0x3  }
0x370: {  	[tilespmem:s1+$0x20] =	vst v13  }
0x371: {  	v13 =	vld.idx.msk [tilespmem:v14+s17+$0x0], $0xffff  }
0x372: {  	[tilespmem:s1+$0xB0] =	vst v11;
	v14 =	vor.u32 v26, v0  }
0x373: {  	v3 =	vld.idx.msk [tilespmem:v3+s17+$0x0], $0xffff  }
0x374: {  	v11 =	vor.u32 v18, v0  }
0x375: {  	[tilespmem:s1+$0x140] =	vst v6  }
0x376: {  	v6 =	vor.u32 v56, v0;
	[tilespmem:s7+$0x30] =	vst v13  }
0x377: {  	[tilespmem:s1+$0x3E0] =	vst v8;
	v13 =	vld.idx.msk [tilespmem:v14+s17+$0x0], $0xffff  }
0x378: {  	v8 =	vor.u32 v32, v0;
	v12 =	vld.idx.msk [tilespmem:v12+s17+$0x0], $0xffff;
	[tilespmem:s1+$0xC0] =	vst v3  }
0x379: {  	[tilespmem:s1+$0x2E0] =	vst v7;
	v3 =	vld.idx.msk [tilespmem:v11+s17+$0x0], $0xffff  }
0x37a: {  	v7 =	vld.idx.msk [tilespmem:v10+s17+$0x0], $0xffff;
	[tilespmem:s1+$0x1C0] =	vst v4  }
0x37b: {  	[tilespmem:s1+$0x250] =	vst v5;
	v6 =	vld.idx.msk [tilespmem:v6+s17+$0x0], $0xffff  }
0x37c: {  	v9 =	vld.idx.msk [tilespmem:v9+s17+$0x0], $0xffff;
	[tilespmem:s7+$0x40] =	vst v13  }
0x37d: {  	[tilespmem:s1+$0x150] =	vst v12;
	v8 =	vld.idx.msk [tilespmem:v8+s17+$0x0], $0xffff  }
0x37e: {  	v19 =	vmov v27;
	v27 =	vld [tilespmem:$0x1FF00];
	[tilespmem:s7+$0xD0] =	vst v3  }
0x37f: {  	[tilespmem:s1+$0x3F0] =	vst v7  }
0x380: {  	v12 =	vld [tilespmem:$0x1FEB0];
	[tilespmem:s1+$0x1D0] =	vst v6  }
0x381: {  	v4 =	vor.u32 v41, v0;
	v15 =	vld [tilespmem:$0x1FEF0]  }
0x382: {  	v10 =	vor.u32 v49, v0;
	v14 =	vld [tilespmem:$0x1FEE0];
	[tilespmem:s1+$0x2F0] =	vst v9  }
0x383: {  	v5 =	vor.u32 v58, v0;
	[tilespmem:s7+$0x50] =	vst v8  }
0x384: {  	v11 =	vor.u32 v27, v0;
	v13 =	vld [tilespmem:$0x1FED0]  }
0x385: {  	v2 =	vld.idx.msk [tilespmem:v2+s17+$0x0], $0xffff  }
0x386: {  	v4 =	vld.idx.msk [tilespmem:v4+s17+$0x0], $0xffff;
	v3 =	vor.u32 v12, v0  }
0x387: {  	v7 =	vld.idx.msk [tilespmem:v10+s17+$0x0], $0xffff;
	v6 =	vor.u32 v15, v0  }
0x388: {  	v5 =	vld.idx.msk [tilespmem:v5+s17+$0x0], $0xffff;
	v10 =	vor.u32 v14, v0  }
0x389: {  	v9 =	vld.idx.msk [tilespmem:v11+s17+$0x0], $0xffff;
	v8 =	vor.u32 v13, v0  }
0x38a: {  	[tilespmem:s1+$0x260] =	vst v2;
	v2 =	vor.u32 v34, v0  }
0x38b: {  	[tilespmem:s7+$0xE0] =	vst v4;
	v3 =	vld.idx.msk [tilespmem:v3+s17+$0x0], $0xffff;
	v0 =	vor.u32 v60, v0  }
0x38c: {  	[tilespmem:s7+$0x160] =	vst v7;
	v4 =	vld.idx.msk [tilespmem:v6+s17+$0x0], $0xffff  }
0x38d: {  	[tilespmem:s7+$0x1E0] =	vst v5;
	v5 =	vld.idx.msk [tilespmem:v10+s17+$0x0], $0xffff  }
0x38e: {  	[tilespmem:s7+$0x60] =	vst v9;
	v6 =	vld.idx.msk [tilespmem:v8+s17+$0x0], $0xffff  }
0x38f: {  	[tilespmem:s7+$0x360] =	vst v1;
	v2 =	vld.idx.msk [tilespmem:v2+s17+$0x0], $0xffff  }
0x390: {  	[tilespmem:s7+$0x270] =	vst v3;
	v0 =	vld.idx.msk [tilespmem:v0+s17+$0x0], $0xffff  }
0x391: {  	[tilespmem:s7+$0xF0] =	vst v4  }
0x392: {  	[tilespmem:s7+$0x170] =	vst v5  }
0x393: {  	[tilespmem:s7+$0x1F0] =	vst v6  }
0x394: {  	[tilespmem:s7+$0x70] =	vst v2  }
0x395: {  	[tilespmem:s7+$0x370] =	vst v0  }
0x396: {  	v37 =	vld [tilespmem:$0x1FFC0]  }
0x397: {  	v6 =	vld [tilespmem:$0x1FE70]  }
0x398: {  	v15 =	vld [tilespmem:$0x1FF80]  }
0x399: {  	v45 =	vld [tilespmem:$0x1FFA0]  }
0x39a: {  	v44 =	vld [tilespmem:$0x1FF90]  }
0x39b: {  	v46 =	vld [tilespmem:$0x1FFB0]  }
0x39c: {  	v11 =	vld [tilespmem:$0x1FE90]  }
0x39d: {  	v49 =	vld [tilespmem:$0x1FF50]  }
0x39e: {  	v51 =	vld [tilespmem:$0x1FF60]  }
0x39f: {  	v52 =	vld [tilespmem:$0x1FF70]  }
0x3a0: {  	v10 =	vld [tilespmem:$0x1FE80]  }
0x3a1: {  	v14 =	vld [tilespmem:$0x1FEC0]  }
0x3a2: {  	v20 =	vmov v35;
	v35 =	vld [tilespmem:$0x1FF20]  }
0x3a3: {  	v39 =	vld [tilespmem:$0x1FF40]  }
0x3a4: {  	s6 =	simm.s32 @!p1 $0x8400;
	s30 =	sadd.s32 $0x1, s30;
	s1 =	sadd.s32 @!p1 $0x280, s4;
	v36 =	vld [tilespmem:$0x1FF30]  }
0x3a5: {  	p0 =	sne.s32 s30, $0x32;
	s4 =	simm.s32 @!p1 $0x80;
	s1 =	sand.u32 @!p1 $0xFE80, s1;
	v3 =	vld [tilespmem:$0x1FE50]  }
0x3a6: {  	[tilespmem:s6], [sflag:$0x2] =	stream.indirect.gather @!p1 [spmem:s2], $0x40, s1, s4, $0xb8;
	v9 =	vld [tilespmem:$0x1FE60]  }
.Ltmp4:
0x3a7: {  	s31 =	sshll.u32 s3, $0x12;
	v12 =	vld [tilespmem:$0x1FEA0];
	(pc) =	sbr.rel @p0 .LBB2_2-.Ltmp4, $4  }
0x3a8: {  	s1 =	sor.u32 s5, s31;
	v27 =	vld [tilespmem:$0x1FF10]  }
0x3a9: {  	v60 =	vld [tilespmem:$0x1FFD0];
	s1 =	sshrl.u32 s1, $0x3  }
0x3aa: {  	v40 =	vld [tilespmem:$0x1FFF0];
	s1 =	sadd.s32 s0, s1  }
0x3ab: {  	v24 =	vmov v32;
	v22 =	vmov v34;
	v16 =	vmov v28;
	v50 =	vld [tilespmem:$0x1FFE0];
	[hbm4b:s1+s13] =	stream.strided.scatter [tilespmem:s23], [sflag:$0x6], $0x2000, s14, s13, $0x38  }
0x3ac: {  	_ =	swait.ge [sflag:s24], $0x2000  }
0x3ad: {  	[sflag:s24] =	ssyncset.done $0x0  }
0x3ae: {  	[sflag:s24] =	ssyncadd.s32 $0xFFFFE000  }
0x3af: {  	_ =	swait.ge [sflag:s25], $0x2000  }
0x3b0: {  	[sflag:s25] =	ssyncset.done $0x0  }
0x3b1: {  	[sflag:s25] =	ssyncadd.s32 $0xFFFFE000  }
0x3b2: {  	_ =	swait.ge [sflag:s26], $0x2000  }
0x3b3: {  	[sflag:s26] =	ssyncset.done $0x0  }
0x3b4: {  	[sflag:s26] =	ssyncadd.s32 $0xFFFFE000  }
0x3b5: {  	_ =	swait.ge [sflag:s28], $0x2000  }
0x3b6: {  	s29 =	sadd.s32 $0x1, s29;
	s1 =	rddreg [dreg:$0x8]  }
0x3b7: {  	p0 =	sne.s32 s29, s1  }
.Ltmp5:
0x3b8: {  	_ = 	snop;
	(pc) =	sbr.rel @p0 .LBB2_1-.Ltmp5, $3  }
0x3b9: {  	_ =	sdelay $0x1  }
0x3ba: {  	[sflag:s28] =	ssyncset.done $0x0  }
0x3bb: {  	[sflag:s28] =	ssyncadd.s32 $0xFFFFE000  }
0x3bc: {  	_ =	sfence.sel $0x180000  }
0x3bd: {  	[bflag:$0x0] =	sbarrier.arrive $0xFFFF  }
0x3be: {  	_ =	strace $0x90000047  }
0x3bf: {  	s0 =	stileid.u32;
	[bflag:$0x2] =	sbarrier.arrive $0xFFFF  }
0x3c0: {  	p0 =	sne.s32 s0, $0x0;
	s0 =	rddreg [dreg:$0x4]  }
0x3c1: {  	s0 =	sadd.s32 @!p0 $0x100000, s0  }
0x3c2: {  	[sflag:s0] =	ssyncadd.tile.s32 @!p0 $0x1;
	_ =	shalt  }
.Lfunc_end2:
_tile_overlayer_lowered:
.L_overlay_start_2:
0x3c3: {  	(tag) =	ssettag $0x2  }
0x3c4: {  	s0 =	rddreg [dreg:$0x0];
	s2 =	stileid.u32  }
0x3c5: {  	s1 =	rddreg [dreg:$0x1];
	p0 =	sne.s32 s2, $0x0  }
0x3c6: {  	s3 =	rddreg [dreg:$0x2];
	[bflag:$0x3] =	sbarrier.arrive $0xFFFF;
	s2 =	simm.s32 @!p0 $0x1C07  }
0x3c7: {  	[timem:s3], [sflag:s2] =	dma.local @!p0 [hbm:s0], s1  }
0x3c8: {  	s0 =	simm.s32 @!p0 $0x7  }
0x3c9: {  	_ =	swait.ge @!p0 [sflag:s0], s1  }
0x3ca: {  	s1 =	ssub.s32 @!p0 $0x0, s1;
	[sflag:s0] =	ssyncset.done @!p0 $0x0  }
0x3cb: {  	[sflag:s0] =	ssyncadd.s32 @!p0 s1  }
0x3cc: {  	[bflag:$0x3] =	sbarrier.arrive $0xFFFF  }
0x3cd: {  	_ =	shalt  }

</sc_bundles>
